<compile_context>
chip_gen: v7x
topology: tpu7x:2x2x1
jax: 0.10.2.dev20260603
libtpu: 0.0.44.dev20260713+nightly
codegen_flags: <defaults>
</compile_context>

<pallas_src>
import functools

import jax
import jax.numpy as jnp
from jax import lax
from jax.experimental import pallas as pl
from jax.experimental.pallas import tpu as pltpu
from jax.experimental.pallas import tpu_sc as plsc

B = 4
C = 192
HW = 384 * 384
CHW = C * HW
NUM_P = 256
ELEMS = B * NUM_P * C

_info = plsc.get_sparse_core_info()
NC, NS, L = _info.num_cores, _info.num_subcores, _info.num_lanes
NW = NC * NS
ELEMS_PER_W = ELEMS // NW
IDX_MINOR = 128
C8_PER_W = 3
TILES_PER_B = 8


@functools.partial(
    pl.kernel,
    out_type=jax.ShapeDtypeStruct((ELEMS,), jnp.float32),
    mesh=plsc.VectorSubcoreMesh(core_axis_name="c", subcore_axis_name="s"),
    scratch_types=[
        pltpu.VMEM((NUM_P,), jnp.int32),
        pltpu.VMEM((ELEMS_PER_W,), jnp.int32),
        pltpu.VMEM((ELEMS_PER_W,), jnp.float32),
        pltpu.VMEM((2 * IDX_MINOR,), jnp.float32),
        pltpu.VMEM((TILES_PER_B * 2 * IDX_MINOR,), jnp.float32),
        pltpu.VMEM_SHARED((NS * 2 * IDX_MINOR,), jnp.float32),
        pltpu.SemaphoreType.DMA,
        pltpu.SemaphoreType.DMA,
        pltpu.SemaphoreType.DMA,
    ],
)
def _sc_gather(
    feats_hbm, pids_hbm, out_hbm,
    fpid_v, idx_v, rows_v, partial_v, group_v, shared_sq, sem0, sem1, sem2,
):
    sems = (sem0, sem1, sem2)
    s = lax.axis_index("s")
    t = lax.axis_index("c") * NS + s
    b = lax.shift_right_logical(t, 3)
    for p128 in range(NUM_P // IDX_MINOR):
        pltpu.async_copy(
            pids_hbm.at[pl.ds((p128 * B + b) * IDX_MINOR, IDX_MINOR)],
            fpid_v.at[pl.ds(p128 * IDX_MINOR, IDX_MINOR)],
            sems[p128],
        )
    for p128 in range(NUM_P // IDX_MINOR):
        pltpu.make_async_copy(
            pids_hbm.at[pl.ds(p128 * IDX_MINOR, IDX_MINOR)],
            fpid_v.at[pl.ds(p128 * IDX_MINOR, IDX_MINOR)],
            sems[p128],
        ).wait()

    def pid_fn(k, carry):
        p = fpid_v[pl.ds(k * L, L)]
        q = lax.shift_right_logical(p, 7)
        rem = lax.bitwise_and(p, 127)
        h = lax.shift_right_logical(q * 43691, 17)
        wq = q - 3 * h
        fpid_v[pl.ds(k * L, L)] = (
            lax.shift_right_logical(h, 3) * 3072
            + wq * 1024
            + lax.bitwise_and(h, 7) * 128
            + rem
        )
        return carry

    lax.fori_loop(0, NUM_P // L, pid_fn, 0)

    base_b = b * CHW

    def row_fn(j, carry):
        c8r = lax.shift_right_logical(j, 4)
        p128 = lax.bitwise_and(lax.shift_right_logical(j, 3), 1)
        cm8 = lax.bitwise_and(j, 7)
        c = ((lax.bitwise_and(t, 7) * C8_PER_W + c8r) * 8) + cm8
        base = base_b + c * HW
        for kk in range(IDX_MINOR // L):
            idx_v[pl.ds(j * IDX_MINOR + kk * L, L)] = (
                fpid_v[pl.ds(p128 * IDX_MINOR + kk * L, L)] + base
            )
        return carry

    SUB = ELEMS_PER_W // C8_PER_W
    for c8r in range(C8_PER_W):
        lax.fori_loop(c8r * 16, (c8r + 1) * 16, row_fn, 0)
        pltpu.async_copy(
            feats_hbm.at[idx_v.at[pl.ds(c8r * SUB, SUB)]],
            rows_v.at[pl.ds(c8r * SUB, SUB)],
            sems[c8r],
        )

    NK = IDX_MINOR // L
    zeros = jnp.zeros((L,), jnp.float32)
    accs = tuple([zeros] * (2 * NK))
    for c8r in range(C8_PER_W):
        pltpu.make_async_copy(
            out_hbm.at[pl.ds(pl.multiple_of(t * ELEMS_PER_W + c8r * SUB, SUB), SUB)],
            rows_v.at[pl.ds(c8r * SUB, SUB)],
            sems[c8r],
        ).wait()

        def sq_fn(i, a, _c8r=c8r):
            j0 = _c8r * 16 + i
            new = []
            for p128 in range(2):
                base = (j0 + p128 * 8) * IDX_MINOR
                for kk in range(NK):
                    v = rows_v[pl.ds(base + kk * L, L)]
                    new.append(a[p128 * NK + kk] + v * v)
            return tuple(new)

        accs = lax.fori_loop(0, 8, sq_fn, accs)
    for q in range(2 * NK):
        partial_v[pl.ds(q * L, L)] = accs[q]

    pltpu.sync_copy(
        partial_v,
        shared_sq.at[pl.ds(pl.multiple_of(s * 2 * IDX_MINOR, 256), 2 * IDX_MINOR)],
    )
    plsc.subcore_barrier()
    g = lax.bitwise_and(s, 8) * 2 * IDX_MINOR
    pltpu.sync_copy(
        shared_sq.at[pl.ds(pl.multiple_of(g, 2048), TILES_PER_B * 2 * IDX_MINOR)],
        group_v,
    )

    invs = []
    for q in range(2 * NK):
        acc = group_v[pl.ds(q * L, L)]
        for i in range(1, TILES_PER_B):
            acc = acc + group_v[pl.ds(i * 2 * IDX_MINOR + q * L, L)]
        r = lax.bitcast_convert_type(
            0x5F3759DF
            - lax.shift_right_logical(lax.bitcast_convert_type(acc, jnp.int32), 1),
            jnp.float32,
        )
        half = acc * 0.5
        r = r * (1.5 - half * r * r)
        r = r * (1.5 - half * r * r)
        r = r * (1.5 - half * r * r)
        norm = acc * r
        invs.append(1.0 / (norm + 1e-7))

    def mul_fn(i, carry):
        j0 = lax.shift_right_logical(i, 3) * 16 + lax.bitwise_and(i, 7)
        for p128 in range(2):
            base = (j0 + p128 * 8) * IDX_MINOR
            for kk in range(NK):
                rows_v[pl.ds(base + kk * L, L)] = (
                    rows_v[pl.ds(base + kk * L, L)] * invs[p128 * NK + kk]
                )
        return carry

    lax.fori_loop(0, 24, mul_fn, 0)
    pltpu.sync_copy(
        rows_v,
        out_hbm.at[pl.ds(pl.multiple_of(t * ELEMS_PER_W, ELEMS_PER_W), ELEMS_PER_W)],
    )


def kernel(feats, num_patches, patch_ids):
    del num_patches
    feats_flat = (
        feats.reshape(B, C, 48, 8, 3, 128)
        .transpose(0, 1, 2, 4, 3, 5)
        .reshape(-1)
    )
    pids_flat = (
        patch_ids.reshape(B, NUM_P // 128, 128)
        .transpose(1, 0, 2)
        .reshape(-1)
    )
    normed = _sc_gather(feats_flat, pids_flat)
    out = (
        normed.reshape(B, C // 8, NUM_P // 128, 8, 128)
        .transpose(0, 2, 4, 1, 3)
        .reshape(B, NUM_P, C)
    )
    return out, patch_ids

# --- scband reference (transcript-rebuilt; emitter-appended) ---
"""Pipeline reference for scband-patch-sample-f-16552803959187 (READ-ONLY COPY).

The authoritative reference and input builder live on the scoring server;
editing this copy changes nothing except your own understanding.
"""

import jax, jax.numpy as jnp
import numpy as np


def _l2norm(x, power=2, eps=1e-7):
    # CUT Normalize(2): norm = x.pow(2).sum(1, keepdim=True).pow(1/2); out = x / (norm + 1e-7)
    norm = jnp.power(jnp.sum(jnp.power(x, power), axis=1, keepdims=True), 1.0 / power)
    return x / (norm + eps)


def setup_inputs(seed: int = 0) -> dict:
    key = jax.random.key(seed)
    k1, k2 = jax.random.split(key)
    feats = jax.random.normal(k1, (4, 192, 384, 384), dtype=jnp.float32)
    patch_ids = jax.random.randint(k2, (4, 256), 0, 384 * 384, dtype=jnp.int32)
    num_patches = 256
    return {"feats": feats, "num_patches": num_patches, "patch_ids": patch_ids}


def reference(feats, num_patches, patch_ids):
    # use_mlp=False, so forward is: per-feat reshape -> gather patch ids -> l2 normalize
    return_feats = []
    return_ids = []
    n_feats = feats.shape[0]
    for feat_id in range(n_feats):
        feat = feats[feat_id][None]  # unsqueeze(0): [1, C, H, W]
        B, C, H, W = feat.shape
        feat_reshape = jnp.transpose(feat, (0, 2, 3, 1)).reshape(B, H * W, C)
        patch_id = patch_ids[feat_id] + 0 * num_patches
        x_sample = feat_reshape[:, patch_id, :].reshape(-1, C)
        x_sample = _l2norm(x_sample)
        return_ids.append(patch_id)
        return_feats.append(x_sample)
    return (jnp.stack(return_feats), jnp.stack(return_ids))

if __name__ == "__main__":
    import jax
    _d = setup_inputs()
    print(jax.jit(kernel)(*tuple(_d.values())))

</pallas_src>

<mosaic_0001>
#map = affine_map<(d0, d1) -> (0)>
module attributes {stable_mosaic.version = 14 : i64} {
  func.func @_sc_gather(%arg0: i32, %arg1: i32, %arg2: memref<113246208xf32, #tpu.memory_space<hbm>>, %arg3: memref<1024xi32, #tpu.memory_space<hbm>>, %arg4: memref<196608xf32, #tpu.memory_space<hbm>>, %arg5: memref<256xi32, #tpu.memory_space<vmem>>, %arg6: memref<6144xi32, #tpu.memory_space<vmem>>, %arg7: memref<6144xf32, #tpu.memory_space<vmem>>, %arg8: memref<256xf32, #tpu.memory_space<vmem>>, %arg9: memref<2048xf32, #tpu.memory_space<vmem>>, %arg10: memref<4096xf32, #tpu.memory_space<vmem_shared>>, %arg11: memref<!tpu.dma_semaphore, #tpu.memory_space<semaphore_mem>>, %arg12: memref<!tpu.dma_semaphore, #tpu.memory_space<semaphore_mem>>, %arg13: memref<!tpu.dma_semaphore, #tpu.memory_space<semaphore_mem>>) attributes {dimension_semantics = [#tpu.dimension_semantics<core_parallel>, #tpu.dimension_semantics<subcore_parallel>], iteration_bounds = array<i64: 2, 16>, scalar_prefetch = 0 : i64, scratch_operands = 9 : i64, tpu.core_type = #tpu.core_type<sc_vector_subcore>, window_params = [{transform_indices = #map}, {transform_indices = #map}, {transform_indices = #map}]} {
    %mul3A = arith.constant 16 : i32
    %mul3A_0 = arith.muli %arg0, %mul3A : i32
    %add3A = arith.addi %mul3A_0, %arg1 : i32
    %shift_right_logical3A = arith.constant 3 : i32
    %shift_right_logical3A_1 = arith.shrui %add3A, %shift_right_logical3A : i32
    %add3A_2 = arith.constant 0 : i32
    %add3A_3 = arith.addi %add3A_2, %shift_right_logical3A_1 : i32
    %mul3A_4 = arith.constant 128 : i32
    %mul3A_5 = arith.muli %add3A_3, %mul3A_4 : i32
    %dma_start3A = arith.constant 0 : i32
    %dma_start3A_6 = tpu.memref_slice %arg5[%dma_start3A] : memref<256xi32, #tpu.memory_space<vmem>> -> memref<128xi32, #tpu.memory_space<vmem>>
    %dma_start3A_7 = tpu.memref_slice %arg3[%mul3A_5] : memref<1024xi32, #tpu.memory_space<hbm>> -> memref<128xi32, #tpu.memory_space<hbm>>
    %dma_start3A_8 = arith.constant 0 : i32
    %dma_start3A_9 = tpu.memref_slice %arg5[%dma_start3A_8] : memref<256xi32, #tpu.memory_space<vmem>> -> memref<128xi32, #tpu.memory_space<vmem>>
    %dma_start3A_10 = tpu.memref_slice %arg3[%mul3A_5] : memref<1024xi32, #tpu.memory_space<hbm>> -> memref<128xi32, #tpu.memory_space<hbm>>
    tpu.enqueue_dma source(%dma_start3A_10 : memref<128xi32, #tpu.memory_space<hbm>>) target(%dma_start3A_9 : memref<128xi32, #tpu.memory_space<vmem>>) target_semaphore(%arg11 : memref<!tpu.dma_semaphore, #tpu.memory_space<semaphore_mem>>)
    %add3A_11 = arith.constant 4 : i32
    %add3A_12 = arith.addi %add3A_11, %shift_right_logical3A_1 : i32
    %mul3A_13 = arith.constant 128 : i32
    %mul3A_14 = arith.muli %add3A_12, %mul3A_13 : i32
    %dma_start3A_15 = arith.constant 128 : i32
    %dma_start3A_16 = tpu.memref_slice %arg5[%dma_start3A_15] : memref<256xi32, #tpu.memory_space<vmem>> -> memref<128xi32, #tpu.memory_space<vmem>>
    %dma_start3A_17 = tpu.memref_slice %arg3[%mul3A_14] : memref<1024xi32, #tpu.memory_space<hbm>> -> memref<128xi32, #tpu.memory_space<hbm>>
    %dma_start3A_18 = arith.constant 128 : i32
    %dma_start3A_19 = tpu.memref_slice %arg5[%dma_start3A_18] : memref<256xi32, #tpu.memory_space<vmem>> -> memref<128xi32, #tpu.memory_space<vmem>>
    %dma_start3A_20 = tpu.memref_slice %arg3[%mul3A_14] : memref<1024xi32, #tpu.memory_space<hbm>> -> memref<128xi32, #tpu.memory_space<hbm>>
    tpu.enqueue_dma source(%dma_start3A_20 : memref<128xi32, #tpu.memory_space<hbm>>) target(%dma_start3A_19 : memref<128xi32, #tpu.memory_space<vmem>>) target_semaphore(%arg12 : memref<!tpu.dma_semaphore, #tpu.memory_space<semaphore_mem>>)
    %dma_wait3A = arith.constant 0 : i32
    %dma_wait3A_21 = tpu.memref_slice %arg5[%dma_wait3A] : memref<256xi32, #tpu.memory_space<vmem>> -> memref<128xi32, #tpu.memory_space<vmem>>
    %dma_wait3A_22 = arith.constant 0 : i32
    %dma_wait3A_23 = tpu.memref_slice %arg3[%dma_wait3A_22] : memref<1024xi32, #tpu.memory_space<hbm>> -> memref<128xi32, #tpu.memory_space<hbm>>
    %dma_wait3A_24 = arith.constant 0 : i32
    %dma_wait3A_25 = tpu.memref_slice %arg5[%dma_wait3A_24] : memref<256xi32, #tpu.memory_space<vmem>> -> memref<128xi32, #tpu.memory_space<vmem>>
    %dma_wait3A_26 = arith.constant 0 : i32
    %dma_wait3A_27 = tpu.memref_slice %arg3[%dma_wait3A_26] : memref<1024xi32, #tpu.memory_space<hbm>> -> memref<128xi32, #tpu.memory_space<hbm>>
    tpu.wait_dma2 semaphore(%arg11 : memref<!tpu.dma_semaphore, #tpu.memory_space<semaphore_mem>>) src(%dma_wait3A_27 : memref<128xi32, #tpu.memory_space<hbm>>) dst(%dma_wait3A_25 : memref<128xi32, #tpu.memory_space<vmem>>)
    %dma_wait3A_28 = arith.constant 128 : i32
    %dma_wait3A_29 = tpu.memref_slice %arg5[%dma_wait3A_28] : memref<256xi32, #tpu.memory_space<vmem>> -> memref<128xi32, #tpu.memory_space<vmem>>
    %dma_wait3A_30 = arith.constant 128 : i32
    %dma_wait3A_31 = tpu.memref_slice %arg3[%dma_wait3A_30] : memref<1024xi32, #tpu.memory_space<hbm>> -> memref<128xi32, #tpu.memory_space<hbm>>
    %dma_wait3A_32 = arith.constant 128 : i32
    %dma_wait3A_33 = tpu.memref_slice %arg5[%dma_wait3A_32] : memref<256xi32, #tpu.memory_space<vmem>> -> memref<128xi32, #tpu.memory_space<vmem>>
    %dma_wait3A_34 = arith.constant 128 : i32
    %dma_wait3A_35 = tpu.memref_slice %arg3[%dma_wait3A_34] : memref<1024xi32, #tpu.memory_space<hbm>> -> memref<128xi32, #tpu.memory_space<hbm>>
    tpu.wait_dma2 semaphore(%arg12 : memref<!tpu.dma_semaphore, #tpu.memory_space<semaphore_mem>>) src(%dma_wait3A_35 : memref<128xi32, #tpu.memory_space<hbm>>) dst(%dma_wait3A_33 : memref<128xi32, #tpu.memory_space<vmem>>)
    %scan3A = arith.constant 0 : i32
    %scan3A_36 = arith.constant 0 : i32
    %scan3A_37 = arith.constant 16 : i32
    %scan3A_38 = arith.addi %scan3A_36, %scan3A_37 : i32
    %scan3A_39 = arith.constant 1 : i32
    scf.for %scan3A_1281 = %scan3A_36 to %scan3A_38 step %scan3A_39  : i32 {
      %mul3A_1282 = arith.constant 16 : i32
      %mul3A_1283 = arith.muli %scan3A_1281, %mul3A_1282 : i32
      %get3A_1284 = arith.index_cast %mul3A_1283 : i32 to index
      %get3A_1285 = tpu.vector_load %arg5[%get3A_1284] {strides = array<i32>} : memref<256xi32, #tpu.memory_space<vmem>>, vector<16xi32>,
      %get3A_1286 = vector.shape_cast %get3A_1285 : vector<16xi32> to vector<16xi32>
      %shift_right_logical3A_1287 = arith.constant 7 : i32
      %shift_right_logical3A_1288 = vector.broadcast %shift_right_logical3A_1287 : i32 to vector<16xi32>
      %shift_right_logical3A_1289 = arith.shrui %get3A_1286, %shift_right_logical3A_1288 : vector<16xi32>
      %and3A_1290 = arith.constant 127 : i32
      %and3A_1291 = vector.broadcast %and3A_1290 : i32 to vector<16xi32>
      %and3A_1292 = arith.andi %get3A_1286, %and3A_1291 : vector<16xi32>
      %mul3A_1293 = arith.constant 43691 : i32
      %mul3A_1294 = vector.broadcast %mul3A_1293 : i32 to vector<16xi32>
      %mul3A_1295 = arith.muli %shift_right_logical3A_1289, %mul3A_1294 : vector<16xi32>
      %shift_right_logical3A_1296 = arith.constant 17 : i32
      %shift_right_logical3A_1297 = vector.broadcast %shift_right_logical3A_1296 : i32 to vector<16xi32>
      %shift_right_logical3A_1298 = arith.shrui %mul3A_1295, %shift_right_logical3A_1297 : vector<16xi32>
      %mul3A_1299 = arith.constant 3 : i32
      %mul3A_1300 = vector.broadcast %mul3A_1299 : i32 to vector<16xi32>
      %mul3A_1301 = arith.muli %mul3A_1300, %shift_right_logical3A_1298 : vector<16xi32>
      %sub3A_1302 = arith.subi %shift_right_logical3A_1289, %mul3A_1301 : vector<16xi32>
      %shift_right_logical3A_1303 = arith.constant 3 : i32
      %shift_right_logical3A_1304 = vector.broadcast %shift_right_logical3A_1303 : i32 to vector<16xi32>
      %shift_right_logical3A_1305 = arith.shrui %shift_right_logical3A_1298, %shift_right_logical3A_1304 : vector<16xi32>
      %mul3A_1306 = arith.constant 3072 : i32
      %mul3A_1307 = vector.broadcast %mul3A_1306 : i32 to vector<16xi32>
      %mul3A_1308 = arith.muli %shift_right_logical3A_1305, %mul3A_1307 : vector<16xi32>
      %mul3A_1309 = arith.constant 1024 : i32
      %mul3A_1310 = vector.broadcast %mul3A_1309 : i32 to vector<16xi32>
      %mul3A_1311 = arith.muli %sub3A_1302, %mul3A_1310 : vector<16xi32>
      %add3A_1312 = arith.addi %mul3A_1308, %mul3A_1311 : vector<16xi32>
      %and3A_1313 = arith.constant 7 : i32
      %and3A_1314 = vector.broadcast %and3A_1313 : i32 to vector<16xi32>
      %and3A_1315 = arith.andi %shift_right_logical3A_1298, %and3A_1314 : vector<16xi32>
      %mul3A_1316 = arith.constant 128 : i32
      %mul3A_1317 = vector.broadcast %mul3A_1316 : i32 to vector<16xi32>
      %mul3A_1318 = arith.muli %and3A_1315, %mul3A_1317 : vector<16xi32>
      %add3A_1319 = arith.addi %add3A_1312, %mul3A_1318 : vector<16xi32>
      %add3A_1320 = arith.addi %add3A_1319, %and3A_1292 : vector<16xi32>
      %mul3A_1321 = arith.constant 16 : i32
      %mul3A_1322 = arith.muli %scan3A_1281, %mul3A_1321 : i32
      %swap3A_1323 = arith.index_cast %mul3A_1322 : i32 to index
      %swap3A_1324 = tpu.vector_load %arg5[%swap3A_1323] {strides = array<i32>} : memref<256xi32, #tpu.memory_space<vmem>>, vector<16xi32>,
      %swap3A_1325 = vector.shape_cast %swap3A_1324 : vector<16xi32> to vector<16xi32>
      %swap3A_1326 = vector.shape_cast %add3A_1320 : vector<16xi32> to vector<16xi32>
      tpu.vector_store %arg5[%swap3A_1323], %swap3A_1326 {strides = array<i32>} : memref<256xi32, #tpu.memory_space<vmem>>, vector<16xi32>,
    }
    %scan3A_40 = arith.constant 16 : i32
    %mul3A_41 = arith.constant 28311552 : i32
    %mul3A_42 = arith.muli %shift_right_logical3A_1, %mul3A_41 : i32
    %scan3A_43 = arith.constant 0 : i32
    %scan3A_44 = arith.constant 0 : i32
    %scan3A_45 = arith.constant 16 : i32
    %scan3A_46 = arith.addi %scan3A_44, %scan3A_45 : i32
    %scan3A_47 = arith.constant 1 : i32
    scf.for %scan3A_1281 = %scan3A_44 to %scan3A_46 step %scan3A_47  : i32 {
      %shift_right_logical3A_1282 = arith.constant 4 : i32
      %shift_right_logical3A_1283 = arith.shrui %scan3A_1281, %shift_right_logical3A_1282 : i32
      %shift_right_logical3A_1284 = arith.constant 3 : i32
      %shift_right_logical3A_1285 = arith.shrui %scan3A_1281, %shift_right_logical3A_1284 : i32
      %and3A_1286 = arith.constant 1 : i32
      %and3A_1287 = arith.andi %shift_right_logical3A_1285, %and3A_1286 : i32
      %and3A_1288 = arith.constant 7 : i32
      %and3A_1289 = arith.andi %scan3A_1281, %and3A_1288 : i32
      %and3A_1290 = arith.constant 7 : i32
      %and3A_1291 = arith.andi %add3A, %and3A_1290 : i32
      %mul3A_1292 = arith.constant 3 : i32
      %mul3A_1293 = arith.muli %and3A_1291, %mul3A_1292 : i32
      %add3A_1294 = arith.addi %mul3A_1293, %shift_right_logical3A_1283 : i32
      %mul3A_1295 = arith.constant 8 : i32
      %mul3A_1296 = arith.muli %add3A_1294, %mul3A_1295 : i32
      %add3A_1297 = arith.addi %mul3A_1296, %and3A_1289 : i32
      %mul3A_1298 = arith.constant 147456 : i32
      %mul3A_1299 = arith.muli %add3A_1297, %mul3A_1298 : i32
      %add3A_1300 = arith.addi %mul3A_42, %mul3A_1299 : i32
      %mul3A_1301 = arith.constant 128 : i32
      %mul3A_1302 = arith.muli %and3A_1287, %mul3A_1301 : i32
      %add3A_1303 = arith.constant 0 : i32
      %add3A_1304 = arith.addi %mul3A_1302, %add3A_1303 : i32
      %get3A_1305 = arith.index_cast %add3A_1304 : i32 to index
      %get3A_1306 = tpu.vector_load %arg5[%get3A_1305] {strides = array<i32>} : memref<256xi32, #tpu.memory_space<vmem>>, vector<16xi32>,
      %get3A_1307 = vector.shape_cast %get3A_1306 : vector<16xi32> to vector<16xi32>
      %add3A_1308 = vector.broadcast %add3A_1300 : i32 to vector<16xi32>
      %add3A_1309 = arith.addi %get3A_1307, %add3A_1308 : vector<16xi32>
      %mul3A_1310 = arith.constant 128 : i32
      %mul3A_1311 = arith.muli %scan3A_1281, %mul3A_1310 : i32
      %add3A_1312 = arith.constant 0 : i32
      %add3A_1313 = arith.addi %mul3A_1311, %add3A_1312 : i32
      %swap3A_1314 = arith.index_cast %add3A_1313 : i32 to index
      %swap3A_1315 = tpu.vector_load %arg6[%swap3A_1314] {strides = array<i32>} : memref<6144xi32, #tpu.memory_space<vmem>>, vector<16xi32>,
      %swap3A_1316 = vector.shape_cast %swap3A_1315 : vector<16xi32> to vector<16xi32>
      %swap3A_1317 = vector.shape_cast %add3A_1309 : vector<16xi32> to vector<16xi32>
      tpu.vector_store %arg6[%swap3A_1314], %swap3A_1317 {strides = array<i32>} : memref<6144xi32, #tpu.memory_space<vmem>>, vector<16xi32>,
      %mul3A_1318 = arith.constant 128 : i32
      %mul3A_1319 = arith.muli %and3A_1287, %mul3A_1318 : i32
      %add3A_1320 = arith.constant 16 : i32
      %add3A_1321 = arith.addi %mul3A_1319, %add3A_1320 : i32
      %get3A_1322 = arith.index_cast %add3A_1321 : i32 to index
      %get3A_1323 = tpu.vector_load %arg5[%get3A_1322] {strides = array<i32>} : memref<256xi32, #tpu.memory_space<vmem>>, vector<16xi32>,
      %get3A_1324 = vector.shape_cast %get3A_1323 : vector<16xi32> to vector<16xi32>
      %add3A_1325 = vector.broadcast %add3A_1300 : i32 to vector<16xi32>
      %add3A_1326 = arith.addi %get3A_1324, %add3A_1325 : vector<16xi32>
      %mul3A_1327 = arith.constant 128 : i32
      %mul3A_1328 = arith.muli %scan3A_1281, %mul3A_1327 : i32
      %add3A_1329 = arith.constant 16 : i32
      %add3A_1330 = arith.addi %mul3A_1328, %add3A_1329 : i32
      %swap3A_1331 = arith.index_cast %add3A_1330 : i32 to index
      %swap3A_1332 = tpu.vector_load %arg6[%swap3A_1331] {strides = array<i32>} : memref<6144xi32, #tpu.memory_space<vmem>>, vector<16xi32>,
      %swap3A_1333 = vector.shape_cast %swap3A_1332 : vector<16xi32> to vector<16xi32>
      %swap3A_1334 = vector.shape_cast %add3A_1326 : vector<16xi32> to vector<16xi32>
      tpu.vector_store %arg6[%swap3A_1331], %swap3A_1334 {strides = array<i32>} : memref<6144xi32, #tpu.memory_space<vmem>>, vector<16xi32>,
      %mul3A_1335 = arith.constant 128 : i32
      %mul3A_1336 = arith.muli %and3A_1287, %mul3A_1335 : i32
      %add3A_1337 = arith.constant 32 : i32
      %add3A_1338 = arith.addi %mul3A_1336, %add3A_1337 : i32
      %get3A_1339 = arith.index_cast %add3A_1338 : i32 to index
      %get3A_1340 = tpu.vector_load %arg5[%get3A_1339] {strides = array<i32>} : memref<256xi32, #tpu.memory_space<vmem>>, vector<16xi32>,
      %get3A_1341 = vector.shape_cast %get3A_1340 : vector<16xi32> to vector<16xi32>
      %add3A_1342 = vector.broadcast %add3A_1300 : i32 to vector<16xi32>
      %add3A_1343 = arith.addi %get3A_1341, %add3A_1342 : vector<16xi32>
      %mul3A_1344 = arith.constant 128 : i32
      %mul3A_1345 = arith.muli %scan3A_1281, %mul3A_1344 : i32
      %add3A_1346 = arith.constant 32 : i32
      %add3A_1347 = arith.addi %mul3A_1345, %add3A_1346 : i32
      %swap3A_1348 = arith.index_cast %add3A_1347 : i32 to index
      %swap3A_1349 = tpu.vector_load %arg6[%swap3A_1348] {strides = array<i32>} : memref<6144xi32, #tpu.memory_space<vmem>>, vector<16xi32>,
      %swap3A_1350 = vector.shape_cast %swap3A_1349 : vector<16xi32> to vector<16xi32>
      %swap3A_1351 = vector.shape_cast %add3A_1343 : vector<16xi32> to vector<16xi32>
      tpu.vector_store %arg6[%swap3A_1348], %swap3A_1351 {strides = array<i32>} : memref<6144xi32, #tpu.memory_space<vmem>>, vector<16xi32>,
      %mul3A_1352 = arith.constant 128 : i32
      %mul3A_1353 = arith.muli %and3A_1287, %mul3A_1352 : i32
      %add3A_1354 = arith.constant 48 : i32
      %add3A_1355 = arith.addi %mul3A_1353, %add3A_1354 : i32
      %get3A_1356 = arith.index_cast %add3A_1355 : i32 to index
      %get3A_1357 = tpu.vector_load %arg5[%get3A_1356] {strides = array<i32>} : memref<256xi32, #tpu.memory_space<vmem>>, vector<16xi32>,
      %get3A_1358 = vector.shape_cast %get3A_1357 : vector<16xi32> to vector<16xi32>
      %add3A_1359 = vector.broadcast %add3A_1300 : i32 to vector<16xi32>
      %add3A_1360 = arith.addi %get3A_1358, %add3A_1359 : vector<16xi32>
      %mul3A_1361 = arith.constant 128 : i32
      %mul3A_1362 = arith.muli %scan3A_1281, %mul3A_1361 : i32
      %add3A_1363 = arith.constant 48 : i32
      %add3A_1364 = arith.addi %mul3A_1362, %add3A_1363 : i32
      %swap3A_1365 = arith.index_cast %add3A_1364 : i32 to index
      %swap3A_1366 = tpu.vector_load %arg6[%swap3A_1365] {strides = array<i32>} : memref<6144xi32, #tpu.memory_space<vmem>>, vector<16xi32>,
      %swap3A_1367 = vector.shape_cast %swap3A_1366 : vector<16xi32> to vector<16xi32>
      %swap3A_1368 = vector.shape_cast %add3A_1360 : vector<16xi32> to vector<16xi32>
      tpu.vector_store %arg6[%swap3A_1365], %swap3A_1368 {strides = array<i32>} : memref<6144xi32, #tpu.memory_space<vmem>>, vector<16xi32>,
      %mul3A_1369 = arith.constant 128 : i32
      %mul3A_1370 = arith.muli %and3A_1287, %mul3A_1369 : i32
      %add3A_1371 = arith.constant 64 : i32
      %add3A_1372 = arith.addi %mul3A_1370, %add3A_1371 : i32
      %get3A_1373 = arith.index_cast %add3A_1372 : i32 to index
      %get3A_1374 = tpu.vector_load %arg5[%get3A_1373] {strides = array<i32>} : memref<256xi32, #tpu.memory_space<vmem>>, vector<16xi32>,
      %get3A_1375 = vector.shape_cast %get3A_1374 : vector<16xi32> to vector<16xi32>
      %add3A_1376 = vector.broadcast %add3A_1300 : i32 to vector<16xi32>
      %add3A_1377 = arith.addi %get3A_1375, %add3A_1376 : vector<16xi32>
      %mul3A_1378 = arith.constant 128 : i32
      %mul3A_1379 = arith.muli %scan3A_1281, %mul3A_1378 : i32
      %add3A_1380 = arith.constant 64 : i32
      %add3A_1381 = arith.addi %mul3A_1379, %add3A_1380 : i32
      %swap3A_1382 = arith.index_cast %add3A_1381 : i32 to index
      %swap3A_1383 = tpu.vector_load %arg6[%swap3A_1382] {strides = array<i32>} : memref<6144xi32, #tpu.memory_space<vmem>>, vector<16xi32>,
      %swap3A_1384 = vector.shape_cast %swap3A_1383 : vector<16xi32> to vector<16xi32>
      %swap3A_1385 = vector.shape_cast %add3A_1377 : vector<16xi32> to vector<16xi32>
      tpu.vector_store %arg6[%swap3A_1382], %swap3A_1385 {strides = array<i32>} : memref<6144xi32, #tpu.memory_space<vmem>>, vector<16xi32>,
      %mul3A_1386 = arith.constant 128 : i32
      %mul3A_1387 = arith.muli %and3A_1287, %mul3A_1386 : i32
      %add3A_1388 = arith.constant 80 : i32
      %add3A_1389 = arith.addi %mul3A_1387, %add3A_1388 : i32
      %get3A_1390 = arith.index_cast %add3A_1389 : i32 to index
      %get3A_1391 = tpu.vector_load %arg5[%get3A_1390] {strides = array<i32>} : memref<256xi32, #tpu.memory_space<vmem>>, vector<16xi32>,
      %get3A_1392 = vector.shape_cast %get3A_1391 : vector<16xi32> to vector<16xi32>
      %add3A_1393 = vector.broadcast %add3A_1300 : i32 to vector<16xi32>
      %add3A_1394 = arith.addi %get3A_1392, %add3A_1393 : vector<16xi32>
      %mul3A_1395 = arith.constant 128 : i32
      %mul3A_1396 = arith.muli %scan3A_1281, %mul3A_1395 : i32
      %add3A_1397 = arith.constant 80 : i32
      %add3A_1398 = arith.addi %mul3A_1396, %add3A_1397 : i32
      %swap3A_1399 = arith.index_cast %add3A_1398 : i32 to index
      %swap3A_1400 = tpu.vector_load %arg6[%swap3A_1399] {strides = array<i32>} : memref<6144xi32, #tpu.memory_space<vmem>>, vector<16xi32>,
      %swap3A_1401 = vector.shape_cast %swap3A_1400 : vector<16xi32> to vector<16xi32>
      %swap3A_1402 = vector.shape_cast %add3A_1394 : vector<16xi32> to vector<16xi32>
      tpu.vector_store %arg6[%swap3A_1399], %swap3A_1402 {strides = array<i32>} : memref<6144xi32, #tpu.memory_space<vmem>>, vector<16xi32>,
      %mul3A_1403 = arith.constant 128 : i32
      %mul3A_1404 = arith.muli %and3A_1287, %mul3A_1403 : i32
      %add3A_1405 = arith.constant 96 : i32
      %add3A_1406 = arith.addi %mul3A_1404, %add3A_1405 : i32
      %get3A_1407 = arith.index_cast %add3A_1406 : i32 to index
      %get3A_1408 = tpu.vector_load %arg5[%get3A_1407] {strides = array<i32>} : memref<256xi32, #tpu.memory_space<vmem>>, vector<16xi32>,
      %get3A_1409 = vector.shape_cast %get3A_1408 : vector<16xi32> to vector<16xi32>
      %add3A_1410 = vector.broadcast %add3A_1300 : i32 to vector<16xi32>
      %add3A_1411 = arith.addi %get3A_1409, %add3A_1410 : vector<16xi32>
      %mul3A_1412 = arith.constant 128 : i32
      %mul3A_1413 = arith.muli %scan3A_1281, %mul3A_1412 : i32
      %add3A_1414 = arith.constant 96 : i32
      %add3A_1415 = arith.addi %mul3A_1413, %add3A_1414 : i32
      %swap3A_1416 = arith.index_cast %add3A_1415 : i32 to index
      %swap3A_1417 = tpu.vector_load %arg6[%swap3A_1416] {strides = array<i32>} : memref<6144xi32, #tpu.memory_space<vmem>>, vector<16xi32>,
      %swap3A_1418 = vector.shape_cast %swap3A_1417 : vector<16xi32> to vector<16xi32>
      %swap3A_1419 = vector.shape_cast %add3A_1411 : vector<16xi32> to vector<16xi32>
      tpu.vector_store %arg6[%swap3A_1416], %swap3A_1419 {strides = array<i32>} : memref<6144xi32, #tpu.memory_space<vmem>>, vector<16xi32>,
      %mul3A_1420 = arith.constant 128 : i32
      %mul3A_1421 = arith.muli %and3A_1287, %mul3A_1420 : i32
      %add3A_1422 = arith.constant 112 : i32
      %add3A_1423 = arith.addi %mul3A_1421, %add3A_1422 : i32
      %get3A_1424 = arith.index_cast %add3A_1423 : i32 to index
      %get3A_1425 = tpu.vector_load %arg5[%get3A_1424] {strides = array<i32>} : memref<256xi32, #tpu.memory_space<vmem>>, vector<16xi32>,
      %get3A_1426 = vector.shape_cast %get3A_1425 : vector<16xi32> to vector<16xi32>
      %add3A_1427 = vector.broadcast %add3A_1300 : i32 to vector<16xi32>
      %add3A_1428 = arith.addi %get3A_1426, %add3A_1427 : vector<16xi32>
      %mul3A_1429 = arith.constant 128 : i32
      %mul3A_1430 = arith.muli %scan3A_1281, %mul3A_1429 : i32
      %add3A_1431 = arith.constant 112 : i32
      %add3A_1432 = arith.addi %mul3A_1430, %add3A_1431 : i32
      %swap3A_1433 = arith.index_cast %add3A_1432 : i32 to index
      %swap3A_1434 = tpu.vector_load %arg6[%swap3A_1433] {strides = array<i32>} : memref<6144xi32, #tpu.memory_space<vmem>>, vector<16xi32>,
      %swap3A_1435 = vector.shape_cast %swap3A_1434 : vector<16xi32> to vector<16xi32>
      %swap3A_1436 = vector.shape_cast %add3A_1428 : vector<16xi32> to vector<16xi32>
      tpu.vector_store %arg6[%swap3A_1433], %swap3A_1436 {strides = array<i32>} : memref<6144xi32, #tpu.memory_space<vmem>>, vector<16xi32>,
    }
    %scan3A_48 = arith.constant 16 : i32
    %dma_start3A_49 = arith.constant 0 : i32
    %dma_start3A_50 = tpu.memref_slice %arg7[%dma_start3A_49] : memref<6144xf32, #tpu.memory_space<vmem>> -> memref<2048xf32, #tpu.memory_space<vmem>>
    %dma_start3A_51 = arith.constant 0 : i32
    %dma_start3A_52 = tpu.memref_slice %arg6[%dma_start3A_51] : memref<6144xi32, #tpu.memory_space<vmem>> -> memref<2048xi32, #tpu.memory_space<vmem>>
    %dma_start3A_53 = arith.constant 0 : i32
    %dma_start3A_54 = tpu.memref_slice %arg2[%dma_start3A_53] : memref<113246208xf32, #tpu.memory_space<hbm>> -> memref<113246208xf32, #tpu.memory_space<hbm>>
    tpu.enqueue_indirect_dma source(%dma_start3A_54 : memref<113246208xf32, #tpu.memory_space<hbm>>) target(%dma_start3A_50 : memref<2048xf32, #tpu.memory_space<vmem>>) offsets(%dma_start3A_52 : memref<2048xi32, #tpu.memory_space<vmem>>) semaphore(%arg11 : memref<!tpu.dma_semaphore, #tpu.memory_space<semaphore_mem>>)
    %scan3A_55 = arith.constant 0 : i32
    %scan3A_56 = arith.constant 16 : i32
    %scan3A_57 = arith.constant 16 : i32
    %scan3A_58 = arith.addi %scan3A_56, %scan3A_57 : i32
    %scan3A_59 = arith.constant 1 : i32
    scf.for %scan3A_1281 = %scan3A_56 to %scan3A_58 step %scan3A_59  : i32 {
      %shift_right_logical3A_1282 = arith.constant 4 : i32
      %shift_right_logical3A_1283 = arith.shrui %scan3A_1281, %shift_right_logical3A_1282 : i32
      %shift_right_logical3A_1284 = arith.constant 3 : i32
      %shift_right_logical3A_1285 = arith.shrui %scan3A_1281, %shift_right_logical3A_1284 : i32
      %and3A_1286 = arith.constant 1 : i32
      %and3A_1287 = arith.andi %shift_right_logical3A_1285, %and3A_1286 : i32
      %and3A_1288 = arith.constant 7 : i32
      %and3A_1289 = arith.andi %scan3A_1281, %and3A_1288 : i32
      %and3A_1290 = arith.constant 7 : i32
      %and3A_1291 = arith.andi %add3A, %and3A_1290 : i32
      %mul3A_1292 = arith.constant 3 : i32
      %mul3A_1293 = arith.muli %and3A_1291, %mul3A_1292 : i32
      %add3A_1294 = arith.addi %mul3A_1293, %shift_right_logical3A_1283 : i32
      %mul3A_1295 = arith.constant 8 : i32
      %mul3A_1296 = arith.muli %add3A_1294, %mul3A_1295 : i32
      %add3A_1297 = arith.addi %mul3A_1296, %and3A_1289 : i32
      %mul3A_1298 = arith.constant 147456 : i32
      %mul3A_1299 = arith.muli %add3A_1297, %mul3A_1298 : i32
      %add3A_1300 = arith.addi %mul3A_42, %mul3A_1299 : i32
      %mul3A_1301 = arith.constant 128 : i32
      %mul3A_1302 = arith.muli %and3A_1287, %mul3A_1301 : i32
      %add3A_1303 = arith.constant 0 : i32
      %add3A_1304 = arith.addi %mul3A_1302, %add3A_1303 : i32
      %get3A_1305 = arith.index_cast %add3A_1304 : i32 to index
      %get3A_1306 = tpu.vector_load %arg5[%get3A_1305] {strides = array<i32>} : memref<256xi32, #tpu.memory_space<vmem>>, vector<16xi32>,
      %get3A_1307 = vector.shape_cast %get3A_1306 : vector<16xi32> to vector<16xi32>
      %add3A_1308 = vector.broadcast %add3A_1300 : i32 to vector<16xi32>
      %add3A_1309 = arith.addi %get3A_1307, %add3A_1308 : vector<16xi32>
      %mul3A_1310 = arith.constant 128 : i32
      %mul3A_1311 = arith.muli %scan3A_1281, %mul3A_1310 : i32
      %add3A_1312 = arith.constant 0 : i32
      %add3A_1313 = arith.addi %mul3A_1311, %add3A_1312 : i32
      %swap3A_1314 = arith.index_cast %add3A_1313 : i32 to index
      %swap3A_1315 = tpu.vector_load %arg6[%swap3A_1314] {strides = array<i32>} : memref<6144xi32, #tpu.memory_space<vmem>>, vector<16xi32>,
      %swap3A_1316 = vector.shape_cast %swap3A_1315 : vector<16xi32> to vector<16xi32>
      %swap3A_1317 = vector.shape_cast %add3A_1309 : vector<16xi32> to vector<16xi32>
      tpu.vector_store %arg6[%swap3A_1314], %swap3A_1317 {strides = array<i32>} : memref<6144xi32, #tpu.memory_space<vmem>>, vector<16xi32>,
      %mul3A_1318 = arith.constant 128 : i32
      %mul3A_1319 = arith.muli %and3A_1287, %mul3A_1318 : i32
      %add3A_1320 = arith.constant 16 : i32
      %add3A_1321 = arith.addi %mul3A_1319, %add3A_1320 : i32
      %get3A_1322 = arith.index_cast %add3A_1321 : i32 to index
      %get3A_1323 = tpu.vector_load %arg5[%get3A_1322] {strides = array<i32>} : memref<256xi32, #tpu.memory_space<vmem>>, vector<16xi32>,
      %get3A_1324 = vector.shape_cast %get3A_1323 : vector<16xi32> to vector<16xi32>
      %add3A_1325 = vector.broadcast %add3A_1300 : i32 to vector<16xi32>
      %add3A_1326 = arith.addi %get3A_1324, %add3A_1325 : vector<16xi32>
      %mul3A_1327 = arith.constant 128 : i32
      %mul3A_1328 = arith.muli %scan3A_1281, %mul3A_1327 : i32
      %add3A_1329 = arith.constant 16 : i32
      %add3A_1330 = arith.addi %mul3A_1328, %add3A_1329 : i32
      %swap3A_1331 = arith.index_cast %add3A_1330 : i32 to index
      %swap3A_1332 = tpu.vector_load %arg6[%swap3A_1331] {strides = array<i32>} : memref<6144xi32, #tpu.memory_space<vmem>>, vector<16xi32>,
      %swap3A_1333 = vector.shape_cast %swap3A_1332 : vector<16xi32> to vector<16xi32>
      %swap3A_1334 = vector.shape_cast %add3A_1326 : vector<16xi32> to vector<16xi32>
      tpu.vector_store %arg6[%swap3A_1331], %swap3A_1334 {strides = array<i32>} : memref<6144xi32, #tpu.memory_space<vmem>>, vector<16xi32>,
      %mul3A_1335 = arith.constant 128 : i32
      %mul3A_1336 = arith.muli %and3A_1287, %mul3A_1335 : i32
      %add3A_1337 = arith.constant 32 : i32
      %add3A_1338 = arith.addi %mul3A_1336, %add3A_1337 : i32
      %get3A_1339 = arith.index_cast %add3A_1338 : i32 to index
      %get3A_1340 = tpu.vector_load %arg5[%get3A_1339] {strides = array<i32>} : memref<256xi32, #tpu.memory_space<vmem>>, vector<16xi32>,
      %get3A_1341 = vector.shape_cast %get3A_1340 : vector<16xi32> to vector<16xi32>
      %add3A_1342 = vector.broadcast %add3A_1300 : i32 to vector<16xi32>
      %add3A_1343 = arith.addi %get3A_1341, %add3A_1342 : vector<16xi32>
      %mul3A_1344 = arith.constant 128 : i32
      %mul3A_1345 = arith.muli %scan3A_1281, %mul3A_1344 : i32
      %add3A_1346 = arith.constant 32 : i32
      %add3A_1347 = arith.addi %mul3A_1345, %add3A_1346 : i32
      %swap3A_1348 = arith.index_cast %add3A_1347 : i32 to index
      %swap3A_1349 = tpu.vector_load %arg6[%swap3A_1348] {strides = array<i32>} : memref<6144xi32, #tpu.memory_space<vmem>>, vector<16xi32>,
      %swap3A_1350 = vector.shape_cast %swap3A_1349 : vector<16xi32> to vector<16xi32>
      %swap3A_1351 = vector.shape_cast %add3A_1343 : vector<16xi32> to vector<16xi32>
      tpu.vector_store %arg6[%swap3A_1348], %swap3A_1351 {strides = array<i32>} : memref<6144xi32, #tpu.memory_space<vmem>>, vector<16xi32>,
      %mul3A_1352 = arith.constant 128 : i32
      %mul3A_1353 = arith.muli %and3A_1287, %mul3A_1352 : i32
      %add3A_1354 = arith.constant 48 : i32
      %add3A_1355 = arith.addi %mul3A_1353, %add3A_1354 : i32
      %get3A_1356 = arith.index_cast %add3A_1355 : i32 to index
      %get3A_1357 = tpu.vector_load %arg5[%get3A_1356] {strides = array<i32>} : memref<256xi32, #tpu.memory_space<vmem>>, vector<16xi32>,
      %get3A_1358 = vector.shape_cast %get3A_1357 : vector<16xi32> to vector<16xi32>
      %add3A_1359 = vector.broadcast %add3A_1300 : i32 to vector<16xi32>
      %add3A_1360 = arith.addi %get3A_1358, %add3A_1359 : vector<16xi32>
      %mul3A_1361 = arith.constant 128 : i32
      %mul3A_1362 = arith.muli %scan3A_1281, %mul3A_1361 : i32
      %add3A_1363 = arith.constant 48 : i32
      %add3A_1364 = arith.addi %mul3A_1362, %add3A_1363 : i32
      %swap3A_1365 = arith.index_cast %add3A_1364 : i32 to index
      %swap3A_1366 = tpu.vector_load %arg6[%swap3A_1365] {strides = array<i32>} : memref<6144xi32, #tpu.memory_space<vmem>>, vector<16xi32>,
      %swap3A_1367 = vector.shape_cast %swap3A_1366 : vector<16xi32> to vector<16xi32>
      %swap3A_1368 = vector.shape_cast %add3A_1360 : vector<16xi32> to vector<16xi32>
      tpu.vector_store %arg6[%swap3A_1365], %swap3A_1368 {strides = array<i32>} : memref<6144xi32, #tpu.memory_space<vmem>>, vector<16xi32>,
      %mul3A_1369 = arith.constant 128 : i32
      %mul3A_1370 = arith.muli %and3A_1287, %mul3A_1369 : i32
      %add3A_1371 = arith.constant 64 : i32
      %add3A_1372 = arith.addi %mul3A_1370, %add3A_1371 : i32
      %get3A_1373 = arith.index_cast %add3A_1372 : i32 to index
      %get3A_1374 = tpu.vector_load %arg5[%get3A_1373] {strides = array<i32>} : memref<256xi32, #tpu.memory_space<vmem>>, vector<16xi32>,
      %get3A_1375 = vector.shape_cast %get3A_1374 : vector<16xi32> to vector<16xi32>
      %add3A_1376 = vector.broadcast %add3A_1300 : i32 to vector<16xi32>
      %add3A_1377 = arith.addi %get3A_1375, %add3A_1376 : vector<16xi32>
      %mul3A_1378 = arith.constant 128 : i32
      %mul3A_1379 = arith.muli %scan3A_1281, %mul3A_1378 : i32
      %add3A_1380 = arith.constant 64 : i32
      %add3A_1381 = arith.addi %mul3A_1379, %add3A_1380 : i32
      %swap3A_1382 = arith.index_cast %add3A_1381 : i32 to index
      %swap3A_1383 = tpu.vector_load %arg6[%swap3A_1382] {strides = array<i32>} : memref<6144xi32, #tpu.memory_space<vmem>>, vector<16xi32>,
      %swap3A_1384 = vector.shape_cast %swap3A_1383 : vector<16xi32> to vector<16xi32>
      %swap3A_1385 = vector.shape_cast %add3A_1377 : vector<16xi32> to vector<16xi32>
      tpu.vector_store %arg6[%swap3A_1382], %swap3A_1385 {strides = array<i32>} : memref<6144xi32, #tpu.memory_space<vmem>>, vector<16xi32>,
      %mul3A_1386 = arith.constant 128 : i32
      %mul3A_1387 = arith.muli %and3A_1287, %mul3A_1386 : i32
      %add3A_1388 = arith.constant 80 : i32
      %add3A_1389 = arith.addi %mul3A_1387, %add3A_1388 : i32
      %get3A_1390 = arith.index_cast %add3A_1389 : i32 to index
      %get3A_1391 = tpu.vector_load %arg5[%get3A_1390] {strides = array<i32>} : memref<256xi32, #tpu.memory_space<vmem>>, vector<16xi32>,
      %get3A_1392 = vector.shape_cast %get3A_1391 : vector<16xi32> to vector<16xi32>
      %add3A_1393 = vector.broadcast %add3A_1300 : i32 to vector<16xi32>
      %add3A_1394 = arith.addi %get3A_1392, %add3A_1393 : vector<16xi32>
      %mul3A_1395 = arith.constant 128 : i32
      %mul3A_1396 = arith.muli %scan3A_1281, %mul3A_1395 : i32
      %add3A_1397 = arith.constant 80 : i32
      %add3A_1398 = arith.addi %mul3A_1396, %add3A_1397 : i32
      %swap3A_1399 = arith.index_cast %add3A_1398 : i32 to index
      %swap3A_1400 = tpu.vector_load %arg6[%swap3A_1399] {strides = array<i32>} : memref<6144xi32, #tpu.memory_space<vmem>>, vector<16xi32>,
      %swap3A_1401 = vector.shape_cast %swap3A_1400 : vector<16xi32> to vector<16xi32>
      %swap3A_1402 = vector.shape_cast %add3A_1394 : vector<16xi32> to vector<16xi32>
      tpu.vector_store %arg6[%swap3A_1399], %swap3A_1402 {strides = array<i32>} : memref<6144xi32, #tpu.memory_space<vmem>>, vector<16xi32>,
      %mul3A_1403 = arith.constant 128 : i32
      %mul3A_1404 = arith.muli %and3A_1287, %mul3A_1403 : i32
      %add3A_1405 = arith.constant 96 : i32
      %add3A_1406 = arith.addi %mul3A_1404, %add3A_1405 : i32
      %get3A_1407 = arith.index_cast %add3A_1406 : i32 to index
      %get3A_1408 = tpu.vector_load %arg5[%get3A_1407] {strides = array<i32>} : memref<256xi32, #tpu.memory_space<vmem>>, vector<16xi32>,
      %get3A_1409 = vector.shape_cast %get3A_1408 : vector<16xi32> to vector<16xi32>
      %add3A_1410 = vector.broadcast %add3A_1300 : i32 to vector<16xi32>
      %add3A_1411 = arith.addi %get3A_1409, %add3A_1410 : vector<16xi32>
      %mul3A_1412 = arith.constant 128 : i32
      %mul3A_1413 = arith.muli %scan3A_1281, %mul3A_1412 : i32
      %add3A_1414 = arith.constant 96 : i32
      %add3A_1415 = arith.addi %mul3A_1413, %add3A_1414 : i32
      %swap3A_1416 = arith.index_cast %add3A_1415 : i32 to index
      %swap3A_1417 = tpu.vector_load %arg6[%swap3A_1416] {strides = array<i32>} : memref<6144xi32, #tpu.memory_space<vmem>>, vector<16xi32>,
      %swap3A_1418 = vector.shape_cast %swap3A_1417 : vector<16xi32> to vector<16xi32>
      %swap3A_1419 = vector.shape_cast %add3A_1411 : vector<16xi32> to vector<16xi32>
      tpu.vector_store %arg6[%swap3A_1416], %swap3A_1419 {strides = array<i32>} : memref<6144xi32, #tpu.memory_space<vmem>>, vector<16xi32>,
      %mul3A_1420 = arith.constant 128 : i32
      %mul3A_1421 = arith.muli %and3A_1287, %mul3A_1420 : i32
      %add3A_1422 = arith.constant 112 : i32
      %add3A_1423 = arith.addi %mul3A_1421, %add3A_1422 : i32
      %get3A_1424 = arith.index_cast %add3A_1423 : i32 to index
      %get3A_1425 = tpu.vector_load %arg5[%get3A_1424] {strides = array<i32>} : memref<256xi32, #tpu.memory_space<vmem>>, vector<16xi32>,
      %get3A_1426 = vector.shape_cast %get3A_1425 : vector<16xi32> to vector<16xi32>
      %add3A_1427 = vector.broadcast %add3A_1300 : i32 to vector<16xi32>
      %add3A_1428 = arith.addi %get3A_1426, %add3A_1427 : vector<16xi32>
      %mul3A_1429 = arith.constant 128 : i32
      %mul3A_1430 = arith.muli %scan3A_1281, %mul3A_1429 : i32
      %add3A_1431 = arith.constant 112 : i32
      %add3A_1432 = arith.addi %mul3A_1430, %add3A_1431 : i32
      %swap3A_1433 = arith.index_cast %add3A_1432 : i32 to index
      %swap3A_1434 = tpu.vector_load %arg6[%swap3A_1433] {strides = array<i32>} : memref<6144xi32, #tpu.memory_space<vmem>>, vector<16xi32>,
      %swap3A_1435 = vector.shape_cast %swap3A_1434 : vector<16xi32> to vector<16xi32>
      %swap3A_1436 = vector.shape_cast %add3A_1428 : vector<16xi32> to vector<16xi32>
      tpu.vector_store %arg6[%swap3A_1433], %swap3A_1436 {strides = array<i32>} : memref<6144xi32, #tpu.memory_space<vmem>>, vector<16xi32>,
    }
    %scan3A_60 = arith.constant 16 : i32
    %dma_start3A_61 = arith.constant 2048 : i32
    %dma_start3A_62 = tpu.memref_slice %arg7[%dma_start3A_61] : memref<6144xf32, #tpu.memory_space<vmem>> -> memref<2048xf32, #tpu.memory_space<vmem>>
    %dma_start3A_63 = arith.constant 2048 : i32
    %dma_start3A_64 = tpu.memref_slice %arg6[%dma_start3A_63] : memref<6144xi32, #tpu.memory_space<vmem>> -> memref<2048xi32, #tpu.memory_space<vmem>>
    %dma_start3A_65 = arith.constant 0 : i32
    %dma_start3A_66 = tpu.memref_slice %arg2[%dma_start3A_65] : memref<113246208xf32, #tpu.memory_space<hbm>> -> memref<113246208xf32, #tpu.memory_space<hbm>>
    tpu.enqueue_indirect_dma source(%dma_start3A_66 : memref<113246208xf32, #tpu.memory_space<hbm>>) target(%dma_start3A_62 : memref<2048xf32, #tpu.memory_space<vmem>>) offsets(%dma_start3A_64 : memref<2048xi32, #tpu.memory_space<vmem>>) semaphore(%arg12 : memref<!tpu.dma_semaphore, #tpu.memory_space<semaphore_mem>>)
    %scan3A_67 = arith.constant 0 : i32
    %scan3A_68 = arith.constant 32 : i32
    %scan3A_69 = arith.constant 16 : i32
    %scan3A_70 = arith.addi %scan3A_68, %scan3A_69 : i32
    %scan3A_71 = arith.constant 1 : i32
    scf.for %scan3A_1281 = %scan3A_68 to %scan3A_70 step %scan3A_71  : i32 {
      %shift_right_logical3A_1282 = arith.constant 4 : i32
      %shift_right_logical3A_1283 = arith.shrui %scan3A_1281, %shift_right_logical3A_1282 : i32
      %shift_right_logical3A_1284 = arith.constant 3 : i32
      %shift_right_logical3A_1285 = arith.shrui %scan3A_1281, %shift_right_logical3A_1284 : i32
      %and3A_1286 = arith.constant 1 : i32
      %and3A_1287 = arith.andi %shift_right_logical3A_1285, %and3A_1286 : i32
      %and3A_1288 = arith.constant 7 : i32
      %and3A_1289 = arith.andi %scan3A_1281, %and3A_1288 : i32
      %and3A_1290 = arith.constant 7 : i32
      %and3A_1291 = arith.andi %add3A, %and3A_1290 : i32
      %mul3A_1292 = arith.constant 3 : i32
      %mul3A_1293 = arith.muli %and3A_1291, %mul3A_1292 : i32
      %add3A_1294 = arith.addi %mul3A_1293, %shift_right_logical3A_1283 : i32
      %mul3A_1295 = arith.constant 8 : i32
      %mul3A_1296 = arith.muli %add3A_1294, %mul3A_1295 : i32
      %add3A_1297 = arith.addi %mul3A_1296, %and3A_1289 : i32
      %mul3A_1298 = arith.constant 147456 : i32
      %mul3A_1299 = arith.muli %add3A_1297, %mul3A_1298 : i32
      %add3A_1300 = arith.addi %mul3A_42, %mul3A_1299 : i32
      %mul3A_1301 = arith.constant 128 : i32
      %mul3A_1302 = arith.muli %and3A_1287, %mul3A_1301 : i32
      %add3A_1303 = arith.constant 0 : i32
      %add3A_1304 = arith.addi %mul3A_1302, %add3A_1303 : i32
      %get3A_1305 = arith.index_cast %add3A_1304 : i32 to index
      %get3A_1306 = tpu.vector_load %arg5[%get3A_1305] {strides = array<i32>} : memref<256xi32, #tpu.memory_space<vmem>>, vector<16xi32>,
      %get3A_1307 = vector.shape_cast %get3A_1306 : vector<16xi32> to vector<16xi32>
      %add3A_1308 = vector.broadcast %add3A_1300 : i32 to vector<16xi32>
      %add3A_1309 = arith.addi %get3A_1307, %add3A_1308 : vector<16xi32>
      %mul3A_1310 = arith.constant 128 : i32
      %mul3A_1311 = arith.muli %scan3A_1281, %mul3A_1310 : i32
      %add3A_1312 = arith.constant 0 : i32
      %add3A_1313 = arith.addi %mul3A_1311, %add3A_1312 : i32
      %swap3A_1314 = arith.index_cast %add3A_1313 : i32 to index
      %swap3A_1315 = tpu.vector_load %arg6[%swap3A_1314] {strides = array<i32>} : memref<6144xi32, #tpu.memory_space<vmem>>, vector<16xi32>,
      %swap3A_1316 = vector.shape_cast %swap3A_1315 : vector<16xi32> to vector<16xi32>
      %swap3A_1317 = vector.shape_cast %add3A_1309 : vector<16xi32> to vector<16xi32>
      tpu.vector_store %arg6[%swap3A_1314], %swap3A_1317 {strides = array<i32>} : memref<6144xi32, #tpu.memory_space<vmem>>, vector<16xi32>,
      %mul3A_1318 = arith.constant 128 : i32
      %mul3A_1319 = arith.muli %and3A_1287, %mul3A_1318 : i32
      %add3A_1320 = arith.constant 16 : i32
      %add3A_1321 = arith.addi %mul3A_1319, %add3A_1320 : i32
      %get3A_1322 = arith.index_cast %add3A_1321 : i32 to index
      %get3A_1323 = tpu.vector_load %arg5[%get3A_1322] {strides = array<i32>} : memref<256xi32, #tpu.memory_space<vmem>>, vector<16xi32>,
      %get3A_1324 = vector.shape_cast %get3A_1323 : vector<16xi32> to vector<16xi32>
      %add3A_1325 = vector.broadcast %add3A_1300 : i32 to vector<16xi32>
      %add3A_1326 = arith.addi %get3A_1324, %add3A_1325 : vector<16xi32>
      %mul3A_1327 = arith.constant 128 : i32
      %mul3A_1328 = arith.muli %scan3A_1281, %mul3A_1327 : i32
      %add3A_1329 = arith.constant 16 : i32
      %add3A_1330 = arith.addi %mul3A_1328, %add3A_1329 : i32
      %swap3A_1331 = arith.index_cast %add3A_1330 : i32 to index
      %swap3A_1332 = tpu.vector_load %arg6[%swap3A_1331] {strides = array<i32>} : memref<6144xi32, #tpu.memory_space<vmem>>, vector<16xi32>,
      %swap3A_1333 = vector.shape_cast %swap3A_1332 : vector<16xi32> to vector<16xi32>
      %swap3A_1334 = vector.shape_cast %add3A_1326 : vector<16xi32> to vector<16xi32>
      tpu.vector_store %arg6[%swap3A_1331], %swap3A_1334 {strides = array<i32>} : memref<6144xi32, #tpu.memory_space<vmem>>, vector<16xi32>,
      %mul3A_1335 = arith.constant 128 : i32
      %mul3A_1336 = arith.muli %and3A_1287, %mul3A_1335 : i32
      %add3A_1337 = arith.constant 32 : i32
      %add3A_1338 = arith.addi %mul3A_1336, %add3A_1337 : i32
      %get3A_1339 = arith.index_cast %add3A_1338 : i32 to index
      %get3A_1340 = tpu.vector_load %arg5[%get3A_1339] {strides = array<i32>} : memref<256xi32, #tpu.memory_space<vmem>>, vector<16xi32>,
      %get3A_1341 = vector.shape_cast %get3A_1340 : vector<16xi32> to vector<16xi32>
      %add3A_1342 = vector.broadcast %add3A_1300 : i32 to vector<16xi32>
      %add3A_1343 = arith.addi %get3A_1341, %add3A_1342 : vector<16xi32>
      %mul3A_1344 = arith.constant 128 : i32
      %mul3A_1345 = arith.muli %scan3A_1281, %mul3A_1344 : i32
      %add3A_1346 = arith.constant 32 : i32
      %add3A_1347 = arith.addi %mul3A_1345, %add3A_1346 : i32
      %swap3A_1348 = arith.index_cast %add3A_1347 : i32 to index
      %swap3A_1349 = tpu.vector_load %arg6[%swap3A_1348] {strides = array<i32>} : memref<6144xi32, #tpu.memory_space<vmem>>, vector<16xi32>,
      %swap3A_1350 = vector.shape_cast %swap3A_1349 : vector<16xi32> to vector<16xi32>
      %swap3A_1351 = vector.shape_cast %add3A_1343 : vector<16xi32> to vector<16xi32>
      tpu.vector_store %arg6[%swap3A_1348], %swap3A_1351 {strides = array<i32>} : memref<6144xi32, #tpu.memory_space<vmem>>, vector<16xi32>,
      %mul3A_1352 = arith.constant 128 : i32
      %mul3A_1353 = arith.muli %and3A_1287, %mul3A_1352 : i32
      %add3A_1354 = arith.constant 48 : i32
      %add3A_1355 = arith.addi %mul3A_1353, %add3A_1354 : i32
      %get3A_1356 = arith.index_cast %add3A_1355 : i32 to index
      %get3A_1357 = tpu.vector_load %arg5[%get3A_1356] {strides = array<i32>} : memref<256xi32, #tpu.memory_space<vmem>>, vector<16xi32>,
      %get3A_1358 = vector.shape_cast %get3A_1357 : vector<16xi32> to vector<16xi32>
      %add3A_1359 = vector.broadcast %add3A_1300 : i32 to vector<16xi32>
      %add3A_1360 = arith.addi %get3A_1358, %add3A_1359 : vector<16xi32>
      %mul3A_1361 = arith.constant 128 : i32
      %mul3A_1362 = arith.muli %scan3A_1281, %mul3A_1361 : i32
      %add3A_1363 = arith.constant 48 : i32
      %add3A_1364 = arith.addi %mul3A_1362, %add3A_1363 : i32
      %swap3A_1365 = arith.index_cast %add3A_1364 : i32 to index
      %swap3A_1366 = tpu.vector_load %arg6[%swap3A_1365] {strides = array<i32>} : memref<6144xi32, #tpu.memory_space<vmem>>, vector<16xi32>,
      %swap3A_1367 = vector.shape_cast %swap3A_1366 : vector<16xi32> to vector<16xi32>
      %swap3A_1368 = vector.shape_cast %add3A_1360 : vector<16xi32> to vector<16xi32>
      tpu.vector_store %arg6[%swap3A_1365], %swap3A_1368 {strides = array<i32>} : memref<6144xi32, #tpu.memory_space<vmem>>, vector<16xi32>,
      %mul3A_1369 = arith.constant 128 : i32
      %mul3A_1370 = arith.muli %and3A_1287, %mul3A_1369 : i32
      %add3A_1371 = arith.constant 64 : i32
      %add3A_1372 = arith.addi %mul3A_1370, %add3A_1371 : i32
      %get3A_1373 = arith.index_cast %add3A_1372 : i32 to index
      %get3A_1374 = tpu.vector_load %arg5[%get3A_1373] {strides = array<i32>} : memref<256xi32, #tpu.memory_space<vmem>>, vector<16xi32>,
      %get3A_1375 = vector.shape_cast %get3A_1374 : vector<16xi32> to vector<16xi32>
      %add3A_1376 = vector.broadcast %add3A_1300 : i32 to vector<16xi32>
      %add3A_1377 = arith.addi %get3A_1375, %add3A_1376 : vector<16xi32>
      %mul3A_1378 = arith.constant 128 : i32
      %mul3A_1379 = arith.muli %scan3A_1281, %mul3A_1378 : i32
      %add3A_1380 = arith.constant 64 : i32
      %add3A_1381 = arith.addi %mul3A_1379, %add3A_1380 : i32
      %swap3A_1382 = arith.index_cast %add3A_1381 : i32 to index
      %swap3A_1383 = tpu.vector_load %arg6[%swap3A_1382] {strides = array<i32>} : memref<6144xi32, #tpu.memory_space<vmem>>, vector<16xi32>,
      %swap3A_1384 = vector.shape_cast %swap3A_1383 : vector<16xi32> to vector<16xi32>
      %swap3A_1385 = vector.shape_cast %add3A_1377 : vector<16xi32> to vector<16xi32>
      tpu.vector_store %arg6[%swap3A_1382], %swap3A_1385 {strides = array<i32>} : memref<6144xi32, #tpu.memory_space<vmem>>, vector<16xi32>,
      %mul3A_1386 = arith.constant 128 : i32
      %mul3A_1387 = arith.muli %and3A_1287, %mul3A_1386 : i32
      %add3A_1388 = arith.constant 80 : i32
      %add3A_1389 = arith.addi %mul3A_1387, %add3A_1388 : i32
      %get3A_1390 = arith.index_cast %add3A_1389 : i32 to index
      %get3A_1391 = tpu.vector_load %arg5[%get3A_1390] {strides = array<i32>} : memref<256xi32, #tpu.memory_space<vmem>>, vector<16xi32>,
      %get3A_1392 = vector.shape_cast %get3A_1391 : vector<16xi32> to vector<16xi32>
      %add3A_1393 = vector.broadcast %add3A_1300 : i32 to vector<16xi32>
      %add3A_1394 = arith.addi %get3A_1392, %add3A_1393 : vector<16xi32>
      %mul3A_1395 = arith.constant 128 : i32
      %mul3A_1396 = arith.muli %scan3A_1281, %mul3A_1395 : i32
      %add3A_1397 = arith.constant 80 : i32
      %add3A_1398 = arith.addi %mul3A_1396, %add3A_1397 : i32
      %swap3A_1399 = arith.index_cast %add3A_1398 : i32 to index
      %swap3A_1400 = tpu.vector_load %arg6[%swap3A_1399] {strides = array<i32>} : memref<6144xi32, #tpu.memory_space<vmem>>, vector<16xi32>,
      %swap3A_1401 = vector.shape_cast %swap3A_1400 : vector<16xi32> to vector<16xi32>
      %swap3A_1402 = vector.shape_cast %add3A_1394 : vector<16xi32> to vector<16xi32>
      tpu.vector_store %arg6[%swap3A_1399], %swap3A_1402 {strides = array<i32>} : memref<6144xi32, #tpu.memory_space<vmem>>, vector<16xi32>,
      %mul3A_1403 = arith.constant 128 : i32
      %mul3A_1404 = arith.muli %and3A_1287, %mul3A_1403 : i32
      %add3A_1405 = arith.constant 96 : i32
      %add3A_1406 = arith.addi %mul3A_1404, %add3A_1405 : i32
      %get3A_1407 = arith.index_cast %add3A_1406 : i32 to index
      %get3A_1408 = tpu.vector_load %arg5[%get3A_1407] {strides = array<i32>} : memref<256xi32, #tpu.memory_space<vmem>>, vector<16xi32>,
      %get3A_1409 = vector.shape_cast %get3A_1408 : vector<16xi32> to vector<16xi32>
      %add3A_1410 = vector.broadcast %add3A_1300 : i32 to vector<16xi32>
      %add3A_1411 = arith.addi %get3A_1409, %add3A_1410 : vector<16xi32>
      %mul3A_1412 = arith.constant 128 : i32
      %mul3A_1413 = arith.muli %scan3A_1281, %mul3A_1412 : i32
      %add3A_1414 = arith.constant 96 : i32
      %add3A_1415 = arith.addi %mul3A_1413, %add3A_1414 : i32
      %swap3A_1416 = arith.index_cast %add3A_1415 : i32 to index
      %swap3A_1417 = tpu.vector_load %arg6[%swap3A_1416] {strides = array<i32>} : memref<6144xi32, #tpu.memory_space<vmem>>, vector<16xi32>,
      %swap3A_1418 = vector.shape_cast %swap3A_1417 : vector<16xi32> to vector<16xi32>
      %swap3A_1419 = vector.shape_cast %add3A_1411 : vector<16xi32> to vector<16xi32>
      tpu.vector_store %arg6[%swap3A_1416], %swap3A_1419 {strides = array<i32>} : memref<6144xi32, #tpu.memory_space<vmem>>, vector<16xi32>,
      %mul3A_1420 = arith.constant 128 : i32
      %mul3A_1421 = arith.muli %and3A_1287, %mul3A_1420 : i32
      %add3A_1422 = arith.constant 112 : i32
      %add3A_1423 = arith.addi %mul3A_1421, %add3A_1422 : i32
      %get3A_1424 = arith.index_cast %add3A_1423 : i32 to index
      %get3A_1425 = tpu.vector_load %arg5[%get3A_1424] {strides = array<i32>} : memref<256xi32, #tpu.memory_space<vmem>>, vector<16xi32>,
      %get3A_1426 = vector.shape_cast %get3A_1425 : vector<16xi32> to vector<16xi32>
      %add3A_1427 = vector.broadcast %add3A_1300 : i32 to vector<16xi32>
      %add3A_1428 = arith.addi %get3A_1426, %add3A_1427 : vector<16xi32>
      %mul3A_1429 = arith.constant 128 : i32
      %mul3A_1430 = arith.muli %scan3A_1281, %mul3A_1429 : i32
      %add3A_1431 = arith.constant 112 : i32
      %add3A_1432 = arith.addi %mul3A_1430, %add3A_1431 : i32
      %swap3A_1433 = arith.index_cast %add3A_1432 : i32 to index
      %swap3A_1434 = tpu.vector_load %arg6[%swap3A_1433] {strides = array<i32>} : memref<6144xi32, #tpu.memory_space<vmem>>, vector<16xi32>,
      %swap3A_1435 = vector.shape_cast %swap3A_1434 : vector<16xi32> to vector<16xi32>
      %swap3A_1436 = vector.shape_cast %add3A_1428 : vector<16xi32> to vector<16xi32>
      tpu.vector_store %arg6[%swap3A_1433], %swap3A_1436 {strides = array<i32>} : memref<6144xi32, #tpu.memory_space<vmem>>, vector<16xi32>,
    }
    %scan3A_72 = arith.constant 16 : i32
    %dma_start3A_73 = arith.constant 4096 : i32
    %dma_start3A_74 = tpu.memref_slice %arg7[%dma_start3A_73] : memref<6144xf32, #tpu.memory_space<vmem>> -> memref<2048xf32, #tpu.memory_space<vmem>>
    %dma_start3A_75 = arith.constant 4096 : i32
    %dma_start3A_76 = tpu.memref_slice %arg6[%dma_start3A_75] : memref<6144xi32, #tpu.memory_space<vmem>> -> memref<2048xi32, #tpu.memory_space<vmem>>
    %dma_start3A_77 = arith.constant 0 : i32
    %dma_start3A_78 = tpu.memref_slice %arg2[%dma_start3A_77] : memref<113246208xf32, #tpu.memory_space<hbm>> -> memref<113246208xf32, #tpu.memory_space<hbm>>
    tpu.enqueue_indirect_dma source(%dma_start3A_78 : memref<113246208xf32, #tpu.memory_space<hbm>>) target(%dma_start3A_74 : memref<2048xf32, #tpu.memory_space<vmem>>) offsets(%dma_start3A_76 : memref<2048xi32, #tpu.memory_space<vmem>>) semaphore(%arg13 : memref<!tpu.dma_semaphore, #tpu.memory_space<semaphore_mem>>)
    %broadcast_in_dim3A = arith.constant 0.000000e+00 : f32
    %broadcast_in_dim3A_79 = vector.broadcast %broadcast_in_dim3A : f32 to vector<16xf32>
    %mul3A_80 = arith.constant 6144 : i32
    %mul3A_81 = arith.muli %add3A, %mul3A_80 : i32
    %add3A_82 = arith.constant 0 : i32
    %add3A_83 = arith.addi %mul3A_81, %add3A_82 : i32
    %multiple_of3A = tpu.assume_multiple %add3A_83, 2048 : i32
    %dma_wait3A_84 = arith.constant 0 : i32
    %dma_wait3A_85 = tpu.memref_slice %arg7[%dma_wait3A_84] : memref<6144xf32, #tpu.memory_space<vmem>> -> memref<2048xf32, #tpu.memory_space<vmem>>
    %dma_wait3A_86 = tpu.memref_slice %arg4[%multiple_of3A] : memref<196608xf32, #tpu.memory_space<hbm>> -> memref<2048xf32, #tpu.memory_space<hbm>>
    %dma_wait3A_87 = arith.constant 0 : i32
    %dma_wait3A_88 = tpu.memref_slice %arg7[%dma_wait3A_87] : memref<6144xf32, #tpu.memory_space<vmem>> -> memref<2048xf32, #tpu.memory_space<vmem>>
    %dma_wait3A_89 = tpu.memref_slice %arg4[%multiple_of3A] : memref<196608xf32, #tpu.memory_space<hbm>> -> memref<2048xf32, #tpu.memory_space<hbm>>
    tpu.wait_dma2 semaphore(%arg11 : memref<!tpu.dma_semaphore, #tpu.memory_space<semaphore_mem>>) src(%dma_wait3A_89 : memref<2048xf32, #tpu.memory_space<hbm>>) dst(%dma_wait3A_88 : memref<2048xf32, #tpu.memory_space<vmem>>)
    %scan3A_90 = arith.constant 0 : i32
    %scan3A_91 = arith.constant 8 : i32
    %scan3A_92 = arith.addi %scan3A_90, %scan3A_91 : i32
    %scan3A_93 = arith.constant 1 : i32
    %scan3A_94:16 = scf.for %scan3A_1281 = %scan3A_90 to %scan3A_92 step %scan3A_93 iter_args(%scan3A_1282 = %broadcast_in_dim3A_79, %scan3A_1283 = %broadcast_in_dim3A_79, %scan3A_1284 = %broadcast_in_dim3A_79, %scan3A_1285 = %broadcast_in_dim3A_79, %scan3A_1286 = %broadcast_in_dim3A_79, %scan3A_1287 = %broadcast_in_dim3A_79, %scan3A_1288 = %broadcast_in_dim3A_79, %scan3A_1289 = %broadcast_in_dim3A_79, %scan3A_1290 = %broadcast_in_dim3A_79, %scan3A_1291 = %broadcast_in_dim3A_79, %scan3A_1292 = %broadcast_in_dim3A_79, %scan3A_1293 = %broadcast_in_dim3A_79, %scan3A_1294 = %broadcast_in_dim3A_79, %scan3A_1295 = %broadcast_in_dim3A_79, %scan3A_1296 = %broadcast_in_dim3A_79, %scan3A_1297 = %broadcast_in_dim3A_79) -> (vector<16xf32>, vector<16xf32>, vector<16xf32>, vector<16xf32>, vector<16xf32>, vector<16xf32>, vector<16xf32>, vector<16xf32>, vector<16xf32>, vector<16xf32>, vector<16xf32>, vector<16xf32>, vector<16xf32>, vector<16xf32>, vector<16xf32>, vector<16xf32>)  : i32 {
      %add3A_1298 = arith.constant 0 : i32
      %add3A_1299 = arith.addi %add3A_1298, %scan3A_1281 : i32
      %add3A_1300 = arith.constant 0 : i32
      %add3A_1301 = arith.addi %add3A_1299, %add3A_1300 : i32
      %mul3A_1302 = arith.constant 128 : i32
      %mul3A_1303 = arith.muli %add3A_1301, %mul3A_1302 : i32
      %add3A_1304 = arith.constant 0 : i32
      %add3A_1305 = arith.addi %mul3A_1303, %add3A_1304 : i32
      %get3A_1306 = arith.index_cast %add3A_1305 : i32 to index
      %get3A_1307 = tpu.vector_load %arg7[%get3A_1306] {strides = array<i32>} : memref<6144xf32, #tpu.memory_space<vmem>>, vector<16xf32>,
      %get3A_1308 = vector.shape_cast %get3A_1307 : vector<16xf32> to vector<16xf32>
      %mul3A_1309 = arith.mulf %get3A_1308, %get3A_1308 : vector<16xf32>
      %add3A_1310 = arith.addf %scan3A_1282, %mul3A_1309 : vector<16xf32>
      %add3A_1311 = arith.constant 16 : i32
      %add3A_1312 = arith.addi %mul3A_1303, %add3A_1311 : i32
      %get3A_1313 = arith.index_cast %add3A_1312 : i32 to index
      %get3A_1314 = tpu.vector_load %arg7[%get3A_1313] {strides = array<i32>} : memref<6144xf32, #tpu.memory_space<vmem>>, vector<16xf32>,
      %get3A_1315 = vector.shape_cast %get3A_1314 : vector<16xf32> to vector<16xf32>
      %mul3A_1316 = arith.mulf %get3A_1315, %get3A_1315 : vector<16xf32>
      %add3A_1317 = arith.addf %scan3A_1283, %mul3A_1316 : vector<16xf32>
      %add3A_1318 = arith.constant 32 : i32
      %add3A_1319 = arith.addi %mul3A_1303, %add3A_1318 : i32
      %get3A_1320 = arith.index_cast %add3A_1319 : i32 to index
      %get3A_1321 = tpu.vector_load %arg7[%get3A_1320] {strides = array<i32>} : memref<6144xf32, #tpu.memory_space<vmem>>, vector<16xf32>,
      %get3A_1322 = vector.shape_cast %get3A_1321 : vector<16xf32> to vector<16xf32>
      %mul3A_1323 = arith.mulf %get3A_1322, %get3A_1322 : vector<16xf32>
      %add3A_1324 = arith.addf %scan3A_1284, %mul3A_1323 : vector<16xf32>
      %add3A_1325 = arith.constant 48 : i32
      %add3A_1326 = arith.addi %mul3A_1303, %add3A_1325 : i32
      %get3A_1327 = arith.index_cast %add3A_1326 : i32 to index
      %get3A_1328 = tpu.vector_load %arg7[%get3A_1327] {strides = array<i32>} : memref<6144xf32, #tpu.memory_space<vmem>>, vector<16xf32>,
      %get3A_1329 = vector.shape_cast %get3A_1328 : vector<16xf32> to vector<16xf32>
      %mul3A_1330 = arith.mulf %get3A_1329, %get3A_1329 : vector<16xf32>
      %add3A_1331 = arith.addf %scan3A_1285, %mul3A_1330 : vector<16xf32>
      %add3A_1332 = arith.constant 64 : i32
      %add3A_1333 = arith.addi %mul3A_1303, %add3A_1332 : i32
      %get3A_1334 = arith.index_cast %add3A_1333 : i32 to index
      %get3A_1335 = tpu.vector_load %arg7[%get3A_1334] {strides = array<i32>} : memref<6144xf32, #tpu.memory_space<vmem>>, vector<16xf32>,
      %get3A_1336 = vector.shape_cast %get3A_1335 : vector<16xf32> to vector<16xf32>
      %mul3A_1337 = arith.mulf %get3A_1336, %get3A_1336 : vector<16xf32>
      %add3A_1338 = arith.addf %scan3A_1286, %mul3A_1337 : vector<16xf32>
      %add3A_1339 = arith.constant 80 : i32
      %add3A_1340 = arith.addi %mul3A_1303, %add3A_1339 : i32
      %get3A_1341 = arith.index_cast %add3A_1340 : i32 to index
      %get3A_1342 = tpu.vector_load %arg7[%get3A_1341] {strides = array<i32>} : memref<6144xf32, #tpu.memory_space<vmem>>, vector<16xf32>,
      %get3A_1343 = vector.shape_cast %get3A_1342 : vector<16xf32> to vector<16xf32>
      %mul3A_1344 = arith.mulf %get3A_1343, %get3A_1343 : vector<16xf32>
      %add3A_1345 = arith.addf %scan3A_1287, %mul3A_1344 : vector<16xf32>
      %add3A_1346 = arith.constant 96 : i32
      %add3A_1347 = arith.addi %mul3A_1303, %add3A_1346 : i32
      %get3A_1348 = arith.index_cast %add3A_1347 : i32 to index
      %get3A_1349 = tpu.vector_load %arg7[%get3A_1348] {strides = array<i32>} : memref<6144xf32, #tpu.memory_space<vmem>>, vector<16xf32>,
      %get3A_1350 = vector.shape_cast %get3A_1349 : vector<16xf32> to vector<16xf32>
      %mul3A_1351 = arith.mulf %get3A_1350, %get3A_1350 : vector<16xf32>
      %add3A_1352 = arith.addf %scan3A_1288, %mul3A_1351 : vector<16xf32>
      %add3A_1353 = arith.constant 112 : i32
      %add3A_1354 = arith.addi %mul3A_1303, %add3A_1353 : i32
      %get3A_1355 = arith.index_cast %add3A_1354 : i32 to index
      %get3A_1356 = tpu.vector_load %arg7[%get3A_1355] {strides = array<i32>} : memref<6144xf32, #tpu.memory_space<vmem>>, vector<16xf32>,
      %get3A_1357 = vector.shape_cast %get3A_1356 : vector<16xf32> to vector<16xf32>
      %mul3A_1358 = arith.mulf %get3A_1357, %get3A_1357 : vector<16xf32>
      %add3A_1359 = arith.addf %scan3A_1289, %mul3A_1358 : vector<16xf32>
      %add3A_1360 = arith.constant 8 : i32
      %add3A_1361 = arith.addi %add3A_1299, %add3A_1360 : i32
      %mul3A_1362 = arith.constant 128 : i32
      %mul3A_1363 = arith.muli %add3A_1361, %mul3A_1362 : i32
      %add3A_1364 = arith.constant 0 : i32
      %add3A_1365 = arith.addi %mul3A_1363, %add3A_1364 : i32
      %get3A_1366 = arith.index_cast %add3A_1365 : i32 to index
      %get3A_1367 = tpu.vector_load %arg7[%get3A_1366] {strides = array<i32>} : memref<6144xf32, #tpu.memory_space<vmem>>, vector<16xf32>,
      %get3A_1368 = vector.shape_cast %get3A_1367 : vector<16xf32> to vector<16xf32>
      %mul3A_1369 = arith.mulf %get3A_1368, %get3A_1368 : vector<16xf32>
      %add3A_1370 = arith.addf %scan3A_1290, %mul3A_1369 : vector<16xf32>
      %add3A_1371 = arith.constant 16 : i32
      %add3A_1372 = arith.addi %mul3A_1363, %add3A_1371 : i32
      %get3A_1373 = arith.index_cast %add3A_1372 : i32 to index
      %get3A_1374 = tpu.vector_load %arg7[%get3A_1373] {strides = array<i32>} : memref<6144xf32, #tpu.memory_space<vmem>>, vector<16xf32>,
      %get3A_1375 = vector.shape_cast %get3A_1374 : vector<16xf32> to vector<16xf32>
      %mul3A_1376 = arith.mulf %get3A_1375, %get3A_1375 : vector<16xf32>
      %add3A_1377 = arith.addf %scan3A_1291, %mul3A_1376 : vector<16xf32>
      %add3A_1378 = arith.constant 32 : i32
      %add3A_1379 = arith.addi %mul3A_1363, %add3A_1378 : i32
      %get3A_1380 = arith.index_cast %add3A_1379 : i32 to index
      %get3A_1381 = tpu.vector_load %arg7[%get3A_1380] {strides = array<i32>} : memref<6144xf32, #tpu.memory_space<vmem>>, vector<16xf32>,
      %get3A_1382 = vector.shape_cast %get3A_1381 : vector<16xf32> to vector<16xf32>
      %mul3A_1383 = arith.mulf %get3A_1382, %get3A_1382 : vector<16xf32>
      %add3A_1384 = arith.addf %scan3A_1292, %mul3A_1383 : vector<16xf32>
      %add3A_1385 = arith.constant 48 : i32
      %add3A_1386 = arith.addi %mul3A_1363, %add3A_1385 : i32
      %get3A_1387 = arith.index_cast %add3A_1386 : i32 to index
      %get3A_1388 = tpu.vector_load %arg7[%get3A_1387] {strides = array<i32>} : memref<6144xf32, #tpu.memory_space<vmem>>, vector<16xf32>,
      %get3A_1389 = vector.shape_cast %get3A_1388 : vector<16xf32> to vector<16xf32>
      %mul3A_1390 = arith.mulf %get3A_1389, %get3A_1389 : vector<16xf32>
      %add3A_1391 = arith.addf %scan3A_1293, %mul3A_1390 : vector<16xf32>
      %add3A_1392 = arith.constant 64 : i32
      %add3A_1393 = arith.addi %mul3A_1363, %add3A_1392 : i32
      %get3A_1394 = arith.index_cast %add3A_1393 : i32 to index
      %get3A_1395 = tpu.vector_load %arg7[%get3A_1394] {strides = array<i32>} : memref<6144xf32, #tpu.memory_space<vmem>>, vector<16xf32>,
      %get3A_1396 = vector.shape_cast %get3A_1395 : vector<16xf32> to vector<16xf32>
      %mul3A_1397 = arith.mulf %get3A_1396, %get3A_1396 : vector<16xf32>
      %add3A_1398 = arith.addf %scan3A_1294, %mul3A_1397 : vector<16xf32>
      %add3A_1399 = arith.constant 80 : i32
      %add3A_1400 = arith.addi %mul3A_1363, %add3A_1399 : i32
      %get3A_1401 = arith.index_cast %add3A_1400 : i32 to index
      %get3A_1402 = tpu.vector_load %arg7[%get3A_1401] {strides = array<i32>} : memref<6144xf32, #tpu.memory_space<vmem>>, vector<16xf32>,
      %get3A_1403 = vector.shape_cast %get3A_1402 : vector<16xf32> to vector<16xf32>
      %mul3A_1404 = arith.mulf %get3A_1403, %get3A_1403 : vector<16xf32>
      %add3A_1405 = arith.addf %scan3A_1295, %mul3A_1404 : vector<16xf32>
      %add3A_1406 = arith.constant 96 : i32
      %add3A_1407 = arith.addi %mul3A_1363, %add3A_1406 : i32
      %get3A_1408 = arith.index_cast %add3A_1407 : i32 to index
      %get3A_1409 = tpu.vector_load %arg7[%get3A_1408] {strides = array<i32>} : memref<6144xf32, #tpu.memory_space<vmem>>, vector<16xf32>,
      %get3A_1410 = vector.shape_cast %get3A_1409 : vector<16xf32> to vector<16xf32>
      %mul3A_1411 = arith.mulf %get3A_1410, %get3A_1410 : vector<16xf32>
      %add3A_1412 = arith.addf %scan3A_1296, %mul3A_1411 : vector<16xf32>
      %add3A_1413 = arith.constant 112 : i32
      %add3A_1414 = arith.addi %mul3A_1363, %add3A_1413 : i32
      %get3A_1415 = arith.index_cast %add3A_1414 : i32 to index
      %get3A_1416 = tpu.vector_load %arg7[%get3A_1415] {strides = array<i32>} : memref<6144xf32, #tpu.memory_space<vmem>>, vector<16xf32>,
      %get3A_1417 = vector.shape_cast %get3A_1416 : vector<16xf32> to vector<16xf32>
      %mul3A_1418 = arith.mulf %get3A_1417, %get3A_1417 : vector<16xf32>
      %add3A_1419 = arith.addf %scan3A_1297, %mul3A_1418 : vector<16xf32>
      scf.yield %add3A_1310, %add3A_1317, %add3A_1324, %add3A_1331, %add3A_1338, %add3A_1345, %add3A_1352, %add3A_1359, %add3A_1370, %add3A_1377, %add3A_1384, %add3A_1391, %add3A_1398, %add3A_1405, %add3A_1412, %add3A_1419 : vector<16xf32>, vector<16xf32>, vector<16xf32>, vector<16xf32>, vector<16xf32>, vector<16xf32>, vector<16xf32>, vector<16xf32>, vector<16xf32>, vector<16xf32>, vector<16xf32>, vector<16xf32>, vector<16xf32>, vector<16xf32>, vector<16xf32>, vector<16xf32>
    }
    %scan3A_95 = arith.constant 8 : i32
    %mul3A_96 = arith.constant 6144 : i32
    %mul3A_97 = arith.muli %add3A, %mul3A_96 : i32
    %add3A_98 = arith.constant 2048 : i32
    %add3A_99 = arith.addi %mul3A_97, %add3A_98 : i32
    %multiple_of3A_100 = tpu.assume_multiple %add3A_99, 2048 : i32
    %dma_wait3A_101 = arith.constant 2048 : i32
    %dma_wait3A_102 = tpu.memref_slice %arg7[%dma_wait3A_101] : memref<6144xf32, #tpu.memory_space<vmem>> -> memref<2048xf32, #tpu.memory_space<vmem>>
    %dma_wait3A_103 = tpu.memref_slice %arg4[%multiple_of3A_100] : memref<196608xf32, #tpu.memory_space<hbm>> -> memref<2048xf32, #tpu.memory_space<hbm>>
    %dma_wait3A_104 = arith.constant 2048 : i32
    %dma_wait3A_105 = tpu.memref_slice %arg7[%dma_wait3A_104] : memref<6144xf32, #tpu.memory_space<vmem>> -> memref<2048xf32, #tpu.memory_space<vmem>>
    %dma_wait3A_106 = tpu.memref_slice %arg4[%multiple_of3A_100] : memref<196608xf32, #tpu.memory_space<hbm>> -> memref<2048xf32, #tpu.memory_space<hbm>>
    tpu.wait_dma2 semaphore(%arg12 : memref<!tpu.dma_semaphore, #tpu.memory_space<semaphore_mem>>) src(%dma_wait3A_106 : memref<2048xf32, #tpu.memory_space<hbm>>) dst(%dma_wait3A_105 : memref<2048xf32, #tpu.memory_space<vmem>>)
    %scan3A_107 = arith.constant 0 : i32
    %scan3A_108 = arith.constant 8 : i32
    %scan3A_109 = arith.addi %scan3A_107, %scan3A_108 : i32
    %scan3A_110 = arith.constant 1 : i32
    %scan3A_111:16 = scf.for %scan3A_1281 = %scan3A_107 to %scan3A_109 step %scan3A_110 iter_args(%scan3A_1282 = %scan3A_94#0, %scan3A_1283 = %scan3A_94#1, %scan3A_1284 = %scan3A_94#2, %scan3A_1285 = %scan3A_94#3, %scan3A_1286 = %scan3A_94#4, %scan3A_1287 = %scan3A_94#5, %scan3A_1288 = %scan3A_94#6, %scan3A_1289 = %scan3A_94#7, %scan3A_1290 = %scan3A_94#8, %scan3A_1291 = %scan3A_94#9, %scan3A_1292 = %scan3A_94#10, %scan3A_1293 = %scan3A_94#11, %scan3A_1294 = %scan3A_94#12, %scan3A_1295 = %scan3A_94#13, %scan3A_1296 = %scan3A_94#14, %scan3A_1297 = %scan3A_94#15) -> (vector<16xf32>, vector<16xf32>, vector<16xf32>, vector<16xf32>, vector<16xf32>, vector<16xf32>, vector<16xf32>, vector<16xf32>, vector<16xf32>, vector<16xf32>, vector<16xf32>, vector<16xf32>, vector<16xf32>, vector<16xf32>, vector<16xf32>, vector<16xf32>)  : i32 {
      %add3A_1298 = arith.constant 16 : i32
      %add3A_1299 = arith.addi %add3A_1298, %scan3A_1281 : i32
      %add3A_1300 = arith.constant 0 : i32
      %add3A_1301 = arith.addi %add3A_1299, %add3A_1300 : i32
      %mul3A_1302 = arith.constant 128 : i32
      %mul3A_1303 = arith.muli %add3A_1301, %mul3A_1302 : i32
      %add3A_1304 = arith.constant 0 : i32
      %add3A_1305 = arith.addi %mul3A_1303, %add3A_1304 : i32
      %get3A_1306 = arith.index_cast %add3A_1305 : i32 to index
      %get3A_1307 = tpu.vector_load %arg7[%get3A_1306] {strides = array<i32>} : memref<6144xf32, #tpu.memory_space<vmem>>, vector<16xf32>,
      %get3A_1308 = vector.shape_cast %get3A_1307 : vector<16xf32> to vector<16xf32>
      %mul3A_1309 = arith.mulf %get3A_1308, %get3A_1308 : vector<16xf32>
      %add3A_1310 = arith.addf %scan3A_1282, %mul3A_1309 : vector<16xf32>
      %add3A_1311 = arith.constant 16 : i32
      %add3A_1312 = arith.addi %mul3A_1303, %add3A_1311 : i32
      %get3A_1313 = arith.index_cast %add3A_1312 : i32 to index
      %get3A_1314 = tpu.vector_load %arg7[%get3A_1313] {strides = array<i32>} : memref<6144xf32, #tpu.memory_space<vmem>>, vector<16xf32>,
      %get3A_1315 = vector.shape_cast %get3A_1314 : vector<16xf32> to vector<16xf32>
      %mul3A_1316 = arith.mulf %get3A_1315, %get3A_1315 : vector<16xf32>
      %add3A_1317 = arith.addf %scan3A_1283, %mul3A_1316 : vector<16xf32>
      %add3A_1318 = arith.constant 32 : i32
      %add3A_1319 = arith.addi %mul3A_1303, %add3A_1318 : i32
      %get3A_1320 = arith.index_cast %add3A_1319 : i32 to index
      %get3A_1321 = tpu.vector_load %arg7[%get3A_1320] {strides = array<i32>} : memref<6144xf32, #tpu.memory_space<vmem>>, vector<16xf32>,
      %get3A_1322 = vector.shape_cast %get3A_1321 : vector<16xf32> to vector<16xf32>
      %mul3A_1323 = arith.mulf %get3A_1322, %get3A_1322 : vector<16xf32>
      %add3A_1324 = arith.addf %scan3A_1284, %mul3A_1323 : vector<16xf32>
      %add3A_1325 = arith.constant 48 : i32
      %add3A_1326 = arith.addi %mul3A_1303, %add3A_1325 : i32
      %get3A_1327 = arith.index_cast %add3A_1326 : i32 to index
      %get3A_1328 = tpu.vector_load %arg7[%get3A_1327] {strides = array<i32>} : memref<6144xf32, #tpu.memory_space<vmem>>, vector<16xf32>,
      %get3A_1329 = vector.shape_cast %get3A_1328 : vector<16xf32> to vector<16xf32>
      %mul3A_1330 = arith.mulf %get3A_1329, %get3A_1329 : vector<16xf32>
      %add3A_1331 = arith.addf %scan3A_1285, %mul3A_1330 : vector<16xf32>
      %add3A_1332 = arith.constant 64 : i32
      %add3A_1333 = arith.addi %mul3A_1303, %add3A_1332 : i32
      %get3A_1334 = arith.index_cast %add3A_1333 : i32 to index
      %get3A_1335 = tpu.vector_load %arg7[%get3A_1334] {strides = array<i32>} : memref<6144xf32, #tpu.memory_space<vmem>>, vector<16xf32>,
      %get3A_1336 = vector.shape_cast %get3A_1335 : vector<16xf32> to vector<16xf32>
      %mul3A_1337 = arith.mulf %get3A_1336, %get3A_1336 : vector<16xf32>
      %add3A_1338 = arith.addf %scan3A_1286, %mul3A_1337 : vector<16xf32>
      %add3A_1339 = arith.constant 80 : i32
      %add3A_1340 = arith.addi %mul3A_1303, %add3A_1339 : i32
      %get3A_1341 = arith.index_cast %add3A_1340 : i32 to index
      %get3A_1342 = tpu.vector_load %arg7[%get3A_1341] {strides = array<i32>} : memref<6144xf32, #tpu.memory_space<vmem>>, vector<16xf32>,
      %get3A_1343 = vector.shape_cast %get3A_1342 : vector<16xf32> to vector<16xf32>
      %mul3A_1344 = arith.mulf %get3A_1343, %get3A_1343 : vector<16xf32>
      %add3A_1345 = arith.addf %scan3A_1287, %mul3A_1344 : vector<16xf32>
      %add3A_1346 = arith.constant 96 : i32
      %add3A_1347 = arith.addi %mul3A_1303, %add3A_1346 : i32
      %get3A_1348 = arith.index_cast %add3A_1347 : i32 to index
      %get3A_1349 = tpu.vector_load %arg7[%get3A_1348] {strides = array<i32>} : memref<6144xf32, #tpu.memory_space<vmem>>, vector<16xf32>,
      %get3A_1350 = vector.shape_cast %get3A_1349 : vector<16xf32> to vector<16xf32>
      %mul3A_1351 = arith.mulf %get3A_1350, %get3A_1350 : vector<16xf32>
      %add3A_1352 = arith.addf %scan3A_1288, %mul3A_1351 : vector<16xf32>
      %add3A_1353 = arith.constant 112 : i32
      %add3A_1354 = arith.addi %mul3A_1303, %add3A_1353 : i32
      %get3A_1355 = arith.index_cast %add3A_1354 : i32 to index
      %get3A_1356 = tpu.vector_load %arg7[%get3A_1355] {strides = array<i32>} : memref<6144xf32, #tpu.memory_space<vmem>>, vector<16xf32>,
      %get3A_1357 = vector.shape_cast %get3A_1356 : vector<16xf32> to vector<16xf32>
      %mul3A_1358 = arith.mulf %get3A_1357, %get3A_1357 : vector<16xf32>
      %add3A_1359 = arith.addf %scan3A_1289, %mul3A_1358 : vector<16xf32>
      %add3A_1360 = arith.constant 8 : i32
      %add3A_1361 = arith.addi %add3A_1299, %add3A_1360 : i32
      %mul3A_1362 = arith.constant 128 : i32
      %mul3A_1363 = arith.muli %add3A_1361, %mul3A_1362 : i32
      %add3A_1364 = arith.constant 0 : i32
      %add3A_1365 = arith.addi %mul3A_1363, %add3A_1364 : i32
      %get3A_1366 = arith.index_cast %add3A_1365 : i32 to index
      %get3A_1367 = tpu.vector_load %arg7[%get3A_1366] {strides = array<i32>} : memref<6144xf32, #tpu.memory_space<vmem>>, vector<16xf32>,
      %get3A_1368 = vector.shape_cast %get3A_1367 : vector<16xf32> to vector<16xf32>
      %mul3A_1369 = arith.mulf %get3A_1368, %get3A_1368 : vector<16xf32>
      %add3A_1370 = arith.addf %scan3A_1290, %mul3A_1369 : vector<16xf32>
      %add3A_1371 = arith.constant 16 : i32
      %add3A_1372 = arith.addi %mul3A_1363, %add3A_1371 : i32
      %get3A_1373 = arith.index_cast %add3A_1372 : i32 to index
      %get3A_1374 = tpu.vector_load %arg7[%get3A_1373] {strides = array<i32>} : memref<6144xf32, #tpu.memory_space<vmem>>, vector<16xf32>,
      %get3A_1375 = vector.shape_cast %get3A_1374 : vector<16xf32> to vector<16xf32>
      %mul3A_1376 = arith.mulf %get3A_1375, %get3A_1375 : vector<16xf32>
      %add3A_1377 = arith.addf %scan3A_1291, %mul3A_1376 : vector<16xf32>
      %add3A_1378 = arith.constant 32 : i32
      %add3A_1379 = arith.addi %mul3A_1363, %add3A_1378 : i32
      %get3A_1380 = arith.index_cast %add3A_1379 : i32 to index
      %get3A_1381 = tpu.vector_load %arg7[%get3A_1380] {strides = array<i32>} : memref<6144xf32, #tpu.memory_space<vmem>>, vector<16xf32>,
      %get3A_1382 = vector.shape_cast %get3A_1381 : vector<16xf32> to vector<16xf32>
      %mul3A_1383 = arith.mulf %get3A_1382, %get3A_1382 : vector<16xf32>
      %add3A_1384 = arith.addf %scan3A_1292, %mul3A_1383 : vector<16xf32>
      %add3A_1385 = arith.constant 48 : i32
      %add3A_1386 = arith.addi %mul3A_1363, %add3A_1385 : i32
      %get3A_1387 = arith.index_cast %add3A_1386 : i32 to index
      %get3A_1388 = tpu.vector_load %arg7[%get3A_1387] {strides = array<i32>} : memref<6144xf32, #tpu.memory_space<vmem>>, vector<16xf32>,
      %get3A_1389 = vector.shape_cast %get3A_1388 : vector<16xf32> to vector<16xf32>
      %mul3A_1390 = arith.mulf %get3A_1389, %get3A_1389 : vector<16xf32>
      %add3A_1391 = arith.addf %scan3A_1293, %mul3A_1390 : vector<16xf32>
      %add3A_1392 = arith.constant 64 : i32
      %add3A_1393 = arith.addi %mul3A_1363, %add3A_1392 : i32
      %get3A_1394 = arith.index_cast %add3A_1393 : i32 to index
      %get3A_1395 = tpu.vector_load %arg7[%get3A_1394] {strides = array<i32>} : memref<6144xf32, #tpu.memory_space<vmem>>, vector<16xf32>,
      %get3A_1396 = vector.shape_cast %get3A_1395 : vector<16xf32> to vector<16xf32>
      %mul3A_1397 = arith.mulf %get3A_1396, %get3A_1396 : vector<16xf32>
      %add3A_1398 = arith.addf %scan3A_1294, %mul3A_1397 : vector<16xf32>
      %add3A_1399 = arith.constant 80 : i32
      %add3A_1400 = arith.addi %mul3A_1363, %add3A_1399 : i32
      %get3A_1401 = arith.index_cast %add3A_1400 : i32 to index
      %get3A_1402 = tpu.vector_load %arg7[%get3A_1401] {strides = array<i32>} : memref<6144xf32, #tpu.memory_space<vmem>>, vector<16xf32>,
      %get3A_1403 = vector.shape_cast %get3A_1402 : vector<16xf32> to vector<16xf32>
      %mul3A_1404 = arith.mulf %get3A_1403, %get3A_1403 : vector<16xf32>
      %add3A_1405 = arith.addf %scan3A_1295, %mul3A_1404 : vector<16xf32>
      %add3A_1406 = arith.constant 96 : i32
      %add3A_1407 = arith.addi %mul3A_1363, %add3A_1406 : i32
      %get3A_1408 = arith.index_cast %add3A_1407 : i32 to index
      %get3A_1409 = tpu.vector_load %arg7[%get3A_1408] {strides = array<i32>} : memref<6144xf32, #tpu.memory_space<vmem>>, vector<16xf32>,
      %get3A_1410 = vector.shape_cast %get3A_1409 : vector<16xf32> to vector<16xf32>
      %mul3A_1411 = arith.mulf %get3A_1410, %get3A_1410 : vector<16xf32>
      %add3A_1412 = arith.addf %scan3A_1296, %mul3A_1411 : vector<16xf32>
      %add3A_1413 = arith.constant 112 : i32
      %add3A_1414 = arith.addi %mul3A_1363, %add3A_1413 : i32
      %get3A_1415 = arith.index_cast %add3A_1414 : i32 to index
      %get3A_1416 = tpu.vector_load %arg7[%get3A_1415] {strides = array<i32>} : memref<6144xf32, #tpu.memory_space<vmem>>, vector<16xf32>,
      %get3A_1417 = vector.shape_cast %get3A_1416 : vector<16xf32> to vector<16xf32>
      %mul3A_1418 = arith.mulf %get3A_1417, %get3A_1417 : vector<16xf32>
      %add3A_1419 = arith.addf %scan3A_1297, %mul3A_1418 : vector<16xf32>
      scf.yield %add3A_1310, %add3A_1317, %add3A_1324, %add3A_1331, %add3A_1338, %add3A_1345, %add3A_1352, %add3A_1359, %add3A_1370, %add3A_1377, %add3A_1384, %add3A_1391, %add3A_1398, %add3A_1405, %add3A_1412, %add3A_1419 : vector<16xf32>, vector<16xf32>, vector<16xf32>, vector<16xf32>, vector<16xf32>, vector<16xf32>, vector<16xf32>, vector<16xf32>, vector<16xf32>, vector<16xf32>, vector<16xf32>, vector<16xf32>, vector<16xf32>, vector<16xf32>, vector<16xf32>, vector<16xf32>
    }
    %scan3A_112 = arith.constant 8 : i32
    %mul3A_113 = arith.constant 6144 : i32
    %mul3A_114 = arith.muli %add3A, %mul3A_113 : i32
    %add3A_115 = arith.constant 4096 : i32
    %add3A_116 = arith.addi %mul3A_114, %add3A_115 : i32
    %multiple_of3A_117 = tpu.assume_multiple %add3A_116, 2048 : i32
    %dma_wait3A_118 = arith.constant 4096 : i32
    %dma_wait3A_119 = tpu.memref_slice %arg7[%dma_wait3A_118] : memref<6144xf32, #tpu.memory_space<vmem>> -> memref<2048xf32, #tpu.memory_space<vmem>>
    %dma_wait3A_120 = tpu.memref_slice %arg4[%multiple_of3A_117] : memref<196608xf32, #tpu.memory_space<hbm>> -> memref<2048xf32, #tpu.memory_space<hbm>>
    %dma_wait3A_121 = arith.constant 4096 : i32
    %dma_wait3A_122 = tpu.memref_slice %arg7[%dma_wait3A_121] : memref<6144xf32, #tpu.memory_space<vmem>> -> memref<2048xf32, #tpu.memory_space<vmem>>
    %dma_wait3A_123 = tpu.memref_slice %arg4[%multiple_of3A_117] : memref<196608xf32, #tpu.memory_space<hbm>> -> memref<2048xf32, #tpu.memory_space<hbm>>
    tpu.wait_dma2 semaphore(%arg13 : memref<!tpu.dma_semaphore, #tpu.memory_space<semaphore_mem>>) src(%dma_wait3A_123 : memref<2048xf32, #tpu.memory_space<hbm>>) dst(%dma_wait3A_122 : memref<2048xf32, #tpu.memory_space<vmem>>)
    %scan3A_124 = arith.constant 0 : i32
    %scan3A_125 = arith.constant 8 : i32
    %scan3A_126 = arith.addi %scan3A_124, %scan3A_125 : i32
    %scan3A_127 = arith.constant 1 : i32
    %scan3A_128:16 = scf.for %scan3A_1281 = %scan3A_124 to %scan3A_126 step %scan3A_127 iter_args(%scan3A_1282 = %scan3A_111#0, %scan3A_1283 = %scan3A_111#1, %scan3A_1284 = %scan3A_111#2, %scan3A_1285 = %scan3A_111#3, %scan3A_1286 = %scan3A_111#4, %scan3A_1287 = %scan3A_111#5, %scan3A_1288 = %scan3A_111#6, %scan3A_1289 = %scan3A_111#7, %scan3A_1290 = %scan3A_111#8, %scan3A_1291 = %scan3A_111#9, %scan3A_1292 = %scan3A_111#10, %scan3A_1293 = %scan3A_111#11, %scan3A_1294 = %scan3A_111#12, %scan3A_1295 = %scan3A_111#13, %scan3A_1296 = %scan3A_111#14, %scan3A_1297 = %scan3A_111#15) -> (vector<16xf32>, vector<16xf32>, vector<16xf32>, vector<16xf32>, vector<16xf32>, vector<16xf32>, vector<16xf32>, vector<16xf32>, vector<16xf32>, vector<16xf32>, vector<16xf32>, vector<16xf32>, vector<16xf32>, vector<16xf32>, vector<16xf32>, vector<16xf32>)  : i32 {
      %add3A_1298 = arith.constant 32 : i32
      %add3A_1299 = arith.addi %add3A_1298, %scan3A_1281 : i32
      %add3A_1300 = arith.constant 0 : i32
      %add3A_1301 = arith.addi %add3A_1299, %add3A_1300 : i32
      %mul3A_1302 = arith.constant 128 : i32
      %mul3A_1303 = arith.muli %add3A_1301, %mul3A_1302 : i32
      %add3A_1304 = arith.constant 0 : i32
      %add3A_1305 = arith.addi %mul3A_1303, %add3A_1304 : i32
      %get3A_1306 = arith.index_cast %add3A_1305 : i32 to index
      %get3A_1307 = tpu.vector_load %arg7[%get3A_1306] {strides = array<i32>} : memref<6144xf32, #tpu.memory_space<vmem>>, vector<16xf32>,
      %get3A_1308 = vector.shape_cast %get3A_1307 : vector<16xf32> to vector<16xf32>
      %mul3A_1309 = arith.mulf %get3A_1308, %get3A_1308 : vector<16xf32>
      %add3A_1310 = arith.addf %scan3A_1282, %mul3A_1309 : vector<16xf32>
      %add3A_1311 = arith.constant 16 : i32
      %add3A_1312 = arith.addi %mul3A_1303, %add3A_1311 : i32
      %get3A_1313 = arith.index_cast %add3A_1312 : i32 to index
      %get3A_1314 = tpu.vector_load %arg7[%get3A_1313] {strides = array<i32>} : memref<6144xf32, #tpu.memory_space<vmem>>, vector<16xf32>,
      %get3A_1315 = vector.shape_cast %get3A_1314 : vector<16xf32> to vector<16xf32>
      %mul3A_1316 = arith.mulf %get3A_1315, %get3A_1315 : vector<16xf32>
      %add3A_1317 = arith.addf %scan3A_1283, %mul3A_1316 : vector<16xf32>
      %add3A_1318 = arith.constant 32 : i32
      %add3A_1319 = arith.addi %mul3A_1303, %add3A_1318 : i32
      %get3A_1320 = arith.index_cast %add3A_1319 : i32 to index
      %get3A_1321 = tpu.vector_load %arg7[%get3A_1320] {strides = array<i32>} : memref<6144xf32, #tpu.memory_space<vmem>>, vector<16xf32>,
      %get3A_1322 = vector.shape_cast %get3A_1321 : vector<16xf32> to vector<16xf32>
      %mul3A_1323 = arith.mulf %get3A_1322, %get3A_1322 : vector<16xf32>
      %add3A_1324 = arith.addf %scan3A_1284, %mul3A_1323 : vector<16xf32>
      %add3A_1325 = arith.constant 48 : i32
      %add3A_1326 = arith.addi %mul3A_1303, %add3A_1325 : i32
      %get3A_1327 = arith.index_cast %add3A_1326 : i32 to index
      %get3A_1328 = tpu.vector_load %arg7[%get3A_1327] {strides = array<i32>} : memref<6144xf32, #tpu.memory_space<vmem>>, vector<16xf32>,
      %get3A_1329 = vector.shape_cast %get3A_1328 : vector<16xf32> to vector<16xf32>
      %mul3A_1330 = arith.mulf %get3A_1329, %get3A_1329 : vector<16xf32>
      %add3A_1331 = arith.addf %scan3A_1285, %mul3A_1330 : vector<16xf32>
      %add3A_1332 = arith.constant 64 : i32
      %add3A_1333 = arith.addi %mul3A_1303, %add3A_1332 : i32
      %get3A_1334 = arith.index_cast %add3A_1333 : i32 to index
      %get3A_1335 = tpu.vector_load %arg7[%get3A_1334] {strides = array<i32>} : memref<6144xf32, #tpu.memory_space<vmem>>, vector<16xf32>,
      %get3A_1336 = vector.shape_cast %get3A_1335 : vector<16xf32> to vector<16xf32>
      %mul3A_1337 = arith.mulf %get3A_1336, %get3A_1336 : vector<16xf32>
      %add3A_1338 = arith.addf %scan3A_1286, %mul3A_1337 : vector<16xf32>
      %add3A_1339 = arith.constant 80 : i32
      %add3A_1340 = arith.addi %mul3A_1303, %add3A_1339 : i32
      %get3A_1341 = arith.index_cast %add3A_1340 : i32 to index
      %get3A_1342 = tpu.vector_load %arg7[%get3A_1341] {strides = array<i32>} : memref<6144xf32, #tpu.memory_space<vmem>>, vector<16xf32>,
      %get3A_1343 = vector.shape_cast %get3A_1342 : vector<16xf32> to vector<16xf32>
      %mul3A_1344 = arith.mulf %get3A_1343, %get3A_1343 : vector<16xf32>
      %add3A_1345 = arith.addf %scan3A_1287, %mul3A_1344 : vector<16xf32>
      %add3A_1346 = arith.constant 96 : i32
      %add3A_1347 = arith.addi %mul3A_1303, %add3A_1346 : i32
      %get3A_1348 = arith.index_cast %add3A_1347 : i32 to index
      %get3A_1349 = tpu.vector_load %arg7[%get3A_1348] {strides = array<i32>} : memref<6144xf32, #tpu.memory_space<vmem>>, vector<16xf32>,
      %get3A_1350 = vector.shape_cast %get3A_1349 : vector<16xf32> to vector<16xf32>
      %mul3A_1351 = arith.mulf %get3A_1350, %get3A_1350 : vector<16xf32>
      %add3A_1352 = arith.addf %scan3A_1288, %mul3A_1351 : vector<16xf32>
      %add3A_1353 = arith.constant 112 : i32
      %add3A_1354 = arith.addi %mul3A_1303, %add3A_1353 : i32
      %get3A_1355 = arith.index_cast %add3A_1354 : i32 to index
      %get3A_1356 = tpu.vector_load %arg7[%get3A_1355] {strides = array<i32>} : memref<6144xf32, #tpu.memory_space<vmem>>, vector<16xf32>,
      %get3A_1357 = vector.shape_cast %get3A_1356 : vector<16xf32> to vector<16xf32>
      %mul3A_1358 = arith.mulf %get3A_1357, %get3A_1357 : vector<16xf32>
      %add3A_1359 = arith.addf %scan3A_1289, %mul3A_1358 : vector<16xf32>
      %add3A_1360 = arith.constant 8 : i32
      %add3A_1361 = arith.addi %add3A_1299, %add3A_1360 : i32
      %mul3A_1362 = arith.constant 128 : i32
      %mul3A_1363 = arith.muli %add3A_1361, %mul3A_1362 : i32
      %add3A_1364 = arith.constant 0 : i32
      %add3A_1365 = arith.addi %mul3A_1363, %add3A_1364 : i32
      %get3A_1366 = arith.index_cast %add3A_1365 : i32 to index
      %get3A_1367 = tpu.vector_load %arg7[%get3A_1366] {strides = array<i32>} : memref<6144xf32, #tpu.memory_space<vmem>>, vector<16xf32>,
      %get3A_1368 = vector.shape_cast %get3A_1367 : vector<16xf32> to vector<16xf32>
      %mul3A_1369 = arith.mulf %get3A_1368, %get3A_1368 : vector<16xf32>
      %add3A_1370 = arith.addf %scan3A_1290, %mul3A_1369 : vector<16xf32>
      %add3A_1371 = arith.constant 16 : i32
      %add3A_1372 = arith.addi %mul3A_1363, %add3A_1371 : i32
      %get3A_1373 = arith.index_cast %add3A_1372 : i32 to index
      %get3A_1374 = tpu.vector_load %arg7[%get3A_1373] {strides = array<i32>} : memref<6144xf32, #tpu.memory_space<vmem>>, vector<16xf32>,
      %get3A_1375 = vector.shape_cast %get3A_1374 : vector<16xf32> to vector<16xf32>
      %mul3A_1376 = arith.mulf %get3A_1375, %get3A_1375 : vector<16xf32>
      %add3A_1377 = arith.addf %scan3A_1291, %mul3A_1376 : vector<16xf32>
      %add3A_1378 = arith.constant 32 : i32
      %add3A_1379 = arith.addi %mul3A_1363, %add3A_1378 : i32
      %get3A_1380 = arith.index_cast %add3A_1379 : i32 to index
      %get3A_1381 = tpu.vector_load %arg7[%get3A_1380] {strides = array<i32>} : memref<6144xf32, #tpu.memory_space<vmem>>, vector<16xf32>,
      %get3A_1382 = vector.shape_cast %get3A_1381 : vector<16xf32> to vector<16xf32>
      %mul3A_1383 = arith.mulf %get3A_1382, %get3A_1382 : vector<16xf32>
      %add3A_1384 = arith.addf %scan3A_1292, %mul3A_1383 : vector<16xf32>
      %add3A_1385 = arith.constant 48 : i32
      %add3A_1386 = arith.addi %mul3A_1363, %add3A_1385 : i32
      %get3A_1387 = arith.index_cast %add3A_1386 : i32 to index
      %get3A_1388 = tpu.vector_load %arg7[%get3A_1387] {strides = array<i32>} : memref<6144xf32, #tpu.memory_space<vmem>>, vector<16xf32>,
      %get3A_1389 = vector.shape_cast %get3A_1388 : vector<16xf32> to vector<16xf32>
      %mul3A_1390 = arith.mulf %get3A_1389, %get3A_1389 : vector<16xf32>
      %add3A_1391 = arith.addf %scan3A_1293, %mul3A_1390 : vector<16xf32>
      %add3A_1392 = arith.constant 64 : i32
      %add3A_1393 = arith.addi %mul3A_1363, %add3A_1392 : i32
      %get3A_1394 = arith.index_cast %add3A_1393 : i32 to index
      %get3A_1395 = tpu.vector_load %arg7[%get3A_1394] {strides = array<i32>} : memref<6144xf32, #tpu.memory_space<vmem>>, vector<16xf32>,
      %get3A_1396 = vector.shape_cast %get3A_1395 : vector<16xf32> to vector<16xf32>
      %mul3A_1397 = arith.mulf %get3A_1396, %get3A_1396 : vector<16xf32>
      %add3A_1398 = arith.addf %scan3A_1294, %mul3A_1397 : vector<16xf32>
      %add3A_1399 = arith.constant 80 : i32
      %add3A_1400 = arith.addi %mul3A_1363, %add3A_1399 : i32
      %get3A_1401 = arith.index_cast %add3A_1400 : i32 to index
      %get3A_1402 = tpu.vector_load %arg7[%get3A_1401] {strides = array<i32>} : memref<6144xf32, #tpu.memory_space<vmem>>, vector<16xf32>,
      %get3A_1403 = vector.shape_cast %get3A_1402 : vector<16xf32> to vector<16xf32>
      %mul3A_1404 = arith.mulf %get3A_1403, %get3A_1403 : vector<16xf32>
      %add3A_1405 = arith.addf %scan3A_1295, %mul3A_1404 : vector<16xf32>
      %add3A_1406 = arith.constant 96 : i32
      %add3A_1407 = arith.addi %mul3A_1363, %add3A_1406 : i32
      %get3A_1408 = arith.index_cast %add3A_1407 : i32 to index
      %get3A_1409 = tpu.vector_load %arg7[%get3A_1408] {strides = array<i32>} : memref<6144xf32, #tpu.memory_space<vmem>>, vector<16xf32>,
      %get3A_1410 = vector.shape_cast %get3A_1409 : vector<16xf32> to vector<16xf32>
      %mul3A_1411 = arith.mulf %get3A_1410, %get3A_1410 : vector<16xf32>
      %add3A_1412 = arith.addf %scan3A_1296, %mul3A_1411 : vector<16xf32>
      %add3A_1413 = arith.constant 112 : i32
      %add3A_1414 = arith.addi %mul3A_1363, %add3A_1413 : i32
      %get3A_1415 = arith.index_cast %add3A_1414 : i32 to index
      %get3A_1416 = tpu.vector_load %arg7[%get3A_1415] {strides = array<i32>} : memref<6144xf32, #tpu.memory_space<vmem>>, vector<16xf32>,
      %get3A_1417 = vector.shape_cast %get3A_1416 : vector<16xf32> to vector<16xf32>
      %mul3A_1418 = arith.mulf %get3A_1417, %get3A_1417 : vector<16xf32>
      %add3A_1419 = arith.addf %scan3A_1297, %mul3A_1418 : vector<16xf32>
      scf.yield %add3A_1310, %add3A_1317, %add3A_1324, %add3A_1331, %add3A_1338, %add3A_1345, %add3A_1352, %add3A_1359, %add3A_1370, %add3A_1377, %add3A_1384, %add3A_1391, %add3A_1398, %add3A_1405, %add3A_1412, %add3A_1419 : vector<16xf32>, vector<16xf32>, vector<16xf32>, vector<16xf32>, vector<16xf32>, vector<16xf32>, vector<16xf32>, vector<16xf32>, vector<16xf32>, vector<16xf32>, vector<16xf32>, vector<16xf32>, vector<16xf32>, vector<16xf32>, vector<16xf32>, vector<16xf32>
    }
    %scan3A_129 = arith.constant 8 : i32
    %swap3A = arith.constant 0 : index
    %swap3A_130 = tpu.vector_load %arg8[%swap3A] {strides = array<i32>} : memref<256xf32, #tpu.memory_space<vmem>>, vector<16xf32>,
    %swap3A_131 = vector.shape_cast %swap3A_130 : vector<16xf32> to vector<16xf32>
    %swap3A_132 = vector.shape_cast %scan3A_128#0 : vector<16xf32> to vector<16xf32>
    tpu.vector_store %arg8[%swap3A], %swap3A_132 {strides = array<i32>} : memref<256xf32, #tpu.memory_space<vmem>>, vector<16xf32>,
    %swap3A_133 = arith.constant 16 : index
    %swap3A_134 = tpu.vector_load %arg8[%swap3A_133] {strides = array<i32>} : memref<256xf32, #tpu.memory_space<vmem>>, vector<16xf32>,
    %swap3A_135 = vector.shape_cast %swap3A_134 : vector<16xf32> to vector<16xf32>
    %swap3A_136 = vector.shape_cast %scan3A_128#1 : vector<16xf32> to vector<16xf32>
    tpu.vector_store %arg8[%swap3A_133], %swap3A_136 {strides = array<i32>} : memref<256xf32, #tpu.memory_space<vmem>>, vector<16xf32>,
    %swap3A_137 = arith.constant 32 : index
    %swap3A_138 = tpu.vector_load %arg8[%swap3A_137] {strides = array<i32>} : memref<256xf32, #tpu.memory_space<vmem>>, vector<16xf32>,
    %swap3A_139 = vector.shape_cast %swap3A_138 : vector<16xf32> to vector<16xf32>
    %swap3A_140 = vector.shape_cast %scan3A_128#2 : vector<16xf32> to vector<16xf32>
    tpu.vector_store %arg8[%swap3A_137], %swap3A_140 {strides = array<i32>} : memref<256xf32, #tpu.memory_space<vmem>>, vector<16xf32>,
    %swap3A_141 = arith.constant 48 : index
    %swap3A_142 = tpu.vector_load %arg8[%swap3A_141] {strides = array<i32>} : memref<256xf32, #tpu.memory_space<vmem>>, vector<16xf32>,
    %swap3A_143 = vector.shape_cast %swap3A_142 : vector<16xf32> to vector<16xf32>
    %swap3A_144 = vector.shape_cast %scan3A_128#3 : vector<16xf32> to vector<16xf32>
    tpu.vector_store %arg8[%swap3A_141], %swap3A_144 {strides = array<i32>} : memref<256xf32, #tpu.memory_space<vmem>>, vector<16xf32>,
    %swap3A_145 = arith.constant 64 : index
    %swap3A_146 = tpu.vector_load %arg8[%swap3A_145] {strides = array<i32>} : memref<256xf32, #tpu.memory_space<vmem>>, vector<16xf32>,
    %swap3A_147 = vector.shape_cast %swap3A_146 : vector<16xf32> to vector<16xf32>
    %swap3A_148 = vector.shape_cast %scan3A_128#4 : vector<16xf32> to vector<16xf32>
    tpu.vector_store %arg8[%swap3A_145], %swap3A_148 {strides = array<i32>} : memref<256xf32, #tpu.memory_space<vmem>>, vector<16xf32>,
    %swap3A_149 = arith.constant 80 : index
    %swap3A_150 = tpu.vector_load %arg8[%swap3A_149] {strides = array<i32>} : memref<256xf32, #tpu.memory_space<vmem>>, vector<16xf32>,
    %swap3A_151 = vector.shape_cast %swap3A_150 : vector<16xf32> to vector<16xf32>
    %swap3A_152 = vector.shape_cast %scan3A_128#5 : vector<16xf32> to vector<16xf32>
    tpu.vector_store %arg8[%swap3A_149], %swap3A_152 {strides = array<i32>} : memref<256xf32, #tpu.memory_space<vmem>>, vector<16xf32>,
    %swap3A_153 = arith.constant 96 : index
    %swap3A_154 = tpu.vector_load %arg8[%swap3A_153] {strides = array<i32>} : memref<256xf32, #tpu.memory_space<vmem>>, vector<16xf32>,
    %swap3A_155 = vector.shape_cast %swap3A_154 : vector<16xf32> to vector<16xf32>
    %swap3A_156 = vector.shape_cast %scan3A_128#6 : vector<16xf32> to vector<16xf32>
    tpu.vector_store %arg8[%swap3A_153], %swap3A_156 {strides = array<i32>} : memref<256xf32, #tpu.memory_space<vmem>>, vector<16xf32>,
    %swap3A_157 = arith.constant 112 : index
    %swap3A_158 = tpu.vector_load %arg8[%swap3A_157] {strides = array<i32>} : memref<256xf32, #tpu.memory_space<vmem>>, vector<16xf32>,
    %swap3A_159 = vector.shape_cast %swap3A_158 : vector<16xf32> to vector<16xf32>
    %swap3A_160 = vector.shape_cast %scan3A_128#7 : vector<16xf32> to vector<16xf32>
    tpu.vector_store %arg8[%swap3A_157], %swap3A_160 {strides = array<i32>} : memref<256xf32, #tpu.memory_space<vmem>>, vector<16xf32>,
    %swap3A_161 = arith.constant 128 : index
    %swap3A_162 = tpu.vector_load %arg8[%swap3A_161] {strides = array<i32>} : memref<256xf32, #tpu.memory_space<vmem>>, vector<16xf32>,
    %swap3A_163 = vector.shape_cast %swap3A_162 : vector<16xf32> to vector<16xf32>
    %swap3A_164 = vector.shape_cast %scan3A_128#8 : vector<16xf32> to vector<16xf32>
    tpu.vector_store %arg8[%swap3A_161], %swap3A_164 {strides = array<i32>} : memref<256xf32, #tpu.memory_space<vmem>>, vector<16xf32>,
    %swap3A_165 = arith.constant 144 : index
    %swap3A_166 = tpu.vector_load %arg8[%swap3A_165] {strides = array<i32>} : memref<256xf32, #tpu.memory_space<vmem>>, vector<16xf32>,
    %swap3A_167 = vector.shape_cast %swap3A_166 : vector<16xf32> to vector<16xf32>
    %swap3A_168 = vector.shape_cast %scan3A_128#9 : vector<16xf32> to vector<16xf32>
    tpu.vector_store %arg8[%swap3A_165], %swap3A_168 {strides = array<i32>} : memref<256xf32, #tpu.memory_space<vmem>>, vector<16xf32>,
    %swap3A_169 = arith.constant 160 : index
    %swap3A_170 = tpu.vector_load %arg8[%swap3A_169] {strides = array<i32>} : memref<256xf32, #tpu.memory_space<vmem>>, vector<16xf32>,
    %swap3A_171 = vector.shape_cast %swap3A_170 : vector<16xf32> to vector<16xf32>
    %swap3A_172 = vector.shape_cast %scan3A_128#10 : vector<16xf32> to vector<16xf32>
    tpu.vector_store %arg8[%swap3A_169], %swap3A_172 {strides = array<i32>} : memref<256xf32, #tpu.memory_space<vmem>>, vector<16xf32>,
    %swap3A_173 = arith.constant 176 : index
    %swap3A_174 = tpu.vector_load %arg8[%swap3A_173] {strides = array<i32>} : memref<256xf32, #tpu.memory_space<vmem>>, vector<16xf32>,
    %swap3A_175 = vector.shape_cast %swap3A_174 : vector<16xf32> to vector<16xf32>
    %swap3A_176 = vector.shape_cast %scan3A_128#11 : vector<16xf32> to vector<16xf32>
    tpu.vector_store %arg8[%swap3A_173], %swap3A_176 {strides = array<i32>} : memref<256xf32, #tpu.memory_space<vmem>>, vector<16xf32>,
    %swap3A_177 = arith.constant 192 : index
    %swap3A_178 = tpu.vector_load %arg8[%swap3A_177] {strides = array<i32>} : memref<256xf32, #tpu.memory_space<vmem>>, vector<16xf32>,
    %swap3A_179 = vector.shape_cast %swap3A_178 : vector<16xf32> to vector<16xf32>
    %swap3A_180 = vector.shape_cast %scan3A_128#12 : vector<16xf32> to vector<16xf32>
    tpu.vector_store %arg8[%swap3A_177], %swap3A_180 {strides = array<i32>} : memref<256xf32, #tpu.memory_space<vmem>>, vector<16xf32>,
    %swap3A_181 = arith.constant 208 : index
    %swap3A_182 = tpu.vector_load %arg8[%swap3A_181] {strides = array<i32>} : memref<256xf32, #tpu.memory_space<vmem>>, vector<16xf32>,
    %swap3A_183 = vector.shape_cast %swap3A_182 : vector<16xf32> to vector<16xf32>
    %swap3A_184 = vector.shape_cast %scan3A_128#13 : vector<16xf32> to vector<16xf32>
    tpu.vector_store %arg8[%swap3A_181], %swap3A_184 {strides = array<i32>} : memref<256xf32, #tpu.memory_space<vmem>>, vector<16xf32>,
    %swap3A_185 = arith.constant 224 : index
    %swap3A_186 = tpu.vector_load %arg8[%swap3A_185] {strides = array<i32>} : memref<256xf32, #tpu.memory_space<vmem>>, vector<16xf32>,
    %swap3A_187 = vector.shape_cast %swap3A_186 : vector<16xf32> to vector<16xf32>
    %swap3A_188 = vector.shape_cast %scan3A_128#14 : vector<16xf32> to vector<16xf32>
    tpu.vector_store %arg8[%swap3A_185], %swap3A_188 {strides = array<i32>} : memref<256xf32, #tpu.memory_space<vmem>>, vector<16xf32>,
    %swap3A_189 = arith.constant 240 : index
    %swap3A_190 = tpu.vector_load %arg8[%swap3A_189] {strides = array<i32>} : memref<256xf32, #tpu.memory_space<vmem>>, vector<16xf32>,
    %swap3A_191 = vector.shape_cast %swap3A_190 : vector<16xf32> to vector<16xf32>
    %swap3A_192 = vector.shape_cast %scan3A_128#15 : vector<16xf32> to vector<16xf32>
    tpu.vector_store %arg8[%swap3A_189], %swap3A_192 {strides = array<i32>} : memref<256xf32, #tpu.memory_space<vmem>>, vector<16xf32>,
    %mul3A_193 = arith.constant 2 : i32
    %mul3A_194 = arith.muli %arg1, %mul3A_193 : i32
    %mul3A_195 = arith.constant 128 : i32
    %mul3A_196 = arith.muli %mul3A_194, %mul3A_195 : i32
    %multiple_of3A_197 = tpu.assume_multiple %mul3A_196, 256 : i32
    "tpu.region"() ({
      %run_scoped3A = tpu.sem_alloc : memref<!tpu.dma_semaphore, #tpu.memory_space<semaphore_mem>>
      %dma_start3A_1281 = tpu.memref_slice %arg10[%multiple_of3A_197] : memref<4096xf32, #tpu.memory_space<vmem_shared>> -> memref<256xf32, #tpu.memory_space<vmem_shared>>
      %dma_start3A_1282 = tpu.memref_slice %arg10[%multiple_of3A_197] : memref<4096xf32, #tpu.memory_space<vmem_shared>> -> memref<256xf32, #tpu.memory_space<vmem_shared>>
      tpu.enqueue_dma source(%arg8 : memref<256xf32, #tpu.memory_space<vmem>>) target(%dma_start3A_1282 : memref<256xf32, #tpu.memory_space<vmem_shared>>) target_semaphore(%run_scoped3A : memref<!tpu.dma_semaphore, #tpu.memory_space<semaphore_mem>>)
      %dma_wait3A_1283 = tpu.memref_slice %arg10[%multiple_of3A_197] : memref<4096xf32, #tpu.memory_space<vmem_shared>> -> memref<256xf32, #tpu.memory_space<vmem_shared>>
      %dma_wait3A_1284 = tpu.memref_slice %arg10[%multiple_of3A_197] : memref<4096xf32, #tpu.memory_space<vmem_shared>> -> memref<256xf32, #tpu.memory_space<vmem_shared>>
      tpu.wait_dma2 semaphore(%run_scoped3A : memref<!tpu.dma_semaphore, #tpu.memory_space<semaphore_mem>>) src(%arg8 : memref<256xf32, #tpu.memory_space<vmem>>) dst(%dma_wait3A_1284 : memref<256xf32, #tpu.memory_space<vmem_shared>>)
      tpu.yield
    }) : () -> ()
    %barrier3A = arith.constant 0 : index
    tpu.barrier barrier_id(%barrier3A)
    %and3A = arith.constant 8 : i32
    %and3A_198 = arith.andi %arg1, %and3A : i32
    %mul3A_199 = arith.constant 2 : i32
    %mul3A_200 = arith.muli %and3A_198, %mul3A_199 : i32
    %mul3A_201 = arith.constant 128 : i32
    %mul3A_202 = arith.muli %mul3A_200, %mul3A_201 : i32
    %multiple_of3A_203 = tpu.assume_multiple %mul3A_202, 2048 : i32
    "tpu.region"() ({
      %run_scoped3A = tpu.sem_alloc : memref<!tpu.dma_semaphore, #tpu.memory_space<semaphore_mem>>
      %dma_start3A_1281 = tpu.memref_slice %arg10[%multiple_of3A_203] : memref<4096xf32, #tpu.memory_space<vmem_shared>> -> memref<2048xf32, #tpu.memory_space<vmem_shared>>
      %dma_start3A_1282 = tpu.memref_slice %arg10[%multiple_of3A_203] : memref<4096xf32, #tpu.memory_space<vmem_shared>> -> memref<2048xf32, #tpu.memory_space<vmem_shared>>
      tpu.enqueue_dma source(%dma_start3A_1282 : memref<2048xf32, #tpu.memory_space<vmem_shared>>) target(%arg9 : memref<2048xf32, #tpu.memory_space<vmem>>) target_semaphore(%run_scoped3A : memref<!tpu.dma_semaphore, #tpu.memory_space<semaphore_mem>>)
      %dma_wait3A_1283 = tpu.memref_slice %arg10[%multiple_of3A_203] : memref<4096xf32, #tpu.memory_space<vmem_shared>> -> memref<2048xf32, #tpu.memory_space<vmem_shared>>
      %dma_wait3A_1284 = tpu.memref_slice %arg10[%multiple_of3A_203] : memref<4096xf32, #tpu.memory_space<vmem_shared>> -> memref<2048xf32, #tpu.memory_space<vmem_shared>>
      tpu.wait_dma2 semaphore(%run_scoped3A : memref<!tpu.dma_semaphore, #tpu.memory_space<semaphore_mem>>) src(%dma_wait3A_1284 : memref<2048xf32, #tpu.memory_space<vmem_shared>>) dst(%arg9 : memref<2048xf32, #tpu.memory_space<vmem>>)
      tpu.yield
    }) : () -> ()
    %get3A = arith.constant 0 : index
    %get3A_204 = tpu.vector_load %arg9[%get3A] {strides = array<i32>} : memref<2048xf32, #tpu.memory_space<vmem>>, vector<16xf32>,
    %get3A_205 = vector.shape_cast %get3A_204 : vector<16xf32> to vector<16xf32>
    %get3A_206 = arith.constant 256 : index
    %get3A_207 = tpu.vector_load %arg9[%get3A_206] {strides = array<i32>} : memref<2048xf32, #tpu.memory_space<vmem>>, vector<16xf32>,
    %get3A_208 = vector.shape_cast %get3A_207 : vector<16xf32> to vector<16xf32>
    %add3A_209 = arith.addf %get3A_205, %get3A_208 : vector<16xf32>
    %get3A_210 = arith.constant 512 : index
    %get3A_211 = tpu.vector_load %arg9[%get3A_210] {strides = array<i32>} : memref<2048xf32, #tpu.memory_space<vmem>>, vector<16xf32>,
    %get3A_212 = vector.shape_cast %get3A_211 : vector<16xf32> to vector<16xf32>
    %add3A_213 = arith.addf %add3A_209, %get3A_212 : vector<16xf32>
    %get3A_214 = arith.constant 768 : index
    %get3A_215 = tpu.vector_load %arg9[%get3A_214] {strides = array<i32>} : memref<2048xf32, #tpu.memory_space<vmem>>, vector<16xf32>,
    %get3A_216 = vector.shape_cast %get3A_215 : vector<16xf32> to vector<16xf32>
    %add3A_217 = arith.addf %add3A_213, %get3A_216 : vector<16xf32>
    %get3A_218 = arith.constant 1024 : index
    %get3A_219 = tpu.vector_load %arg9[%get3A_218] {strides = array<i32>} : memref<2048xf32, #tpu.memory_space<vmem>>, vector<16xf32>,
    %get3A_220 = vector.shape_cast %get3A_219 : vector<16xf32> to vector<16xf32>
    %add3A_221 = arith.addf %add3A_217, %get3A_220 : vector<16xf32>
    %get3A_222 = arith.constant 1280 : index
    %get3A_223 = tpu.vector_load %arg9[%get3A_222] {strides = array<i32>} : memref<2048xf32, #tpu.memory_space<vmem>>, vector<16xf32>,
    %get3A_224 = vector.shape_cast %get3A_223 : vector<16xf32> to vector<16xf32>
    %add3A_225 = arith.addf %add3A_221, %get3A_224 : vector<16xf32>
    %get3A_226 = arith.constant 1536 : index
    %get3A_227 = tpu.vector_load %arg9[%get3A_226] {strides = array<i32>} : memref<2048xf32, #tpu.memory_space<vmem>>, vector<16xf32>,
    %get3A_228 = vector.shape_cast %get3A_227 : vector<16xf32> to vector<16xf32>
    %add3A_229 = arith.addf %add3A_225, %get3A_228 : vector<16xf32>
    %get3A_230 = arith.constant 1792 : index
    %get3A_231 = tpu.vector_load %arg9[%get3A_230] {strides = array<i32>} : memref<2048xf32, #tpu.memory_space<vmem>>, vector<16xf32>,
    %get3A_232 = vector.shape_cast %get3A_231 : vector<16xf32> to vector<16xf32>
    %add3A_233 = arith.addf %add3A_229, %get3A_232 : vector<16xf32>
    %bitcast_convert_type3A = tpu.bitcast %add3A_233 : vector<16xf32> -> vector<16xi32>
    %shift_right_logical3A_234 = arith.constant 1 : i32
    %shift_right_logical3A_235 = vector.broadcast %shift_right_logical3A_234 : i32 to vector<16xi32>
    %shift_right_logical3A_236 = arith.shrui %bitcast_convert_type3A, %shift_right_logical3A_235 : vector<16xi32>
    %sub3A = arith.constant 1597463007 : i32
    %sub3A_237 = vector.broadcast %sub3A : i32 to vector<16xi32>
    %sub3A_238 = arith.subi %sub3A_237, %shift_right_logical3A_236 : vector<16xi32>
    %bitcast_convert_type3A_239 = tpu.bitcast %sub3A_238 : vector<16xi32> -> vector<16xf32>
    %mul3A_240 = arith.constant 5.000000e-01 : f32
    %mul3A_241 = vector.broadcast %mul3A_240 : f32 to vector<16xf32>
    %mul3A_242 = arith.mulf %add3A_233, %mul3A_241 : vector<16xf32>
    %mul3A_243 = arith.mulf %mul3A_242, %bitcast_convert_type3A_239 : vector<16xf32>
    %mul3A_244 = arith.mulf %mul3A_243, %bitcast_convert_type3A_239 : vector<16xf32>
    %sub3A_245 = arith.constant 1.500000e+00 : f32
    %sub3A_246 = vector.broadcast %sub3A_245 : f32 to vector<16xf32>
    %sub3A_247 = arith.subf %sub3A_246, %mul3A_244 : vector<16xf32>
    %mul3A_248 = arith.mulf %bitcast_convert_type3A_239, %sub3A_247 : vector<16xf32>
    %mul3A_249 = arith.mulf %mul3A_242, %mul3A_248 : vector<16xf32>
    %mul3A_250 = arith.mulf %mul3A_249, %mul3A_248 : vector<16xf32>
    %sub3A_251 = arith.constant 1.500000e+00 : f32
    %sub3A_252 = vector.broadcast %sub3A_251 : f32 to vector<16xf32>
    %sub3A_253 = arith.subf %sub3A_252, %mul3A_250 : vector<16xf32>
    %mul3A_254 = arith.mulf %mul3A_248, %sub3A_253 : vector<16xf32>
    %mul3A_255 = arith.mulf %mul3A_242, %mul3A_254 : vector<16xf32>
    %mul3A_256 = arith.mulf %mul3A_255, %mul3A_254 : vector<16xf32>
    %sub3A_257 = arith.constant 1.500000e+00 : f32
    %sub3A_258 = vector.broadcast %sub3A_257 : f32 to vector<16xf32>
    %sub3A_259 = arith.subf %sub3A_258, %mul3A_256 : vector<16xf32>
    %mul3A_260 = arith.mulf %mul3A_254, %sub3A_259 : vector<16xf32>
    %mul3A_261 = arith.mulf %add3A_233, %mul3A_260 : vector<16xf32>
    %add3A_262 = arith.constant 1.000000e-07 : f32
    %add3A_263 = vector.broadcast %add3A_262 : f32 to vector<16xf32>
    %add3A_264 = arith.addf %mul3A_261, %add3A_263 : vector<16xf32>
    %div3A = arith.constant 1.000000e+00 : f32
    %div3A_265 = vector.broadcast %div3A : f32 to vector<16xf32>
    %div3A_266 = arith.divf %div3A_265, %add3A_264 : vector<16xf32>
    %get3A_267 = arith.constant 16 : index
    %get3A_268 = tpu.vector_load %arg9[%get3A_267] {strides = array<i32>} : memref<2048xf32, #tpu.memory_space<vmem>>, vector<16xf32>,
    %get3A_269 = vector.shape_cast %get3A_268 : vector<16xf32> to vector<16xf32>
    %get3A_270 = arith.constant 272 : index
    %get3A_271 = tpu.vector_load %arg9[%get3A_270] {strides = array<i32>} : memref<2048xf32, #tpu.memory_space<vmem>>, vector<16xf32>,
    %get3A_272 = vector.shape_cast %get3A_271 : vector<16xf32> to vector<16xf32>
    %add3A_273 = arith.addf %get3A_269, %get3A_272 : vector<16xf32>
    %get3A_274 = arith.constant 528 : index
    %get3A_275 = tpu.vector_load %arg9[%get3A_274] {strides = array<i32>} : memref<2048xf32, #tpu.memory_space<vmem>>, vector<16xf32>,
    %get3A_276 = vector.shape_cast %get3A_275 : vector<16xf32> to vector<16xf32>
    %add3A_277 = arith.addf %add3A_273, %get3A_276 : vector<16xf32>
    %get3A_278 = arith.constant 784 : index
    %get3A_279 = tpu.vector_load %arg9[%get3A_278] {strides = array<i32>} : memref<2048xf32, #tpu.memory_space<vmem>>, vector<16xf32>,
    %get3A_280 = vector.shape_cast %get3A_279 : vector<16xf32> to vector<16xf32>
    %add3A_281 = arith.addf %add3A_277, %get3A_280 : vector<16xf32>
    %get3A_282 = arith.constant 1040 : index
    %get3A_283 = tpu.vector_load %arg9[%get3A_282] {strides = array<i32>} : memref<2048xf32, #tpu.memory_space<vmem>>, vector<16xf32>,
    %get3A_284 = vector.shape_cast %get3A_283 : vector<16xf32> to vector<16xf32>
    %add3A_285 = arith.addf %add3A_281, %get3A_284 : vector<16xf32>
    %get3A_286 = arith.constant 1296 : index
    %get3A_287 = tpu.vector_load %arg9[%get3A_286] {strides = array<i32>} : memref<2048xf32, #tpu.memory_space<vmem>>, vector<16xf32>,
    %get3A_288 = vector.shape_cast %get3A_287 : vector<16xf32> to vector<16xf32>
    %add3A_289 = arith.addf %add3A_285, %get3A_288 : vector<16xf32>
    %get3A_290 = arith.constant 1552 : index
    %get3A_291 = tpu.vector_load %arg9[%get3A_290] {strides = array<i32>} : memref<2048xf32, #tpu.memory_space<vmem>>, vector<16xf32>,
    %get3A_292 = vector.shape_cast %get3A_291 : vector<16xf32> to vector<16xf32>
    %add3A_293 = arith.addf %add3A_289, %get3A_292 : vector<16xf32>
    %get3A_294 = arith.constant 1808 : index
    %get3A_295 = tpu.vector_load %arg9[%get3A_294] {strides = array<i32>} : memref<2048xf32, #tpu.memory_space<vmem>>, vector<16xf32>,
    %get3A_296 = vector.shape_cast %get3A_295 : vector<16xf32> to vector<16xf32>
    %add3A_297 = arith.addf %add3A_293, %get3A_296 : vector<16xf32>
    %bitcast_convert_type3A_298 = tpu.bitcast %add3A_297 : vector<16xf32> -> vector<16xi32>
    %shift_right_logical3A_299 = arith.constant 1 : i32
    %shift_right_logical3A_300 = vector.broadcast %shift_right_logical3A_299 : i32 to vector<16xi32>
    %shift_right_logical3A_301 = arith.shrui %bitcast_convert_type3A_298, %shift_right_logical3A_300 : vector<16xi32>
    %sub3A_302 = arith.constant 1597463007 : i32
    %sub3A_303 = vector.broadcast %sub3A_302 : i32 to vector<16xi32>
    %sub3A_304 = arith.subi %sub3A_303, %shift_right_logical3A_301 : vector<16xi32>
    %bitcast_convert_type3A_305 = tpu.bitcast %sub3A_304 : vector<16xi32> -> vector<16xf32>
    %mul3A_306 = arith.constant 5.000000e-01 : f32
    %mul3A_307 = vector.broadcast %mul3A_306 : f32 to vector<16xf32>
    %mul3A_308 = arith.mulf %add3A_297, %mul3A_307 : vector<16xf32>
    %mul3A_309 = arith.mulf %mul3A_308, %bitcast_convert_type3A_305 : vector<16xf32>
    %mul3A_310 = arith.mulf %mul3A_309, %bitcast_convert_type3A_305 : vector<16xf32>
    %sub3A_311 = arith.constant 1.500000e+00 : f32
    %sub3A_312 = vector.broadcast %sub3A_311 : f32 to vector<16xf32>
    %sub3A_313 = arith.subf %sub3A_312, %mul3A_310 : vector<16xf32>
    %mul3A_314 = arith.mulf %bitcast_convert_type3A_305, %sub3A_313 : vector<16xf32>
    %mul3A_315 = arith.mulf %mul3A_308, %mul3A_314 : vector<16xf32>
    %mul3A_316 = arith.mulf %mul3A_315, %mul3A_314 : vector<16xf32>
    %sub3A_317 = arith.constant 1.500000e+00 : f32
    %sub3A_318 = vector.broadcast %sub3A_317 : f32 to vector<16xf32>
    %sub3A_319 = arith.subf %sub3A_318, %mul3A_316 : vector<16xf32>
    %mul3A_320 = arith.mulf %mul3A_314, %sub3A_319 : vector<16xf32>
    %mul3A_321 = arith.mulf %mul3A_308, %mul3A_320 : vector<16xf32>
    %mul3A_322 = arith.mulf %mul3A_321, %mul3A_320 : vector<16xf32>
    %sub3A_323 = arith.constant 1.500000e+00 : f32
    %sub3A_324 = vector.broadcast %sub3A_323 : f32 to vector<16xf32>
    %sub3A_325 = arith.subf %sub3A_324, %mul3A_322 : vector<16xf32>
    %mul3A_326 = arith.mulf %mul3A_320, %sub3A_325 : vector<16xf32>
    %mul3A_327 = arith.mulf %add3A_297, %mul3A_326 : vector<16xf32>
    %add3A_328 = arith.constant 1.000000e-07 : f32
    %add3A_329 = vector.broadcast %add3A_328 : f32 to vector<16xf32>
    %add3A_330 = arith.addf %mul3A_327, %add3A_329 : vector<16xf32>
    %div3A_331 = arith.constant 1.000000e+00 : f32
    %div3A_332 = vector.broadcast %div3A_331 : f32 to vector<16xf32>
    %div3A_333 = arith.divf %div3A_332, %add3A_330 : vector<16xf32>
    %get3A_334 = arith.constant 32 : index
    %get3A_335 = tpu.vector_load %arg9[%get3A_334] {strides = array<i32>} : memref<2048xf32, #tpu.memory_space<vmem>>, vector<16xf32>,
    %get3A_336 = vector.shape_cast %get3A_335 : vector<16xf32> to vector<16xf32>
    %get3A_337 = arith.constant 288 : index
    %get3A_338 = tpu.vector_load %arg9[%get3A_337] {strides = array<i32>} : memref<2048xf32, #tpu.memory_space<vmem>>, vector<16xf32>,
    %get3A_339 = vector.shape_cast %get3A_338 : vector<16xf32> to vector<16xf32>
    %add3A_340 = arith.addf %get3A_336, %get3A_339 : vector<16xf32>
    %get3A_341 = arith.constant 544 : index
    %get3A_342 = tpu.vector_load %arg9[%get3A_341] {strides = array<i32>} : memref<2048xf32, #tpu.memory_space<vmem>>, vector<16xf32>,
    %get3A_343 = vector.shape_cast %get3A_342 : vector<16xf32> to vector<16xf32>
    %add3A_344 = arith.addf %add3A_340, %get3A_343 : vector<16xf32>
    %get3A_345 = arith.constant 800 : index
    %get3A_346 = tpu.vector_load %arg9[%get3A_345] {strides = array<i32>} : memref<2048xf32, #tpu.memory_space<vmem>>, vector<16xf32>,
    %get3A_347 = vector.shape_cast %get3A_346 : vector<16xf32> to vector<16xf32>
    %add3A_348 = arith.addf %add3A_344, %get3A_347 : vector<16xf32>
    %get3A_349 = arith.constant 1056 : index
    %get3A_350 = tpu.vector_load %arg9[%get3A_349] {strides = array<i32>} : memref<2048xf32, #tpu.memory_space<vmem>>, vector<16xf32>,
    %get3A_351 = vector.shape_cast %get3A_350 : vector<16xf32> to vector<16xf32>
    %add3A_352 = arith.addf %add3A_348, %get3A_351 : vector<16xf32>
    %get3A_353 = arith.constant 1312 : index
    %get3A_354 = tpu.vector_load %arg9[%get3A_353] {strides = array<i32>} : memref<2048xf32, #tpu.memory_space<vmem>>, vector<16xf32>,
    %get3A_355 = vector.shape_cast %get3A_354 : vector<16xf32> to vector<16xf32>
    %add3A_356 = arith.addf %add3A_352, %get3A_355 : vector<16xf32>
    %get3A_357 = arith.constant 1568 : index
    %get3A_358 = tpu.vector_load %arg9[%get3A_357] {strides = array<i32>} : memref<2048xf32, #tpu.memory_space<vmem>>, vector<16xf32>,
    %get3A_359 = vector.shape_cast %get3A_358 : vector<16xf32> to vector<16xf32>
    %add3A_360 = arith.addf %add3A_356, %get3A_359 : vector<16xf32>
    %get3A_361 = arith.constant 1824 : index
    %get3A_362 = tpu.vector_load %arg9[%get3A_361] {strides = array<i32>} : memref<2048xf32, #tpu.memory_space<vmem>>, vector<16xf32>,
    %get3A_363 = vector.shape_cast %get3A_362 : vector<16xf32> to vector<16xf32>
    %add3A_364 = arith.addf %add3A_360, %get3A_363 : vector<16xf32>
    %bitcast_convert_type3A_365 = tpu.bitcast %add3A_364 : vector<16xf32> -> vector<16xi32>
    %shift_right_logical3A_366 = arith.constant 1 : i32
    %shift_right_logical3A_367 = vector.broadcast %shift_right_logical3A_366 : i32 to vector<16xi32>
    %shift_right_logical3A_368 = arith.shrui %bitcast_convert_type3A_365, %shift_right_logical3A_367 : vector<16xi32>
    %sub3A_369 = arith.constant 1597463007 : i32
    %sub3A_370 = vector.broadcast %sub3A_369 : i32 to vector<16xi32>
    %sub3A_371 = arith.subi %sub3A_370, %shift_right_logical3A_368 : vector<16xi32>
    %bitcast_convert_type3A_372 = tpu.bitcast %sub3A_371 : vector<16xi32> -> vector<16xf32>
    %mul3A_373 = arith.constant 5.000000e-01 : f32
    %mul3A_374 = vector.broadcast %mul3A_373 : f32 to vector<16xf32>
    %mul3A_375 = arith.mulf %add3A_364, %mul3A_374 : vector<16xf32>
    %mul3A_376 = arith.mulf %mul3A_375, %bitcast_convert_type3A_372 : vector<16xf32>
    %mul3A_377 = arith.mulf %mul3A_376, %bitcast_convert_type3A_372 : vector<16xf32>
    %sub3A_378 = arith.constant 1.500000e+00 : f32
    %sub3A_379 = vector.broadcast %sub3A_378 : f32 to vector<16xf32>
    %sub3A_380 = arith.subf %sub3A_379, %mul3A_377 : vector<16xf32>
    %mul3A_381 = arith.mulf %bitcast_convert_type3A_372, %sub3A_380 : vector<16xf32>
    %mul3A_382 = arith.mulf %mul3A_375, %mul3A_381 : vector<16xf32>
    %mul3A_383 = arith.mulf %mul3A_382, %mul3A_381 : vector<16xf32>
    %sub3A_384 = arith.constant 1.500000e+00 : f32
    %sub3A_385 = vector.broadcast %sub3A_384 : f32 to vector<16xf32>
    %sub3A_386 = arith.subf %sub3A_385, %mul3A_383 : vector<16xf32>
    %mul3A_387 = arith.mulf %mul3A_381, %sub3A_386 : vector<16xf32>
    %mul3A_388 = arith.mulf %mul3A_375, %mul3A_387 : vector<16xf32>
    %mul3A_389 = arith.mulf %mul3A_388, %mul3A_387 : vector<16xf32>
    %sub3A_390 = arith.constant 1.500000e+00 : f32
    %sub3A_391 = vector.broadcast %sub3A_390 : f32 to vector<16xf32>
    %sub3A_392 = arith.subf %sub3A_391, %mul3A_389 : vector<16xf32>
    %mul3A_393 = arith.mulf %mul3A_387, %sub3A_392 : vector<16xf32>
    %mul3A_394 = arith.mulf %add3A_364, %mul3A_393 : vector<16xf32>
    %add3A_395 = arith.constant 1.000000e-07 : f32
    %add3A_396 = vector.broadcast %add3A_395 : f32 to vector<16xf32>
    %add3A_397 = arith.addf %mul3A_394, %add3A_396 : vector<16xf32>
    %div3A_398 = arith.constant 1.000000e+00 : f32
    %div3A_399 = vector.broadcast %div3A_398 : f32 to vector<16xf32>
    %div3A_400 = arith.divf %div3A_399, %add3A_397 : vector<16xf32>
    %get3A_401 = arith.constant 48 : index
    %get3A_402 = tpu.vector_load %arg9[%get3A_401] {strides = array<i32>} : memref<2048xf32, #tpu.memory_space<vmem>>, vector<16xf32>,
    %get3A_403 = vector.shape_cast %get3A_402 : vector<16xf32> to vector<16xf32>
    %get3A_404 = arith.constant 304 : index
    %get3A_405 = tpu.vector_load %arg9[%get3A_404] {strides = array<i32>} : memref<2048xf32, #tpu.memory_space<vmem>>, vector<16xf32>,
    %get3A_406 = vector.shape_cast %get3A_405 : vector<16xf32> to vector<16xf32>
    %add3A_407 = arith.addf %get3A_403, %get3A_406 : vector<16xf32>
    %get3A_408 = arith.constant 560 : index
    %get3A_409 = tpu.vector_load %arg9[%get3A_408] {strides = array<i32>} : memref<2048xf32, #tpu.memory_space<vmem>>, vector<16xf32>,
    %get3A_410 = vector.shape_cast %get3A_409 : vector<16xf32> to vector<16xf32>
    %add3A_411 = arith.addf %add3A_407, %get3A_410 : vector<16xf32>
    %get3A_412 = arith.constant 816 : index
    %get3A_413 = tpu.vector_load %arg9[%get3A_412] {strides = array<i32>} : memref<2048xf32, #tpu.memory_space<vmem>>, vector<16xf32>,
    %get3A_414 = vector.shape_cast %get3A_413 : vector<16xf32> to vector<16xf32>
    %add3A_415 = arith.addf %add3A_411, %get3A_414 : vector<16xf32>
    %get3A_416 = arith.constant 1072 : index
    %get3A_417 = tpu.vector_load %arg9[%get3A_416] {strides = array<i32>} : memref<2048xf32, #tpu.memory_space<vmem>>, vector<16xf32>,
    %get3A_418 = vector.shape_cast %get3A_417 : vector<16xf32> to vector<16xf32>
    %add3A_419 = arith.addf %add3A_415, %get3A_418 : vector<16xf32>
    %get3A_420 = arith.constant 1328 : index
    %get3A_421 = tpu.vector_load %arg9[%get3A_420] {strides = array<i32>} : memref<2048xf32, #tpu.memory_space<vmem>>, vector<16xf32>,
    %get3A_422 = vector.shape_cast %get3A_421 : vector<16xf32> to vector<16xf32>
    %add3A_423 = arith.addf %add3A_419, %get3A_422 : vector<16xf32>
    %get3A_424 = arith.constant 1584 : index
    %get3A_425 = tpu.vector_load %arg9[%get3A_424] {strides = array<i32>} : memref<2048xf32, #tpu.memory_space<vmem>>, vector<16xf32>,
    %get3A_426 = vector.shape_cast %get3A_425 : vector<16xf32> to vector<16xf32>
    %add3A_427 = arith.addf %add3A_423, %get3A_426 : vector<16xf32>
    %get3A_428 = arith.constant 1840 : index
    %get3A_429 = tpu.vector_load %arg9[%get3A_428] {strides = array<i32>} : memref<2048xf32, #tpu.memory_space<vmem>>, vector<16xf32>,
    %get3A_430 = vector.shape_cast %get3A_429 : vector<16xf32> to vector<16xf32>
    %add3A_431 = arith.addf %add3A_427, %get3A_430 : vector<16xf32>
    %bitcast_convert_type3A_432 = tpu.bitcast %add3A_431 : vector<16xf32> -> vector<16xi32>
    %shift_right_logical3A_433 = arith.constant 1 : i32
    %shift_right_logical3A_434 = vector.broadcast %shift_right_logical3A_433 : i32 to vector<16xi32>
    %shift_right_logical3A_435 = arith.shrui %bitcast_convert_type3A_432, %shift_right_logical3A_434 : vector<16xi32>
    %sub3A_436 = arith.constant 1597463007 : i32
    %sub3A_437 = vector.broadcast %sub3A_436 : i32 to vector<16xi32>
    %sub3A_438 = arith.subi %sub3A_437, %shift_right_logical3A_435 : vector<16xi32>
    %bitcast_convert_type3A_439 = tpu.bitcast %sub3A_438 : vector<16xi32> -> vector<16xf32>
    %mul3A_440 = arith.constant 5.000000e-01 : f32
    %mul3A_441 = vector.broadcast %mul3A_440 : f32 to vector<16xf32>
    %mul3A_442 = arith.mulf %add3A_431, %mul3A_441 : vector<16xf32>
    %mul3A_443 = arith.mulf %mul3A_442, %bitcast_convert_type3A_439 : vector<16xf32>
    %mul3A_444 = arith.mulf %mul3A_443, %bitcast_convert_type3A_439 : vector<16xf32>
    %sub3A_445 = arith.constant 1.500000e+00 : f32
    %sub3A_446 = vector.broadcast %sub3A_445 : f32 to vector<16xf32>
    %sub3A_447 = arith.subf %sub3A_446, %mul3A_444 : vector<16xf32>
    %mul3A_448 = arith.mulf %bitcast_convert_type3A_439, %sub3A_447 : vector<16xf32>
    %mul3A_449 = arith.mulf %mul3A_442, %mul3A_448 : vector<16xf32>
    %mul3A_450 = arith.mulf %mul3A_449, %mul3A_448 : vector<16xf32>
    %sub3A_451 = arith.constant 1.500000e+00 : f32
    %sub3A_452 = vector.broadcast %sub3A_451 : f32 to vector<16xf32>
    %sub3A_453 = arith.subf %sub3A_452, %mul3A_450 : vector<16xf32>
    %mul3A_454 = arith.mulf %mul3A_448, %sub3A_453 : vector<16xf32>
    %mul3A_455 = arith.mulf %mul3A_442, %mul3A_454 : vector<16xf32>
    %mul3A_456 = arith.mulf %mul3A_455, %mul3A_454 : vector<16xf32>
    %sub3A_457 = arith.constant 1.500000e+00 : f32
    %sub3A_458 = vector.broadcast %sub3A_457 : f32 to vector<16xf32>
    %sub3A_459 = arith.subf %sub3A_458, %mul3A_456 : vector<16xf32>
    %mul3A_460 = arith.mulf %mul3A_454, %sub3A_459 : vector<16xf32>
    %mul3A_461 = arith.mulf %add3A_431, %mul3A_460 : vector<16xf32>
    %add3A_462 = arith.constant 1.000000e-07 : f32
    %add3A_463 = vector.broadcast %add3A_462 : f32 to vector<16xf32>
    %add3A_464 = arith.addf %mul3A_461, %add3A_463 : vector<16xf32>
    %div3A_465 = arith.constant 1.000000e+00 : f32
    %div3A_466 = vector.broadcast %div3A_465 : f32 to vector<16xf32>
    %div3A_467 = arith.divf %div3A_466, %add3A_464 : vector<16xf32>
    %get3A_468 = arith.constant 64 : index
    %get3A_469 = tpu.vector_load %arg9[%get3A_468] {strides = array<i32>} : memref<2048xf32, #tpu.memory_space<vmem>>, vector<16xf32>,
    %get3A_470 = vector.shape_cast %get3A_469 : vector<16xf32> to vector<16xf32>
    %get3A_471 = arith.constant 320 : index
    %get3A_472 = tpu.vector_load %arg9[%get3A_471] {strides = array<i32>} : memref<2048xf32, #tpu.memory_space<vmem>>, vector<16xf32>,
    %get3A_473 = vector.shape_cast %get3A_472 : vector<16xf32> to vector<16xf32>
    %add3A_474 = arith.addf %get3A_470, %get3A_473 : vector<16xf32>
    %get3A_475 = arith.constant 576 : index
    %get3A_476 = tpu.vector_load %arg9[%get3A_475] {strides = array<i32>} : memref<2048xf32, #tpu.memory_space<vmem>>, vector<16xf32>,
    %get3A_477 = vector.shape_cast %get3A_476 : vector<16xf32> to vector<16xf32>
    %add3A_478 = arith.addf %add3A_474, %get3A_477 : vector<16xf32>
    %get3A_479 = arith.constant 832 : index
    %get3A_480 = tpu.vector_load %arg9[%get3A_479] {strides = array<i32>} : memref<2048xf32, #tpu.memory_space<vmem>>, vector<16xf32>,
    %get3A_481 = vector.shape_cast %get3A_480 : vector<16xf32> to vector<16xf32>
    %add3A_482 = arith.addf %add3A_478, %get3A_481 : vector<16xf32>
    %get3A_483 = arith.constant 1088 : index
    %get3A_484 = tpu.vector_load %arg9[%get3A_483] {strides = array<i32>} : memref<2048xf32, #tpu.memory_space<vmem>>, vector<16xf32>,
    %get3A_485 = vector.shape_cast %get3A_484 : vector<16xf32> to vector<16xf32>
    %add3A_486 = arith.addf %add3A_482, %get3A_485 : vector<16xf32>
    %get3A_487 = arith.constant 1344 : index
    %get3A_488 = tpu.vector_load %arg9[%get3A_487] {strides = array<i32>} : memref<2048xf32, #tpu.memory_space<vmem>>, vector<16xf32>,
    %get3A_489 = vector.shape_cast %get3A_488 : vector<16xf32> to vector<16xf32>
    %add3A_490 = arith.addf %add3A_486, %get3A_489 : vector<16xf32>
    %get3A_491 = arith.constant 1600 : index
    %get3A_492 = tpu.vector_load %arg9[%get3A_491] {strides = array<i32>} : memref<2048xf32, #tpu.memory_space<vmem>>, vector<16xf32>,
    %get3A_493 = vector.shape_cast %get3A_492 : vector<16xf32> to vector<16xf32>
    %add3A_494 = arith.addf %add3A_490, %get3A_493 : vector<16xf32>
    %get3A_495 = arith.constant 1856 : index
    %get3A_496 = tpu.vector_load %arg9[%get3A_495] {strides = array<i32>} : memref<2048xf32, #tpu.memory_space<vmem>>, vector<16xf32>,
    %get3A_497 = vector.shape_cast %get3A_496 : vector<16xf32> to vector<16xf32>
    %add3A_498 = arith.addf %add3A_494, %get3A_497 : vector<16xf32>
    %bitcast_convert_type3A_499 = tpu.bitcast %add3A_498 : vector<16xf32> -> vector<16xi32>
    %shift_right_logical3A_500 = arith.constant 1 : i32
    %shift_right_logical3A_501 = vector.broadcast %shift_right_logical3A_500 : i32 to vector<16xi32>
    %shift_right_logical3A_502 = arith.shrui %bitcast_convert_type3A_499, %shift_right_logical3A_501 : vector<16xi32>
    %sub3A_503 = arith.constant 1597463007 : i32
    %sub3A_504 = vector.broadcast %sub3A_503 : i32 to vector<16xi32>
    %sub3A_505 = arith.subi %sub3A_504, %shift_right_logical3A_502 : vector<16xi32>
    %bitcast_convert_type3A_506 = tpu.bitcast %sub3A_505 : vector<16xi32> -> vector<16xf32>
    %mul3A_507 = arith.constant 5.000000e-01 : f32
    %mul3A_508 = vector.broadcast %mul3A_507 : f32 to vector<16xf32>
    %mul3A_509 = arith.mulf %add3A_498, %mul3A_508 : vector<16xf32>
    %mul3A_510 = arith.mulf %mul3A_509, %bitcast_convert_type3A_506 : vector<16xf32>
    %mul3A_511 = arith.mulf %mul3A_510, %bitcast_convert_type3A_506 : vector<16xf32>
    %sub3A_512 = arith.constant 1.500000e+00 : f32
    %sub3A_513 = vector.broadcast %sub3A_512 : f32 to vector<16xf32>
    %sub3A_514 = arith.subf %sub3A_513, %mul3A_511 : vector<16xf32>
    %mul3A_515 = arith.mulf %bitcast_convert_type3A_506, %sub3A_514 : vector<16xf32>
    %mul3A_516 = arith.mulf %mul3A_509, %mul3A_515 : vector<16xf32>
    %mul3A_517 = arith.mulf %mul3A_516, %mul3A_515 : vector<16xf32>
    %sub3A_518 = arith.constant 1.500000e+00 : f32
    %sub3A_519 = vector.broadcast %sub3A_518 : f32 to vector<16xf32>
    %sub3A_520 = arith.subf %sub3A_519, %mul3A_517 : vector<16xf32>
    %mul3A_521 = arith.mulf %mul3A_515, %sub3A_520 : vector<16xf32>
    %mul3A_522 = arith.mulf %mul3A_509, %mul3A_521 : vector<16xf32>
    %mul3A_523 = arith.mulf %mul3A_522, %mul3A_521 : vector<16xf32>
    %sub3A_524 = arith.constant 1.500000e+00 : f32
    %sub3A_525 = vector.broadcast %sub3A_524 : f32 to vector<16xf32>
    %sub3A_526 = arith.subf %sub3A_525, %mul3A_523 : vector<16xf32>
    %mul3A_527 = arith.mulf %mul3A_521, %sub3A_526 : vector<16xf32>
    %mul3A_528 = arith.mulf %add3A_498, %mul3A_527 : vector<16xf32>
    %add3A_529 = arith.constant 1.000000e-07 : f32
    %add3A_530 = vector.broadcast %add3A_529 : f32 to vector<16xf32>
    %add3A_531 = arith.addf %mul3A_528, %add3A_530 : vector<16xf32>
    %div3A_532 = arith.constant 1.000000e+00 : f32
    %div3A_533 = vector.broadcast %div3A_532 : f32 to vector<16xf32>
    %div3A_534 = arith.divf %div3A_533, %add3A_531 : vector<16xf32>
    %get3A_535 = arith.constant 80 : index
    %get3A_536 = tpu.vector_load %arg9[%get3A_535] {strides = array<i32>} : memref<2048xf32, #tpu.memory_space<vmem>>, vector<16xf32>,
    %get3A_537 = vector.shape_cast %get3A_536 : vector<16xf32> to vector<16xf32>
    %get3A_538 = arith.constant 336 : index
    %get3A_539 = tpu.vector_load %arg9[%get3A_538] {strides = array<i32>} : memref<2048xf32, #tpu.memory_space<vmem>>, vector<16xf32>,
    %get3A_540 = vector.shape_cast %get3A_539 : vector<16xf32> to vector<16xf32>
    %add3A_541 = arith.addf %get3A_537, %get3A_540 : vector<16xf32>
    %get3A_542 = arith.constant 592 : index
    %get3A_543 = tpu.vector_load %arg9[%get3A_542] {strides = array<i32>} : memref<2048xf32, #tpu.memory_space<vmem>>, vector<16xf32>,
    %get3A_544 = vector.shape_cast %get3A_543 : vector<16xf32> to vector<16xf32>
    %add3A_545 = arith.addf %add3A_541, %get3A_544 : vector<16xf32>
    %get3A_546 = arith.constant 848 : index
    %get3A_547 = tpu.vector_load %arg9[%get3A_546] {strides = array<i32>} : memref<2048xf32, #tpu.memory_space<vmem>>, vector<16xf32>,
    %get3A_548 = vector.shape_cast %get3A_547 : vector<16xf32> to vector<16xf32>
    %add3A_549 = arith.addf %add3A_545, %get3A_548 : vector<16xf32>
    %get3A_550 = arith.constant 1104 : index
    %get3A_551 = tpu.vector_load %arg9[%get3A_550] {strides = array<i32>} : memref<2048xf32, #tpu.memory_space<vmem>>, vector<16xf32>,
    %get3A_552 = vector.shape_cast %get3A_551 : vector<16xf32> to vector<16xf32>
    %add3A_553 = arith.addf %add3A_549, %get3A_552 : vector<16xf32>
    %get3A_554 = arith.constant 1360 : index
    %get3A_555 = tpu.vector_load %arg9[%get3A_554] {strides = array<i32>} : memref<2048xf32, #tpu.memory_space<vmem>>, vector<16xf32>,
    %get3A_556 = vector.shape_cast %get3A_555 : vector<16xf32> to vector<16xf32>
    %add3A_557 = arith.addf %add3A_553, %get3A_556 : vector<16xf32>
    %get3A_558 = arith.constant 1616 : index
    %get3A_559 = tpu.vector_load %arg9[%get3A_558] {strides = array<i32>} : memref<2048xf32, #tpu.memory_space<vmem>>, vector<16xf32>,
    %get3A_560 = vector.shape_cast %get3A_559 : vector<16xf32> to vector<16xf32>
    %add3A_561 = arith.addf %add3A_557, %get3A_560 : vector<16xf32>
    %get3A_562 = arith.constant 1872 : index
    %get3A_563 = tpu.vector_load %arg9[%get3A_562] {strides = array<i32>} : memref<2048xf32, #tpu.memory_space<vmem>>, vector<16xf32>,
    %get3A_564 = vector.shape_cast %get3A_563 : vector<16xf32> to vector<16xf32>
    %add3A_565 = arith.addf %add3A_561, %get3A_564 : vector<16xf32>
    %bitcast_convert_type3A_566 = tpu.bitcast %add3A_565 : vector<16xf32> -> vector<16xi32>
    %shift_right_logical3A_567 = arith.constant 1 : i32
    %shift_right_logical3A_568 = vector.broadcast %shift_right_logical3A_567 : i32 to vector<16xi32>
    %shift_right_logical3A_569 = arith.shrui %bitcast_convert_type3A_566, %shift_right_logical3A_568 : vector<16xi32>
    %sub3A_570 = arith.constant 1597463007 : i32
    %sub3A_571 = vector.broadcast %sub3A_570 : i32 to vector<16xi32>
    %sub3A_572 = arith.subi %sub3A_571, %shift_right_logical3A_569 : vector<16xi32>
    %bitcast_convert_type3A_573 = tpu.bitcast %sub3A_572 : vector<16xi32> -> vector<16xf32>
    %mul3A_574 = arith.constant 5.000000e-01 : f32
    %mul3A_575 = vector.broadcast %mul3A_574 : f32 to vector<16xf32>
    %mul3A_576 = arith.mulf %add3A_565, %mul3A_575 : vector<16xf32>
    %mul3A_577 = arith.mulf %mul3A_576, %bitcast_convert_type3A_573 : vector<16xf32>
    %mul3A_578 = arith.mulf %mul3A_577, %bitcast_convert_type3A_573 : vector<16xf32>
    %sub3A_579 = arith.constant 1.500000e+00 : f32
    %sub3A_580 = vector.broadcast %sub3A_579 : f32 to vector<16xf32>
    %sub3A_581 = arith.subf %sub3A_580, %mul3A_578 : vector<16xf32>
    %mul3A_582 = arith.mulf %bitcast_convert_type3A_573, %sub3A_581 : vector<16xf32>
    %mul3A_583 = arith.mulf %mul3A_576, %mul3A_582 : vector<16xf32>
    %mul3A_584 = arith.mulf %mul3A_583, %mul3A_582 : vector<16xf32>
    %sub3A_585 = arith.constant 1.500000e+00 : f32
    %sub3A_586 = vector.broadcast %sub3A_585 : f32 to vector<16xf32>
    %sub3A_587 = arith.subf %sub3A_586, %mul3A_584 : vector<16xf32>
    %mul3A_588 = arith.mulf %mul3A_582, %sub3A_587 : vector<16xf32>
    %mul3A_589 = arith.mulf %mul3A_576, %mul3A_588 : vector<16xf32>
    %mul3A_590 = arith.mulf %mul3A_589, %mul3A_588 : vector<16xf32>
    %sub3A_591 = arith.constant 1.500000e+00 : f32
    %sub3A_592 = vector.broadcast %sub3A_591 : f32 to vector<16xf32>
    %sub3A_593 = arith.subf %sub3A_592, %mul3A_590 : vector<16xf32>
    %mul3A_594 = arith.mulf %mul3A_588, %sub3A_593 : vector<16xf32>
    %mul3A_595 = arith.mulf %add3A_565, %mul3A_594 : vector<16xf32>
    %add3A_596 = arith.constant 1.000000e-07 : f32
    %add3A_597 = vector.broadcast %add3A_596 : f32 to vector<16xf32>
    %add3A_598 = arith.addf %mul3A_595, %add3A_597 : vector<16xf32>
    %div3A_599 = arith.constant 1.000000e+00 : f32
    %div3A_600 = vector.broadcast %div3A_599 : f32 to vector<16xf32>
    %div3A_601 = arith.divf %div3A_600, %add3A_598 : vector<16xf32>
    %get3A_602 = arith.constant 96 : index
    %get3A_603 = tpu.vector_load %arg9[%get3A_602] {strides = array<i32>} : memref<2048xf32, #tpu.memory_space<vmem>>, vector<16xf32>,
    %get3A_604 = vector.shape_cast %get3A_603 : vector<16xf32> to vector<16xf32>
    %get3A_605 = arith.constant 352 : index
    %get3A_606 = tpu.vector_load %arg9[%get3A_605] {strides = array<i32>} : memref<2048xf32, #tpu.memory_space<vmem>>, vector<16xf32>,
    %get3A_607 = vector.shape_cast %get3A_606 : vector<16xf32> to vector<16xf32>
    %add3A_608 = arith.addf %get3A_604, %get3A_607 : vector<16xf32>
    %get3A_609 = arith.constant 608 : index
    %get3A_610 = tpu.vector_load %arg9[%get3A_609] {strides = array<i32>} : memref<2048xf32, #tpu.memory_space<vmem>>, vector<16xf32>,
    %get3A_611 = vector.shape_cast %get3A_610 : vector<16xf32> to vector<16xf32>
    %add3A_612 = arith.addf %add3A_608, %get3A_611 : vector<16xf32>
    %get3A_613 = arith.constant 864 : index
    %get3A_614 = tpu.vector_load %arg9[%get3A_613] {strides = array<i32>} : memref<2048xf32, #tpu.memory_space<vmem>>, vector<16xf32>,
    %get3A_615 = vector.shape_cast %get3A_614 : vector<16xf32> to vector<16xf32>
    %add3A_616 = arith.addf %add3A_612, %get3A_615 : vector<16xf32>
    %get3A_617 = arith.constant 1120 : index
    %get3A_618 = tpu.vector_load %arg9[%get3A_617] {strides = array<i32>} : memref<2048xf32, #tpu.memory_space<vmem>>, vector<16xf32>,
    %get3A_619 = vector.shape_cast %get3A_618 : vector<16xf32> to vector<16xf32>
    %add3A_620 = arith.addf %add3A_616, %get3A_619 : vector<16xf32>
    %get3A_621 = arith.constant 1376 : index
    %get3A_622 = tpu.vector_load %arg9[%get3A_621] {strides = array<i32>} : memref<2048xf32, #tpu.memory_space<vmem>>, vector<16xf32>,
    %get3A_623 = vector.shape_cast %get3A_622 : vector<16xf32> to vector<16xf32>
    %add3A_624 = arith.addf %add3A_620, %get3A_623 : vector<16xf32>
    %get3A_625 = arith.constant 1632 : index
    %get3A_626 = tpu.vector_load %arg9[%get3A_625] {strides = array<i32>} : memref<2048xf32, #tpu.memory_space<vmem>>, vector<16xf32>,
    %get3A_627 = vector.shape_cast %get3A_626 : vector<16xf32> to vector<16xf32>
    %add3A_628 = arith.addf %add3A_624, %get3A_627 : vector<16xf32>
    %get3A_629 = arith.constant 1888 : index
    %get3A_630 = tpu.vector_load %arg9[%get3A_629] {strides = array<i32>} : memref<2048xf32, #tpu.memory_space<vmem>>, vector<16xf32>,
    %get3A_631 = vector.shape_cast %get3A_630 : vector<16xf32> to vector<16xf32>
    %add3A_632 = arith.addf %add3A_628, %get3A_631 : vector<16xf32>
    %bitcast_convert_type3A_633 = tpu.bitcast %add3A_632 : vector<16xf32> -> vector<16xi32>
    %shift_right_logical3A_634 = arith.constant 1 : i32
    %shift_right_logical3A_635 = vector.broadcast %shift_right_logical3A_634 : i32 to vector<16xi32>
    %shift_right_logical3A_636 = arith.shrui %bitcast_convert_type3A_633, %shift_right_logical3A_635 : vector<16xi32>
    %sub3A_637 = arith.constant 1597463007 : i32
    %sub3A_638 = vector.broadcast %sub3A_637 : i32 to vector<16xi32>
    %sub3A_639 = arith.subi %sub3A_638, %shift_right_logical3A_636 : vector<16xi32>
    %bitcast_convert_type3A_640 = tpu.bitcast %sub3A_639 : vector<16xi32> -> vector<16xf32>
    %mul3A_641 = arith.constant 5.000000e-01 : f32
    %mul3A_642 = vector.broadcast %mul3A_641 : f32 to vector<16xf32>
    %mul3A_643 = arith.mulf %add3A_632, %mul3A_642 : vector<16xf32>
    %mul3A_644 = arith.mulf %mul3A_643, %bitcast_convert_type3A_640 : vector<16xf32>
    %mul3A_645 = arith.mulf %mul3A_644, %bitcast_convert_type3A_640 : vector<16xf32>
    %sub3A_646 = arith.constant 1.500000e+00 : f32
    %sub3A_647 = vector.broadcast %sub3A_646 : f32 to vector<16xf32>
    %sub3A_648 = arith.subf %sub3A_647, %mul3A_645 : vector<16xf32>
    %mul3A_649 = arith.mulf %bitcast_convert_type3A_640, %sub3A_648 : vector<16xf32>
    %mul3A_650 = arith.mulf %mul3A_643, %mul3A_649 : vector<16xf32>
    %mul3A_651 = arith.mulf %mul3A_650, %mul3A_649 : vector<16xf32>
    %sub3A_652 = arith.constant 1.500000e+00 : f32
    %sub3A_653 = vector.broadcast %sub3A_652 : f32 to vector<16xf32>
    %sub3A_654 = arith.subf %sub3A_653, %mul3A_651 : vector<16xf32>
    %mul3A_655 = arith.mulf %mul3A_649, %sub3A_654 : vector<16xf32>
    %mul3A_656 = arith.mulf %mul3A_643, %mul3A_655 : vector<16xf32>
    %mul3A_657 = arith.mulf %mul3A_656, %mul3A_655 : vector<16xf32>
    %sub3A_658 = arith.constant 1.500000e+00 : f32
    %sub3A_659 = vector.broadcast %sub3A_658 : f32 to vector<16xf32>
    %sub3A_660 = arith.subf %sub3A_659, %mul3A_657 : vector<16xf32>
    %mul3A_661 = arith.mulf %mul3A_655, %sub3A_660 : vector<16xf32>
    %mul3A_662 = arith.mulf %add3A_632, %mul3A_661 : vector<16xf32>
    %add3A_663 = arith.constant 1.000000e-07 : f32
    %add3A_664 = vector.broadcast %add3A_663 : f32 to vector<16xf32>
    %add3A_665 = arith.addf %mul3A_662, %add3A_664 : vector<16xf32>
    %div3A_666 = arith.constant 1.000000e+00 : f32
    %div3A_667 = vector.broadcast %div3A_666 : f32 to vector<16xf32>
    %div3A_668 = arith.divf %div3A_667, %add3A_665 : vector<16xf32>
    %get3A_669 = arith.constant 112 : index
    %get3A_670 = tpu.vector_load %arg9[%get3A_669] {strides = array<i32>} : memref<2048xf32, #tpu.memory_space<vmem>>, vector<16xf32>,
    %get3A_671 = vector.shape_cast %get3A_670 : vector<16xf32> to vector<16xf32>
    %get3A_672 = arith.constant 368 : index
    %get3A_673 = tpu.vector_load %arg9[%get3A_672] {strides = array<i32>} : memref<2048xf32, #tpu.memory_space<vmem>>, vector<16xf32>,
    %get3A_674 = vector.shape_cast %get3A_673 : vector<16xf32> to vector<16xf32>
    %add3A_675 = arith.addf %get3A_671, %get3A_674 : vector<16xf32>
    %get3A_676 = arith.constant 624 : index
    %get3A_677 = tpu.vector_load %arg9[%get3A_676] {strides = array<i32>} : memref<2048xf32, #tpu.memory_space<vmem>>, vector<16xf32>,
    %get3A_678 = vector.shape_cast %get3A_677 : vector<16xf32> to vector<16xf32>
    %add3A_679 = arith.addf %add3A_675, %get3A_678 : vector<16xf32>
    %get3A_680 = arith.constant 880 : index
    %get3A_681 = tpu.vector_load %arg9[%get3A_680] {strides = array<i32>} : memref<2048xf32, #tpu.memory_space<vmem>>, vector<16xf32>,
    %get3A_682 = vector.shape_cast %get3A_681 : vector<16xf32> to vector<16xf32>
    %add3A_683 = arith.addf %add3A_679, %get3A_682 : vector<16xf32>
    %get3A_684 = arith.constant 1136 : index
    %get3A_685 = tpu.vector_load %arg9[%get3A_684] {strides = array<i32>} : memref<2048xf32, #tpu.memory_space<vmem>>, vector<16xf32>,
    %get3A_686 = vector.shape_cast %get3A_685 : vector<16xf32> to vector<16xf32>
    %add3A_687 = arith.addf %add3A_683, %get3A_686 : vector<16xf32>
    %get3A_688 = arith.constant 1392 : index
    %get3A_689 = tpu.vector_load %arg9[%get3A_688] {strides = array<i32>} : memref<2048xf32, #tpu.memory_space<vmem>>, vector<16xf32>,
    %get3A_690 = vector.shape_cast %get3A_689 : vector<16xf32> to vector<16xf32>
    %add3A_691 = arith.addf %add3A_687, %get3A_690 : vector<16xf32>
    %get3A_692 = arith.constant 1648 : index
    %get3A_693 = tpu.vector_load %arg9[%get3A_692] {strides = array<i32>} : memref<2048xf32, #tpu.memory_space<vmem>>, vector<16xf32>,
    %get3A_694 = vector.shape_cast %get3A_693 : vector<16xf32> to vector<16xf32>
    %add3A_695 = arith.addf %add3A_691, %get3A_694 : vector<16xf32>
    %get3A_696 = arith.constant 1904 : index
    %get3A_697 = tpu.vector_load %arg9[%get3A_696] {strides = array<i32>} : memref<2048xf32, #tpu.memory_space<vmem>>, vector<16xf32>,
    %get3A_698 = vector.shape_cast %get3A_697 : vector<16xf32> to vector<16xf32>
    %add3A_699 = arith.addf %add3A_695, %get3A_698 : vector<16xf32>
    %bitcast_convert_type3A_700 = tpu.bitcast %add3A_699 : vector<16xf32> -> vector<16xi32>
    %shift_right_logical3A_701 = arith.constant 1 : i32
    %shift_right_logical3A_702 = vector.broadcast %shift_right_logical3A_701 : i32 to vector<16xi32>
    %shift_right_logical3A_703 = arith.shrui %bitcast_convert_type3A_700, %shift_right_logical3A_702 : vector<16xi32>
    %sub3A_704 = arith.constant 1597463007 : i32
    %sub3A_705 = vector.broadcast %sub3A_704 : i32 to vector<16xi32>
    %sub3A_706 = arith.subi %sub3A_705, %shift_right_logical3A_703 : vector<16xi32>
    %bitcast_convert_type3A_707 = tpu.bitcast %sub3A_706 : vector<16xi32> -> vector<16xf32>
    %mul3A_708 = arith.constant 5.000000e-01 : f32
    %mul3A_709 = vector.broadcast %mul3A_708 : f32 to vector<16xf32>
    %mul3A_710 = arith.mulf %add3A_699, %mul3A_709 : vector<16xf32>
    %mul3A_711 = arith.mulf %mul3A_710, %bitcast_convert_type3A_707 : vector<16xf32>
    %mul3A_712 = arith.mulf %mul3A_711, %bitcast_convert_type3A_707 : vector<16xf32>
    %sub3A_713 = arith.constant 1.500000e+00 : f32
    %sub3A_714 = vector.broadcast %sub3A_713 : f32 to vector<16xf32>
    %sub3A_715 = arith.subf %sub3A_714, %mul3A_712 : vector<16xf32>
    %mul3A_716 = arith.mulf %bitcast_convert_type3A_707, %sub3A_715 : vector<16xf32>
    %mul3A_717 = arith.mulf %mul3A_710, %mul3A_716 : vector<16xf32>
    %mul3A_718 = arith.mulf %mul3A_717, %mul3A_716 : vector<16xf32>
    %sub3A_719 = arith.constant 1.500000e+00 : f32
    %sub3A_720 = vector.broadcast %sub3A_719 : f32 to vector<16xf32>
    %sub3A_721 = arith.subf %sub3A_720, %mul3A_718 : vector<16xf32>
    %mul3A_722 = arith.mulf %mul3A_716, %sub3A_721 : vector<16xf32>
    %mul3A_723 = arith.mulf %mul3A_710, %mul3A_722 : vector<16xf32>
    %mul3A_724 = arith.mulf %mul3A_723, %mul3A_722 : vector<16xf32>
    %sub3A_725 = arith.constant 1.500000e+00 : f32
    %sub3A_726 = vector.broadcast %sub3A_725 : f32 to vector<16xf32>
    %sub3A_727 = arith.subf %sub3A_726, %mul3A_724 : vector<16xf32>
    %mul3A_728 = arith.mulf %mul3A_722, %sub3A_727 : vector<16xf32>
    %mul3A_729 = arith.mulf %add3A_699, %mul3A_728 : vector<16xf32>
    %add3A_730 = arith.constant 1.000000e-07 : f32
    %add3A_731 = vector.broadcast %add3A_730 : f32 to vector<16xf32>
    %add3A_732 = arith.addf %mul3A_729, %add3A_731 : vector<16xf32>
    %div3A_733 = arith.constant 1.000000e+00 : f32
    %div3A_734 = vector.broadcast %div3A_733 : f32 to vector<16xf32>
    %div3A_735 = arith.divf %div3A_734, %add3A_732 : vector<16xf32>
    %get3A_736 = arith.constant 128 : index
    %get3A_737 = tpu.vector_load %arg9[%get3A_736] {strides = array<i32>} : memref<2048xf32, #tpu.memory_space<vmem>>, vector<16xf32>,
    %get3A_738 = vector.shape_cast %get3A_737 : vector<16xf32> to vector<16xf32>
    %get3A_739 = arith.constant 384 : index
    %get3A_740 = tpu.vector_load %arg9[%get3A_739] {strides = array<i32>} : memref<2048xf32, #tpu.memory_space<vmem>>, vector<16xf32>,
    %get3A_741 = vector.shape_cast %get3A_740 : vector<16xf32> to vector<16xf32>
    %add3A_742 = arith.addf %get3A_738, %get3A_741 : vector<16xf32>
    %get3A_743 = arith.constant 640 : index
    %get3A_744 = tpu.vector_load %arg9[%get3A_743] {strides = array<i32>} : memref<2048xf32, #tpu.memory_space<vmem>>, vector<16xf32>,
    %get3A_745 = vector.shape_cast %get3A_744 : vector<16xf32> to vector<16xf32>
    %add3A_746 = arith.addf %add3A_742, %get3A_745 : vector<16xf32>
    %get3A_747 = arith.constant 896 : index
    %get3A_748 = tpu.vector_load %arg9[%get3A_747] {strides = array<i32>} : memref<2048xf32, #tpu.memory_space<vmem>>, vector<16xf32>,
    %get3A_749 = vector.shape_cast %get3A_748 : vector<16xf32> to vector<16xf32>
    %add3A_750 = arith.addf %add3A_746, %get3A_749 : vector<16xf32>
    %get3A_751 = arith.constant 1152 : index
    %get3A_752 = tpu.vector_load %arg9[%get3A_751] {strides = array<i32>} : memref<2048xf32, #tpu.memory_space<vmem>>, vector<16xf32>,
    %get3A_753 = vector.shape_cast %get3A_752 : vector<16xf32> to vector<16xf32>
    %add3A_754 = arith.addf %add3A_750, %get3A_753 : vector<16xf32>
    %get3A_755 = arith.constant 1408 : index
    %get3A_756 = tpu.vector_load %arg9[%get3A_755] {strides = array<i32>} : memref<2048xf32, #tpu.memory_space<vmem>>, vector<16xf32>,
    %get3A_757 = vector.shape_cast %get3A_756 : vector<16xf32> to vector<16xf32>
    %add3A_758 = arith.addf %add3A_754, %get3A_757 : vector<16xf32>
    %get3A_759 = arith.constant 1664 : index
    %get3A_760 = tpu.vector_load %arg9[%get3A_759] {strides = array<i32>} : memref<2048xf32, #tpu.memory_space<vmem>>, vector<16xf32>,
    %get3A_761 = vector.shape_cast %get3A_760 : vector<16xf32> to vector<16xf32>
    %add3A_762 = arith.addf %add3A_758, %get3A_761 : vector<16xf32>
    %get3A_763 = arith.constant 1920 : index
    %get3A_764 = tpu.vector_load %arg9[%get3A_763] {strides = array<i32>} : memref<2048xf32, #tpu.memory_space<vmem>>, vector<16xf32>,
    %get3A_765 = vector.shape_cast %get3A_764 : vector<16xf32> to vector<16xf32>
    %add3A_766 = arith.addf %add3A_762, %get3A_765 : vector<16xf32>
    %bitcast_convert_type3A_767 = tpu.bitcast %add3A_766 : vector<16xf32> -> vector<16xi32>
    %shift_right_logical3A_768 = arith.constant 1 : i32
    %shift_right_logical3A_769 = vector.broadcast %shift_right_logical3A_768 : i32 to vector<16xi32>
    %shift_right_logical3A_770 = arith.shrui %bitcast_convert_type3A_767, %shift_right_logical3A_769 : vector<16xi32>
    %sub3A_771 = arith.constant 1597463007 : i32
    %sub3A_772 = vector.broadcast %sub3A_771 : i32 to vector<16xi32>
    %sub3A_773 = arith.subi %sub3A_772, %shift_right_logical3A_770 : vector<16xi32>
    %bitcast_convert_type3A_774 = tpu.bitcast %sub3A_773 : vector<16xi32> -> vector<16xf32>
    %mul3A_775 = arith.constant 5.000000e-01 : f32
    %mul3A_776 = vector.broadcast %mul3A_775 : f32 to vector<16xf32>
    %mul3A_777 = arith.mulf %add3A_766, %mul3A_776 : vector<16xf32>
    %mul3A_778 = arith.mulf %mul3A_777, %bitcast_convert_type3A_774 : vector<16xf32>
    %mul3A_779 = arith.mulf %mul3A_778, %bitcast_convert_type3A_774 : vector<16xf32>
    %sub3A_780 = arith.constant 1.500000e+00 : f32
    %sub3A_781 = vector.broadcast %sub3A_780 : f32 to vector<16xf32>
    %sub3A_782 = arith.subf %sub3A_781, %mul3A_779 : vector<16xf32>
    %mul3A_783 = arith.mulf %bitcast_convert_type3A_774, %sub3A_782 : vector<16xf32>
    %mul3A_784 = arith.mulf %mul3A_777, %mul3A_783 : vector<16xf32>
    %mul3A_785 = arith.mulf %mul3A_784, %mul3A_783 : vector<16xf32>
    %sub3A_786 = arith.constant 1.500000e+00 : f32
    %sub3A_787 = vector.broadcast %sub3A_786 : f32 to vector<16xf32>
    %sub3A_788 = arith.subf %sub3A_787, %mul3A_785 : vector<16xf32>
    %mul3A_789 = arith.mulf %mul3A_783, %sub3A_788 : vector<16xf32>
    %mul3A_790 = arith.mulf %mul3A_777, %mul3A_789 : vector<16xf32>
    %mul3A_791 = arith.mulf %mul3A_790, %mul3A_789 : vector<16xf32>
    %sub3A_792 = arith.constant 1.500000e+00 : f32
    %sub3A_793 = vector.broadcast %sub3A_792 : f32 to vector<16xf32>
    %sub3A_794 = arith.subf %sub3A_793, %mul3A_791 : vector<16xf32>
    %mul3A_795 = arith.mulf %mul3A_789, %sub3A_794 : vector<16xf32>
    %mul3A_796 = arith.mulf %add3A_766, %mul3A_795 : vector<16xf32>
    %add3A_797 = arith.constant 1.000000e-07 : f32
    %add3A_798 = vector.broadcast %add3A_797 : f32 to vector<16xf32>
    %add3A_799 = arith.addf %mul3A_796, %add3A_798 : vector<16xf32>
    %div3A_800 = arith.constant 1.000000e+00 : f32
    %div3A_801 = vector.broadcast %div3A_800 : f32 to vector<16xf32>
    %div3A_802 = arith.divf %div3A_801, %add3A_799 : vector<16xf32>
    %get3A_803 = arith.constant 144 : index
    %get3A_804 = tpu.vector_load %arg9[%get3A_803] {strides = array<i32>} : memref<2048xf32, #tpu.memory_space<vmem>>, vector<16xf32>,
    %get3A_805 = vector.shape_cast %get3A_804 : vector<16xf32> to vector<16xf32>
    %get3A_806 = arith.constant 400 : index
    %get3A_807 = tpu.vector_load %arg9[%get3A_806] {strides = array<i32>} : memref<2048xf32, #tpu.memory_space<vmem>>, vector<16xf32>,
    %get3A_808 = vector.shape_cast %get3A_807 : vector<16xf32> to vector<16xf32>
    %add3A_809 = arith.addf %get3A_805, %get3A_808 : vector<16xf32>
    %get3A_810 = arith.constant 656 : index
    %get3A_811 = tpu.vector_load %arg9[%get3A_810] {strides = array<i32>} : memref<2048xf32, #tpu.memory_space<vmem>>, vector<16xf32>,
    %get3A_812 = vector.shape_cast %get3A_811 : vector<16xf32> to vector<16xf32>
    %add3A_813 = arith.addf %add3A_809, %get3A_812 : vector<16xf32>
    %get3A_814 = arith.constant 912 : index
    %get3A_815 = tpu.vector_load %arg9[%get3A_814] {strides = array<i32>} : memref<2048xf32, #tpu.memory_space<vmem>>, vector<16xf32>,
    %get3A_816 = vector.shape_cast %get3A_815 : vector<16xf32> to vector<16xf32>
    %add3A_817 = arith.addf %add3A_813, %get3A_816 : vector<16xf32>
    %get3A_818 = arith.constant 1168 : index
    %get3A_819 = tpu.vector_load %arg9[%get3A_818] {strides = array<i32>} : memref<2048xf32, #tpu.memory_space<vmem>>, vector<16xf32>,
    %get3A_820 = vector.shape_cast %get3A_819 : vector<16xf32> to vector<16xf32>
    %add3A_821 = arith.addf %add3A_817, %get3A_820 : vector<16xf32>
    %get3A_822 = arith.constant 1424 : index
    %get3A_823 = tpu.vector_load %arg9[%get3A_822] {strides = array<i32>} : memref<2048xf32, #tpu.memory_space<vmem>>, vector<16xf32>,
    %get3A_824 = vector.shape_cast %get3A_823 : vector<16xf32> to vector<16xf32>
    %add3A_825 = arith.addf %add3A_821, %get3A_824 : vector<16xf32>
    %get3A_826 = arith.constant 1680 : index
    %get3A_827 = tpu.vector_load %arg9[%get3A_826] {strides = array<i32>} : memref<2048xf32, #tpu.memory_space<vmem>>, vector<16xf32>,
    %get3A_828 = vector.shape_cast %get3A_827 : vector<16xf32> to vector<16xf32>
    %add3A_829 = arith.addf %add3A_825, %get3A_828 : vector<16xf32>
    %get3A_830 = arith.constant 1936 : index
    %get3A_831 = tpu.vector_load %arg9[%get3A_830] {strides = array<i32>} : memref<2048xf32, #tpu.memory_space<vmem>>, vector<16xf32>,
    %get3A_832 = vector.shape_cast %get3A_831 : vector<16xf32> to vector<16xf32>
    %add3A_833 = arith.addf %add3A_829, %get3A_832 : vector<16xf32>
    %bitcast_convert_type3A_834 = tpu.bitcast %add3A_833 : vector<16xf32> -> vector<16xi32>
    %shift_right_logical3A_835 = arith.constant 1 : i32
    %shift_right_logical3A_836 = vector.broadcast %shift_right_logical3A_835 : i32 to vector<16xi32>
    %shift_right_logical3A_837 = arith.shrui %bitcast_convert_type3A_834, %shift_right_logical3A_836 : vector<16xi32>
    %sub3A_838 = arith.constant 1597463007 : i32
    %sub3A_839 = vector.broadcast %sub3A_838 : i32 to vector<16xi32>
    %sub3A_840 = arith.subi %sub3A_839, %shift_right_logical3A_837 : vector<16xi32>
    %bitcast_convert_type3A_841 = tpu.bitcast %sub3A_840 : vector<16xi32> -> vector<16xf32>
    %mul3A_842 = arith.constant 5.000000e-01 : f32
    %mul3A_843 = vector.broadcast %mul3A_842 : f32 to vector<16xf32>
    %mul3A_844 = arith.mulf %add3A_833, %mul3A_843 : vector<16xf32>
    %mul3A_845 = arith.mulf %mul3A_844, %bitcast_convert_type3A_841 : vector<16xf32>
    %mul3A_846 = arith.mulf %mul3A_845, %bitcast_convert_type3A_841 : vector<16xf32>
    %sub3A_847 = arith.constant 1.500000e+00 : f32
    %sub3A_848 = vector.broadcast %sub3A_847 : f32 to vector<16xf32>
    %sub3A_849 = arith.subf %sub3A_848, %mul3A_846 : vector<16xf32>
    %mul3A_850 = arith.mulf %bitcast_convert_type3A_841, %sub3A_849 : vector<16xf32>
    %mul3A_851 = arith.mulf %mul3A_844, %mul3A_850 : vector<16xf32>
    %mul3A_852 = arith.mulf %mul3A_851, %mul3A_850 : vector<16xf32>
    %sub3A_853 = arith.constant 1.500000e+00 : f32
    %sub3A_854 = vector.broadcast %sub3A_853 : f32 to vector<16xf32>
    %sub3A_855 = arith.subf %sub3A_854, %mul3A_852 : vector<16xf32>
    %mul3A_856 = arith.mulf %mul3A_850, %sub3A_855 : vector<16xf32>
    %mul3A_857 = arith.mulf %mul3A_844, %mul3A_856 : vector<16xf32>
    %mul3A_858 = arith.mulf %mul3A_857, %mul3A_856 : vector<16xf32>
    %sub3A_859 = arith.constant 1.500000e+00 : f32
    %sub3A_860 = vector.broadcast %sub3A_859 : f32 to vector<16xf32>
    %sub3A_861 = arith.subf %sub3A_860, %mul3A_858 : vector<16xf32>
    %mul3A_862 = arith.mulf %mul3A_856, %sub3A_861 : vector<16xf32>
    %mul3A_863 = arith.mulf %add3A_833, %mul3A_862 : vector<16xf32>
    %add3A_864 = arith.constant 1.000000e-07 : f32
    %add3A_865 = vector.broadcast %add3A_864 : f32 to vector<16xf32>
    %add3A_866 = arith.addf %mul3A_863, %add3A_865 : vector<16xf32>
    %div3A_867 = arith.constant 1.000000e+00 : f32
    %div3A_868 = vector.broadcast %div3A_867 : f32 to vector<16xf32>
    %div3A_869 = arith.divf %div3A_868, %add3A_866 : vector<16xf32>
    %get3A_870 = arith.constant 160 : index
    %get3A_871 = tpu.vector_load %arg9[%get3A_870] {strides = array<i32>} : memref<2048xf32, #tpu.memory_space<vmem>>, vector<16xf32>,
    %get3A_872 = vector.shape_cast %get3A_871 : vector<16xf32> to vector<16xf32>
    %get3A_873 = arith.constant 416 : index
    %get3A_874 = tpu.vector_load %arg9[%get3A_873] {strides = array<i32>} : memref<2048xf32, #tpu.memory_space<vmem>>, vector<16xf32>,
    %get3A_875 = vector.shape_cast %get3A_874 : vector<16xf32> to vector<16xf32>
    %add3A_876 = arith.addf %get3A_872, %get3A_875 : vector<16xf32>
    %get3A_877 = arith.constant 672 : index
    %get3A_878 = tpu.vector_load %arg9[%get3A_877] {strides = array<i32>} : memref<2048xf32, #tpu.memory_space<vmem>>, vector<16xf32>,
    %get3A_879 = vector.shape_cast %get3A_878 : vector<16xf32> to vector<16xf32>
    %add3A_880 = arith.addf %add3A_876, %get3A_879 : vector<16xf32>
    %get3A_881 = arith.constant 928 : index
    %get3A_882 = tpu.vector_load %arg9[%get3A_881] {strides = array<i32>} : memref<2048xf32, #tpu.memory_space<vmem>>, vector<16xf32>,
    %get3A_883 = vector.shape_cast %get3A_882 : vector<16xf32> to vector<16xf32>
    %add3A_884 = arith.addf %add3A_880, %get3A_883 : vector<16xf32>
    %get3A_885 = arith.constant 1184 : index
    %get3A_886 = tpu.vector_load %arg9[%get3A_885] {strides = array<i32>} : memref<2048xf32, #tpu.memory_space<vmem>>, vector<16xf32>,
    %get3A_887 = vector.shape_cast %get3A_886 : vector<16xf32> to vector<16xf32>
    %add3A_888 = arith.addf %add3A_884, %get3A_887 : vector<16xf32>
    %get3A_889 = arith.constant 1440 : index
    %get3A_890 = tpu.vector_load %arg9[%get3A_889] {strides = array<i32>} : memref<2048xf32, #tpu.memory_space<vmem>>, vector<16xf32>,
    %get3A_891 = vector.shape_cast %get3A_890 : vector<16xf32> to vector<16xf32>
    %add3A_892 = arith.addf %add3A_888, %get3A_891 : vector<16xf32>
    %get3A_893 = arith.constant 1696 : index
    %get3A_894 = tpu.vector_load %arg9[%get3A_893] {strides = array<i32>} : memref<2048xf32, #tpu.memory_space<vmem>>, vector<16xf32>,
    %get3A_895 = vector.shape_cast %get3A_894 : vector<16xf32> to vector<16xf32>
    %add3A_896 = arith.addf %add3A_892, %get3A_895 : vector<16xf32>
    %get3A_897 = arith.constant 1952 : index
    %get3A_898 = tpu.vector_load %arg9[%get3A_897] {strides = array<i32>} : memref<2048xf32, #tpu.memory_space<vmem>>, vector<16xf32>,
    %get3A_899 = vector.shape_cast %get3A_898 : vector<16xf32> to vector<16xf32>
    %add3A_900 = arith.addf %add3A_896, %get3A_899 : vector<16xf32>
    %bitcast_convert_type3A_901 = tpu.bitcast %add3A_900 : vector<16xf32> -> vector<16xi32>
    %shift_right_logical3A_902 = arith.constant 1 : i32
    %shift_right_logical3A_903 = vector.broadcast %shift_right_logical3A_902 : i32 to vector<16xi32>
    %shift_right_logical3A_904 = arith.shrui %bitcast_convert_type3A_901, %shift_right_logical3A_903 : vector<16xi32>
    %sub3A_905 = arith.constant 1597463007 : i32
    %sub3A_906 = vector.broadcast %sub3A_905 : i32 to vector<16xi32>
    %sub3A_907 = arith.subi %sub3A_906, %shift_right_logical3A_904 : vector<16xi32>
    %bitcast_convert_type3A_908 = tpu.bitcast %sub3A_907 : vector<16xi32> -> vector<16xf32>
    %mul3A_909 = arith.constant 5.000000e-01 : f32
    %mul3A_910 = vector.broadcast %mul3A_909 : f32 to vector<16xf32>
    %mul3A_911 = arith.mulf %add3A_900, %mul3A_910 : vector<16xf32>
    %mul3A_912 = arith.mulf %mul3A_911, %bitcast_convert_type3A_908 : vector<16xf32>
    %mul3A_913 = arith.mulf %mul3A_912, %bitcast_convert_type3A_908 : vector<16xf32>
    %sub3A_914 = arith.constant 1.500000e+00 : f32
    %sub3A_915 = vector.broadcast %sub3A_914 : f32 to vector<16xf32>
    %sub3A_916 = arith.subf %sub3A_915, %mul3A_913 : vector<16xf32>
    %mul3A_917 = arith.mulf %bitcast_convert_type3A_908, %sub3A_916 : vector<16xf32>
    %mul3A_918 = arith.mulf %mul3A_911, %mul3A_917 : vector<16xf32>
    %mul3A_919 = arith.mulf %mul3A_918, %mul3A_917 : vector<16xf32>
    %sub3A_920 = arith.constant 1.500000e+00 : f32
    %sub3A_921 = vector.broadcast %sub3A_920 : f32 to vector<16xf32>
    %sub3A_922 = arith.subf %sub3A_921, %mul3A_919 : vector<16xf32>
    %mul3A_923 = arith.mulf %mul3A_917, %sub3A_922 : vector<16xf32>
    %mul3A_924 = arith.mulf %mul3A_911, %mul3A_923 : vector<16xf32>
    %mul3A_925 = arith.mulf %mul3A_924, %mul3A_923 : vector<16xf32>
    %sub3A_926 = arith.constant 1.500000e+00 : f32
    %sub3A_927 = vector.broadcast %sub3A_926 : f32 to vector<16xf32>
    %sub3A_928 = arith.subf %sub3A_927, %mul3A_925 : vector<16xf32>
    %mul3A_929 = arith.mulf %mul3A_923, %sub3A_928 : vector<16xf32>
    %mul3A_930 = arith.mulf %add3A_900, %mul3A_929 : vector<16xf32>
    %add3A_931 = arith.constant 1.000000e-07 : f32
    %add3A_932 = vector.broadcast %add3A_931 : f32 to vector<16xf32>
    %add3A_933 = arith.addf %mul3A_930, %add3A_932 : vector<16xf32>
    %div3A_934 = arith.constant 1.000000e+00 : f32
    %div3A_935 = vector.broadcast %div3A_934 : f32 to vector<16xf32>
    %div3A_936 = arith.divf %div3A_935, %add3A_933 : vector<16xf32>
    %get3A_937 = arith.constant 176 : index
    %get3A_938 = tpu.vector_load %arg9[%get3A_937] {strides = array<i32>} : memref<2048xf32, #tpu.memory_space<vmem>>, vector<16xf32>,
    %get3A_939 = vector.shape_cast %get3A_938 : vector<16xf32> to vector<16xf32>
    %get3A_940 = arith.constant 432 : index
    %get3A_941 = tpu.vector_load %arg9[%get3A_940] {strides = array<i32>} : memref<2048xf32, #tpu.memory_space<vmem>>, vector<16xf32>,
    %get3A_942 = vector.shape_cast %get3A_941 : vector<16xf32> to vector<16xf32>
    %add3A_943 = arith.addf %get3A_939, %get3A_942 : vector<16xf32>
    %get3A_944 = arith.constant 688 : index
    %get3A_945 = tpu.vector_load %arg9[%get3A_944] {strides = array<i32>} : memref<2048xf32, #tpu.memory_space<vmem>>, vector<16xf32>,
    %get3A_946 = vector.shape_cast %get3A_945 : vector<16xf32> to vector<16xf32>
    %add3A_947 = arith.addf %add3A_943, %get3A_946 : vector<16xf32>
    %get3A_948 = arith.constant 944 : index
    %get3A_949 = tpu.vector_load %arg9[%get3A_948] {strides = array<i32>} : memref<2048xf32, #tpu.memory_space<vmem>>, vector<16xf32>,
    %get3A_950 = vector.shape_cast %get3A_949 : vector<16xf32> to vector<16xf32>
    %add3A_951 = arith.addf %add3A_947, %get3A_950 : vector<16xf32>
    %get3A_952 = arith.constant 1200 : index
    %get3A_953 = tpu.vector_load %arg9[%get3A_952] {strides = array<i32>} : memref<2048xf32, #tpu.memory_space<vmem>>, vector<16xf32>,
    %get3A_954 = vector.shape_cast %get3A_953 : vector<16xf32> to vector<16xf32>
    %add3A_955 = arith.addf %add3A_951, %get3A_954 : vector<16xf32>
    %get3A_956 = arith.constant 1456 : index
    %get3A_957 = tpu.vector_load %arg9[%get3A_956] {strides = array<i32>} : memref<2048xf32, #tpu.memory_space<vmem>>, vector<16xf32>,
    %get3A_958 = vector.shape_cast %get3A_957 : vector<16xf32> to vector<16xf32>
    %add3A_959 = arith.addf %add3A_955, %get3A_958 : vector<16xf32>
    %get3A_960 = arith.constant 1712 : index
    %get3A_961 = tpu.vector_load %arg9[%get3A_960] {strides = array<i32>} : memref<2048xf32, #tpu.memory_space<vmem>>, vector<16xf32>,
    %get3A_962 = vector.shape_cast %get3A_961 : vector<16xf32> to vector<16xf32>
    %add3A_963 = arith.addf %add3A_959, %get3A_962 : vector<16xf32>
    %get3A_964 = arith.constant 1968 : index
    %get3A_965 = tpu.vector_load %arg9[%get3A_964] {strides = array<i32>} : memref<2048xf32, #tpu.memory_space<vmem>>, vector<16xf32>,
    %get3A_966 = vector.shape_cast %get3A_965 : vector<16xf32> to vector<16xf32>
    %add3A_967 = arith.addf %add3A_963, %get3A_966 : vector<16xf32>
    %bitcast_convert_type3A_968 = tpu.bitcast %add3A_967 : vector<16xf32> -> vector<16xi32>
    %shift_right_logical3A_969 = arith.constant 1 : i32
    %shift_right_logical3A_970 = vector.broadcast %shift_right_logical3A_969 : i32 to vector<16xi32>
    %shift_right_logical3A_971 = arith.shrui %bitcast_convert_type3A_968, %shift_right_logical3A_970 : vector<16xi32>
    %sub3A_972 = arith.constant 1597463007 : i32
    %sub3A_973 = vector.broadcast %sub3A_972 : i32 to vector<16xi32>
    %sub3A_974 = arith.subi %sub3A_973, %shift_right_logical3A_971 : vector<16xi32>
    %bitcast_convert_type3A_975 = tpu.bitcast %sub3A_974 : vector<16xi32> -> vector<16xf32>
    %mul3A_976 = arith.constant 5.000000e-01 : f32
    %mul3A_977 = vector.broadcast %mul3A_976 : f32 to vector<16xf32>
    %mul3A_978 = arith.mulf %add3A_967, %mul3A_977 : vector<16xf32>
    %mul3A_979 = arith.mulf %mul3A_978, %bitcast_convert_type3A_975 : vector<16xf32>
    %mul3A_980 = arith.mulf %mul3A_979, %bitcast_convert_type3A_975 : vector<16xf32>
    %sub3A_981 = arith.constant 1.500000e+00 : f32
    %sub3A_982 = vector.broadcast %sub3A_981 : f32 to vector<16xf32>
    %sub3A_983 = arith.subf %sub3A_982, %mul3A_980 : vector<16xf32>
    %mul3A_984 = arith.mulf %bitcast_convert_type3A_975, %sub3A_983 : vector<16xf32>
    %mul3A_985 = arith.mulf %mul3A_978, %mul3A_984 : vector<16xf32>
    %mul3A_986 = arith.mulf %mul3A_985, %mul3A_984 : vector<16xf32>
    %sub3A_987 = arith.constant 1.500000e+00 : f32
    %sub3A_988 = vector.broadcast %sub3A_987 : f32 to vector<16xf32>
    %sub3A_989 = arith.subf %sub3A_988, %mul3A_986 : vector<16xf32>
    %mul3A_990 = arith.mulf %mul3A_984, %sub3A_989 : vector<16xf32>
    %mul3A_991 = arith.mulf %mul3A_978, %mul3A_990 : vector<16xf32>
    %mul3A_992 = arith.mulf %mul3A_991, %mul3A_990 : vector<16xf32>
    %sub3A_993 = arith.constant 1.500000e+00 : f32
    %sub3A_994 = vector.broadcast %sub3A_993 : f32 to vector<16xf32>
    %sub3A_995 = arith.subf %sub3A_994, %mul3A_992 : vector<16xf32>
    %mul3A_996 = arith.mulf %mul3A_990, %sub3A_995 : vector<16xf32>
    %mul3A_997 = arith.mulf %add3A_967, %mul3A_996 : vector<16xf32>
    %add3A_998 = arith.constant 1.000000e-07 : f32
    %add3A_999 = vector.broadcast %add3A_998 : f32 to vector<16xf32>
    %add3A_1000 = arith.addf %mul3A_997, %add3A_999 : vector<16xf32>
    %div3A_1001 = arith.constant 1.000000e+00 : f32
    %div3A_1002 = vector.broadcast %div3A_1001 : f32 to vector<16xf32>
    %div3A_1003 = arith.divf %div3A_1002, %add3A_1000 : vector<16xf32>
    %get3A_1004 = arith.constant 192 : index
    %get3A_1005 = tpu.vector_load %arg9[%get3A_1004] {strides = array<i32>} : memref<2048xf32, #tpu.memory_space<vmem>>, vector<16xf32>,
    %get3A_1006 = vector.shape_cast %get3A_1005 : vector<16xf32> to vector<16xf32>
    %get3A_1007 = arith.constant 448 : index
    %get3A_1008 = tpu.vector_load %arg9[%get3A_1007] {strides = array<i32>} : memref<2048xf32, #tpu.memory_space<vmem>>, vector<16xf32>,
    %get3A_1009 = vector.shape_cast %get3A_1008 : vector<16xf32> to vector<16xf32>
    %add3A_1010 = arith.addf %get3A_1006, %get3A_1009 : vector<16xf32>
    %get3A_1011 = arith.constant 704 : index
    %get3A_1012 = tpu.vector_load %arg9[%get3A_1011] {strides = array<i32>} : memref<2048xf32, #tpu.memory_space<vmem>>, vector<16xf32>,
    %get3A_1013 = vector.shape_cast %get3A_1012 : vector<16xf32> to vector<16xf32>
    %add3A_1014 = arith.addf %add3A_1010, %get3A_1013 : vector<16xf32>
    %get3A_1015 = arith.constant 960 : index
    %get3A_1016 = tpu.vector_load %arg9[%get3A_1015] {strides = array<i32>} : memref<2048xf32, #tpu.memory_space<vmem>>, vector<16xf32>,
    %get3A_1017 = vector.shape_cast %get3A_1016 : vector<16xf32> to vector<16xf32>
    %add3A_1018 = arith.addf %add3A_1014, %get3A_1017 : vector<16xf32>
    %get3A_1019 = arith.constant 1216 : index
    %get3A_1020 = tpu.vector_load %arg9[%get3A_1019] {strides = array<i32>} : memref<2048xf32, #tpu.memory_space<vmem>>, vector<16xf32>,
    %get3A_1021 = vector.shape_cast %get3A_1020 : vector<16xf32> to vector<16xf32>
    %add3A_1022 = arith.addf %add3A_1018, %get3A_1021 : vector<16xf32>
    %get3A_1023 = arith.constant 1472 : index
    %get3A_1024 = tpu.vector_load %arg9[%get3A_1023] {strides = array<i32>} : memref<2048xf32, #tpu.memory_space<vmem>>, vector<16xf32>,
    %get3A_1025 = vector.shape_cast %get3A_1024 : vector<16xf32> to vector<16xf32>
    %add3A_1026 = arith.addf %add3A_1022, %get3A_1025 : vector<16xf32>
    %get3A_1027 = arith.constant 1728 : index
    %get3A_1028 = tpu.vector_load %arg9[%get3A_1027] {strides = array<i32>} : memref<2048xf32, #tpu.memory_space<vmem>>, vector<16xf32>,
    %get3A_1029 = vector.shape_cast %get3A_1028 : vector<16xf32> to vector<16xf32>
    %add3A_1030 = arith.addf %add3A_1026, %get3A_1029 : vector<16xf32>
    %get3A_1031 = arith.constant 1984 : index
    %get3A_1032 = tpu.vector_load %arg9[%get3A_1031] {strides = array<i32>} : memref<2048xf32, #tpu.memory_space<vmem>>, vector<16xf32>,
    %get3A_1033 = vector.shape_cast %get3A_1032 : vector<16xf32> to vector<16xf32>
    %add3A_1034 = arith.addf %add3A_1030, %get3A_1033 : vector<16xf32>
    %bitcast_convert_type3A_1035 = tpu.bitcast %add3A_1034 : vector<16xf32> -> vector<16xi32>
    %shift_right_logical3A_1036 = arith.constant 1 : i32
    %shift_right_logical3A_1037 = vector.broadcast %shift_right_logical3A_1036 : i32 to vector<16xi32>
    %shift_right_logical3A_1038 = arith.shrui %bitcast_convert_type3A_1035, %shift_right_logical3A_1037 : vector<16xi32>
    %sub3A_1039 = arith.constant 1597463007 : i32
    %sub3A_1040 = vector.broadcast %sub3A_1039 : i32 to vector<16xi32>
    %sub3A_1041 = arith.subi %sub3A_1040, %shift_right_logical3A_1038 : vector<16xi32>
    %bitcast_convert_type3A_1042 = tpu.bitcast %sub3A_1041 : vector<16xi32> -> vector<16xf32>
    %mul3A_1043 = arith.constant 5.000000e-01 : f32
    %mul3A_1044 = vector.broadcast %mul3A_1043 : f32 to vector<16xf32>
    %mul3A_1045 = arith.mulf %add3A_1034, %mul3A_1044 : vector<16xf32>
    %mul3A_1046 = arith.mulf %mul3A_1045, %bitcast_convert_type3A_1042 : vector<16xf32>
    %mul3A_1047 = arith.mulf %mul3A_1046, %bitcast_convert_type3A_1042 : vector<16xf32>
    %sub3A_1048 = arith.constant 1.500000e+00 : f32
    %sub3A_1049 = vector.broadcast %sub3A_1048 : f32 to vector<16xf32>
    %sub3A_1050 = arith.subf %sub3A_1049, %mul3A_1047 : vector<16xf32>
    %mul3A_1051 = arith.mulf %bitcast_convert_type3A_1042, %sub3A_1050 : vector<16xf32>
    %mul3A_1052 = arith.mulf %mul3A_1045, %mul3A_1051 : vector<16xf32>
    %mul3A_1053 = arith.mulf %mul3A_1052, %mul3A_1051 : vector<16xf32>
    %sub3A_1054 = arith.constant 1.500000e+00 : f32
    %sub3A_1055 = vector.broadcast %sub3A_1054 : f32 to vector<16xf32>
    %sub3A_1056 = arith.subf %sub3A_1055, %mul3A_1053 : vector<16xf32>
    %mul3A_1057 = arith.mulf %mul3A_1051, %sub3A_1056 : vector<16xf32>
    %mul3A_1058 = arith.mulf %mul3A_1045, %mul3A_1057 : vector<16xf32>
    %mul3A_1059 = arith.mulf %mul3A_1058, %mul3A_1057 : vector<16xf32>
    %sub3A_1060 = arith.constant 1.500000e+00 : f32
    %sub3A_1061 = vector.broadcast %sub3A_1060 : f32 to vector<16xf32>
    %sub3A_1062 = arith.subf %sub3A_1061, %mul3A_1059 : vector<16xf32>
    %mul3A_1063 = arith.mulf %mul3A_1057, %sub3A_1062 : vector<16xf32>
    %mul3A_1064 = arith.mulf %add3A_1034, %mul3A_1063 : vector<16xf32>
    %add3A_1065 = arith.constant 1.000000e-07 : f32
    %add3A_1066 = vector.broadcast %add3A_1065 : f32 to vector<16xf32>
    %add3A_1067 = arith.addf %mul3A_1064, %add3A_1066 : vector<16xf32>
    %div3A_1068 = arith.constant 1.000000e+00 : f32
    %div3A_1069 = vector.broadcast %div3A_1068 : f32 to vector<16xf32>
    %div3A_1070 = arith.divf %div3A_1069, %add3A_1067 : vector<16xf32>
    %get3A_1071 = arith.constant 208 : index
    %get3A_1072 = tpu.vector_load %arg9[%get3A_1071] {strides = array<i32>} : memref<2048xf32, #tpu.memory_space<vmem>>, vector<16xf32>,
    %get3A_1073 = vector.shape_cast %get3A_1072 : vector<16xf32> to vector<16xf32>
    %get3A_1074 = arith.constant 464 : index
    %get3A_1075 = tpu.vector_load %arg9[%get3A_1074] {strides = array<i32>} : memref<2048xf32, #tpu.memory_space<vmem>>, vector<16xf32>,
    %get3A_1076 = vector.shape_cast %get3A_1075 : vector<16xf32> to vector<16xf32>
    %add3A_1077 = arith.addf %get3A_1073, %get3A_1076 : vector<16xf32>
    %get3A_1078 = arith.constant 720 : index
    %get3A_1079 = tpu.vector_load %arg9[%get3A_1078] {strides = array<i32>} : memref<2048xf32, #tpu.memory_space<vmem>>, vector<16xf32>,
    %get3A_1080 = vector.shape_cast %get3A_1079 : vector<16xf32> to vector<16xf32>
    %add3A_1081 = arith.addf %add3A_1077, %get3A_1080 : vector<16xf32>
    %get3A_1082 = arith.constant 976 : index
    %get3A_1083 = tpu.vector_load %arg9[%get3A_1082] {strides = array<i32>} : memref<2048xf32, #tpu.memory_space<vmem>>, vector<16xf32>,
    %get3A_1084 = vector.shape_cast %get3A_1083 : vector<16xf32> to vector<16xf32>
    %add3A_1085 = arith.addf %add3A_1081, %get3A_1084 : vector<16xf32>
    %get3A_1086 = arith.constant 1232 : index
    %get3A_1087 = tpu.vector_load %arg9[%get3A_1086] {strides = array<i32>} : memref<2048xf32, #tpu.memory_space<vmem>>, vector<16xf32>,
    %get3A_1088 = vector.shape_cast %get3A_1087 : vector<16xf32> to vector<16xf32>
    %add3A_1089 = arith.addf %add3A_1085, %get3A_1088 : vector<16xf32>
    %get3A_1090 = arith.constant 1488 : index
    %get3A_1091 = tpu.vector_load %arg9[%get3A_1090] {strides = array<i32>} : memref<2048xf32, #tpu.memory_space<vmem>>, vector<16xf32>,
    %get3A_1092 = vector.shape_cast %get3A_1091 : vector<16xf32> to vector<16xf32>
    %add3A_1093 = arith.addf %add3A_1089, %get3A_1092 : vector<16xf32>
    %get3A_1094 = arith.constant 1744 : index
    %get3A_1095 = tpu.vector_load %arg9[%get3A_1094] {strides = array<i32>} : memref<2048xf32, #tpu.memory_space<vmem>>, vector<16xf32>,
    %get3A_1096 = vector.shape_cast %get3A_1095 : vector<16xf32> to vector<16xf32>
    %add3A_1097 = arith.addf %add3A_1093, %get3A_1096 : vector<16xf32>
    %get3A_1098 = arith.constant 2000 : index
    %get3A_1099 = tpu.vector_load %arg9[%get3A_1098] {strides = array<i32>} : memref<2048xf32, #tpu.memory_space<vmem>>, vector<16xf32>,
    %get3A_1100 = vector.shape_cast %get3A_1099 : vector<16xf32> to vector<16xf32>
    %add3A_1101 = arith.addf %add3A_1097, %get3A_1100 : vector<16xf32>
    %bitcast_convert_type3A_1102 = tpu.bitcast %add3A_1101 : vector<16xf32> -> vector<16xi32>
    %shift_right_logical3A_1103 = arith.constant 1 : i32
    %shift_right_logical3A_1104 = vector.broadcast %shift_right_logical3A_1103 : i32 to vector<16xi32>
    %shift_right_logical3A_1105 = arith.shrui %bitcast_convert_type3A_1102, %shift_right_logical3A_1104 : vector<16xi32>
    %sub3A_1106 = arith.constant 1597463007 : i32
    %sub3A_1107 = vector.broadcast %sub3A_1106 : i32 to vector<16xi32>
    %sub3A_1108 = arith.subi %sub3A_1107, %shift_right_logical3A_1105 : vector<16xi32>
    %bitcast_convert_type3A_1109 = tpu.bitcast %sub3A_1108 : vector<16xi32> -> vector<16xf32>
    %mul3A_1110 = arith.constant 5.000000e-01 : f32
    %mul3A_1111 = vector.broadcast %mul3A_1110 : f32 to vector<16xf32>
    %mul3A_1112 = arith.mulf %add3A_1101, %mul3A_1111 : vector<16xf32>
    %mul3A_1113 = arith.mulf %mul3A_1112, %bitcast_convert_type3A_1109 : vector<16xf32>
    %mul3A_1114 = arith.mulf %mul3A_1113, %bitcast_convert_type3A_1109 : vector<16xf32>
    %sub3A_1115 = arith.constant 1.500000e+00 : f32
    %sub3A_1116 = vector.broadcast %sub3A_1115 : f32 to vector<16xf32>
    %sub3A_1117 = arith.subf %sub3A_1116, %mul3A_1114 : vector<16xf32>
    %mul3A_1118 = arith.mulf %bitcast_convert_type3A_1109, %sub3A_1117 : vector<16xf32>
    %mul3A_1119 = arith.mulf %mul3A_1112, %mul3A_1118 : vector<16xf32>
    %mul3A_1120 = arith.mulf %mul3A_1119, %mul3A_1118 : vector<16xf32>
    %sub3A_1121 = arith.constant 1.500000e+00 : f32
    %sub3A_1122 = vector.broadcast %sub3A_1121 : f32 to vector<16xf32>
    %sub3A_1123 = arith.subf %sub3A_1122, %mul3A_1120 : vector<16xf32>
    %mul3A_1124 = arith.mulf %mul3A_1118, %sub3A_1123 : vector<16xf32>
    %mul3A_1125 = arith.mulf %mul3A_1112, %mul3A_1124 : vector<16xf32>
    %mul3A_1126 = arith.mulf %mul3A_1125, %mul3A_1124 : vector<16xf32>
    %sub3A_1127 = arith.constant 1.500000e+00 : f32
    %sub3A_1128 = vector.broadcast %sub3A_1127 : f32 to vector<16xf32>
    %sub3A_1129 = arith.subf %sub3A_1128, %mul3A_1126 : vector<16xf32>
    %mul3A_1130 = arith.mulf %mul3A_1124, %sub3A_1129 : vector<16xf32>
    %mul3A_1131 = arith.mulf %add3A_1101, %mul3A_1130 : vector<16xf32>
    %add3A_1132 = arith.constant 1.000000e-07 : f32
    %add3A_1133 = vector.broadcast %add3A_1132 : f32 to vector<16xf32>
    %add3A_1134 = arith.addf %mul3A_1131, %add3A_1133 : vector<16xf32>
    %div3A_1135 = arith.constant 1.000000e+00 : f32
    %div3A_1136 = vector.broadcast %div3A_1135 : f32 to vector<16xf32>
    %div3A_1137 = arith.divf %div3A_1136, %add3A_1134 : vector<16xf32>
    %get3A_1138 = arith.constant 224 : index
    %get3A_1139 = tpu.vector_load %arg9[%get3A_1138] {strides = array<i32>} : memref<2048xf32, #tpu.memory_space<vmem>>, vector<16xf32>,
    %get3A_1140 = vector.shape_cast %get3A_1139 : vector<16xf32> to vector<16xf32>
    %get3A_1141 = arith.constant 480 : index
    %get3A_1142 = tpu.vector_load %arg9[%get3A_1141] {strides = array<i32>} : memref<2048xf32, #tpu.memory_space<vmem>>, vector<16xf32>,
    %get3A_1143 = vector.shape_cast %get3A_1142 : vector<16xf32> to vector<16xf32>
    %add3A_1144 = arith.addf %get3A_1140, %get3A_1143 : vector<16xf32>
    %get3A_1145 = arith.constant 736 : index
    %get3A_1146 = tpu.vector_load %arg9[%get3A_1145] {strides = array<i32>} : memref<2048xf32, #tpu.memory_space<vmem>>, vector<16xf32>,
    %get3A_1147 = vector.shape_cast %get3A_1146 : vector<16xf32> to vector<16xf32>
    %add3A_1148 = arith.addf %add3A_1144, %get3A_1147 : vector<16xf32>
    %get3A_1149 = arith.constant 992 : index
    %get3A_1150 = tpu.vector_load %arg9[%get3A_1149] {strides = array<i32>} : memref<2048xf32, #tpu.memory_space<vmem>>, vector<16xf32>,
    %get3A_1151 = vector.shape_cast %get3A_1150 : vector<16xf32> to vector<16xf32>
    %add3A_1152 = arith.addf %add3A_1148, %get3A_1151 : vector<16xf32>
    %get3A_1153 = arith.constant 1248 : index
    %get3A_1154 = tpu.vector_load %arg9[%get3A_1153] {strides = array<i32>} : memref<2048xf32, #tpu.memory_space<vmem>>, vector<16xf32>,
    %get3A_1155 = vector.shape_cast %get3A_1154 : vector<16xf32> to vector<16xf32>
    %add3A_1156 = arith.addf %add3A_1152, %get3A_1155 : vector<16xf32>
    %get3A_1157 = arith.constant 1504 : index
    %get3A_1158 = tpu.vector_load %arg9[%get3A_1157] {strides = array<i32>} : memref<2048xf32, #tpu.memory_space<vmem>>, vector<16xf32>,
    %get3A_1159 = vector.shape_cast %get3A_1158 : vector<16xf32> to vector<16xf32>
    %add3A_1160 = arith.addf %add3A_1156, %get3A_1159 : vector<16xf32>
    %get3A_1161 = arith.constant 1760 : index
    %get3A_1162 = tpu.vector_load %arg9[%get3A_1161] {strides = array<i32>} : memref<2048xf32, #tpu.memory_space<vmem>>, vector<16xf32>,
    %get3A_1163 = vector.shape_cast %get3A_1162 : vector<16xf32> to vector<16xf32>
    %add3A_1164 = arith.addf %add3A_1160, %get3A_1163 : vector<16xf32>
    %get3A_1165 = arith.constant 2016 : index
    %get3A_1166 = tpu.vector_load %arg9[%get3A_1165] {strides = array<i32>} : memref<2048xf32, #tpu.memory_space<vmem>>, vector<16xf32>,
    %get3A_1167 = vector.shape_cast %get3A_1166 : vector<16xf32> to vector<16xf32>
    %add3A_1168 = arith.addf %add3A_1164, %get3A_1167 : vector<16xf32>
    %bitcast_convert_type3A_1169 = tpu.bitcast %add3A_1168 : vector<16xf32> -> vector<16xi32>
    %shift_right_logical3A_1170 = arith.constant 1 : i32
    %shift_right_logical3A_1171 = vector.broadcast %shift_right_logical3A_1170 : i32 to vector<16xi32>
    %shift_right_logical3A_1172 = arith.shrui %bitcast_convert_type3A_1169, %shift_right_logical3A_1171 : vector<16xi32>
    %sub3A_1173 = arith.constant 1597463007 : i32
    %sub3A_1174 = vector.broadcast %sub3A_1173 : i32 to vector<16xi32>
    %sub3A_1175 = arith.subi %sub3A_1174, %shift_right_logical3A_1172 : vector<16xi32>
    %bitcast_convert_type3A_1176 = tpu.bitcast %sub3A_1175 : vector<16xi32> -> vector<16xf32>
    %mul3A_1177 = arith.constant 5.000000e-01 : f32
    %mul3A_1178 = vector.broadcast %mul3A_1177 : f32 to vector<16xf32>
    %mul3A_1179 = arith.mulf %add3A_1168, %mul3A_1178 : vector<16xf32>
    %mul3A_1180 = arith.mulf %mul3A_1179, %bitcast_convert_type3A_1176 : vector<16xf32>
    %mul3A_1181 = arith.mulf %mul3A_1180, %bitcast_convert_type3A_1176 : vector<16xf32>
    %sub3A_1182 = arith.constant 1.500000e+00 : f32
    %sub3A_1183 = vector.broadcast %sub3A_1182 : f32 to vector<16xf32>
    %sub3A_1184 = arith.subf %sub3A_1183, %mul3A_1181 : vector<16xf32>
    %mul3A_1185 = arith.mulf %bitcast_convert_type3A_1176, %sub3A_1184 : vector<16xf32>
    %mul3A_1186 = arith.mulf %mul3A_1179, %mul3A_1185 : vector<16xf32>
    %mul3A_1187 = arith.mulf %mul3A_1186, %mul3A_1185 : vector<16xf32>
    %sub3A_1188 = arith.constant 1.500000e+00 : f32
    %sub3A_1189 = vector.broadcast %sub3A_1188 : f32 to vector<16xf32>
    %sub3A_1190 = arith.subf %sub3A_1189, %mul3A_1187 : vector<16xf32>
    %mul3A_1191 = arith.mulf %mul3A_1185, %sub3A_1190 : vector<16xf32>
    %mul3A_1192 = arith.mulf %mul3A_1179, %mul3A_1191 : vector<16xf32>
    %mul3A_1193 = arith.mulf %mul3A_1192, %mul3A_1191 : vector<16xf32>
    %sub3A_1194 = arith.constant 1.500000e+00 : f32
    %sub3A_1195 = vector.broadcast %sub3A_1194 : f32 to vector<16xf32>
    %sub3A_1196 = arith.subf %sub3A_1195, %mul3A_1193 : vector<16xf32>
    %mul3A_1197 = arith.mulf %mul3A_1191, %sub3A_1196 : vector<16xf32>
    %mul3A_1198 = arith.mulf %add3A_1168, %mul3A_1197 : vector<16xf32>
    %add3A_1199 = arith.constant 1.000000e-07 : f32
    %add3A_1200 = vector.broadcast %add3A_1199 : f32 to vector<16xf32>
    %add3A_1201 = arith.addf %mul3A_1198, %add3A_1200 : vector<16xf32>
    %div3A_1202 = arith.constant 1.000000e+00 : f32
    %div3A_1203 = vector.broadcast %div3A_1202 : f32 to vector<16xf32>
    %div3A_1204 = arith.divf %div3A_1203, %add3A_1201 : vector<16xf32>
    %get3A_1205 = arith.constant 240 : index
    %get3A_1206 = tpu.vector_load %arg9[%get3A_1205] {strides = array<i32>} : memref<2048xf32, #tpu.memory_space<vmem>>, vector<16xf32>,
    %get3A_1207 = vector.shape_cast %get3A_1206 : vector<16xf32> to vector<16xf32>
    %get3A_1208 = arith.constant 496 : index
    %get3A_1209 = tpu.vector_load %arg9[%get3A_1208] {strides = array<i32>} : memref<2048xf32, #tpu.memory_space<vmem>>, vector<16xf32>,
    %get3A_1210 = vector.shape_cast %get3A_1209 : vector<16xf32> to vector<16xf32>
    %add3A_1211 = arith.addf %get3A_1207, %get3A_1210 : vector<16xf32>
    %get3A_1212 = arith.constant 752 : index
    %get3A_1213 = tpu.vector_load %arg9[%get3A_1212] {strides = array<i32>} : memref<2048xf32, #tpu.memory_space<vmem>>, vector<16xf32>,
    %get3A_1214 = vector.shape_cast %get3A_1213 : vector<16xf32> to vector<16xf32>
    %add3A_1215 = arith.addf %add3A_1211, %get3A_1214 : vector<16xf32>
    %get3A_1216 = arith.constant 1008 : index
    %get3A_1217 = tpu.vector_load %arg9[%get3A_1216] {strides = array<i32>} : memref<2048xf32, #tpu.memory_space<vmem>>, vector<16xf32>,
    %get3A_1218 = vector.shape_cast %get3A_1217 : vector<16xf32> to vector<16xf32>
    %add3A_1219 = arith.addf %add3A_1215, %get3A_1218 : vector<16xf32>
    %get3A_1220 = arith.constant 1264 : index
    %get3A_1221 = tpu.vector_load %arg9[%get3A_1220] {strides = array<i32>} : memref<2048xf32, #tpu.memory_space<vmem>>, vector<16xf32>,
    %get3A_1222 = vector.shape_cast %get3A_1221 : vector<16xf32> to vector<16xf32>
    %add3A_1223 = arith.addf %add3A_1219, %get3A_1222 : vector<16xf32>
    %get3A_1224 = arith.constant 1520 : index
    %get3A_1225 = tpu.vector_load %arg9[%get3A_1224] {strides = array<i32>} : memref<2048xf32, #tpu.memory_space<vmem>>, vector<16xf32>,
    %get3A_1226 = vector.shape_cast %get3A_1225 : vector<16xf32> to vector<16xf32>
    %add3A_1227 = arith.addf %add3A_1223, %get3A_1226 : vector<16xf32>
    %get3A_1228 = arith.constant 1776 : index
    %get3A_1229 = tpu.vector_load %arg9[%get3A_1228] {strides = array<i32>} : memref<2048xf32, #tpu.memory_space<vmem>>, vector<16xf32>,
    %get3A_1230 = vector.shape_cast %get3A_1229 : vector<16xf32> to vector<16xf32>
    %add3A_1231 = arith.addf %add3A_1227, %get3A_1230 : vector<16xf32>
    %get3A_1232 = arith.constant 2032 : index
    %get3A_1233 = tpu.vector_load %arg9[%get3A_1232] {strides = array<i32>} : memref<2048xf32, #tpu.memory_space<vmem>>, vector<16xf32>,
    %get3A_1234 = vector.shape_cast %get3A_1233 : vector<16xf32> to vector<16xf32>
    %add3A_1235 = arith.addf %add3A_1231, %get3A_1234 : vector<16xf32>
    %bitcast_convert_type3A_1236 = tpu.bitcast %add3A_1235 : vector<16xf32> -> vector<16xi32>
    %shift_right_logical3A_1237 = arith.constant 1 : i32
    %shift_right_logical3A_1238 = vector.broadcast %shift_right_logical3A_1237 : i32 to vector<16xi32>
    %shift_right_logical3A_1239 = arith.shrui %bitcast_convert_type3A_1236, %shift_right_logical3A_1238 : vector<16xi32>
    %sub3A_1240 = arith.constant 1597463007 : i32
    %sub3A_1241 = vector.broadcast %sub3A_1240 : i32 to vector<16xi32>
    %sub3A_1242 = arith.subi %sub3A_1241, %shift_right_logical3A_1239 : vector<16xi32>
    %bitcast_convert_type3A_1243 = tpu.bitcast %sub3A_1242 : vector<16xi32> -> vector<16xf32>
    %mul3A_1244 = arith.constant 5.000000e-01 : f32
    %mul3A_1245 = vector.broadcast %mul3A_1244 : f32 to vector<16xf32>
    %mul3A_1246 = arith.mulf %add3A_1235, %mul3A_1245 : vector<16xf32>
    %mul3A_1247 = arith.mulf %mul3A_1246, %bitcast_convert_type3A_1243 : vector<16xf32>
    %mul3A_1248 = arith.mulf %mul3A_1247, %bitcast_convert_type3A_1243 : vector<16xf32>
    %sub3A_1249 = arith.constant 1.500000e+00 : f32
    %sub3A_1250 = vector.broadcast %sub3A_1249 : f32 to vector<16xf32>
    %sub3A_1251 = arith.subf %sub3A_1250, %mul3A_1248 : vector<16xf32>
    %mul3A_1252 = arith.mulf %bitcast_convert_type3A_1243, %sub3A_1251 : vector<16xf32>
    %mul3A_1253 = arith.mulf %mul3A_1246, %mul3A_1252 : vector<16xf32>
    %mul3A_1254 = arith.mulf %mul3A_1253, %mul3A_1252 : vector<16xf32>
    %sub3A_1255 = arith.constant 1.500000e+00 : f32
    %sub3A_1256 = vector.broadcast %sub3A_1255 : f32 to vector<16xf32>
    %sub3A_1257 = arith.subf %sub3A_1256, %mul3A_1254 : vector<16xf32>
    %mul3A_1258 = arith.mulf %mul3A_1252, %sub3A_1257 : vector<16xf32>
    %mul3A_1259 = arith.mulf %mul3A_1246, %mul3A_1258 : vector<16xf32>
    %mul3A_1260 = arith.mulf %mul3A_1259, %mul3A_1258 : vector<16xf32>
    %sub3A_1261 = arith.constant 1.500000e+00 : f32
    %sub3A_1262 = vector.broadcast %sub3A_1261 : f32 to vector<16xf32>
    %sub3A_1263 = arith.subf %sub3A_1262, %mul3A_1260 : vector<16xf32>
    %mul3A_1264 = arith.mulf %mul3A_1258, %sub3A_1263 : vector<16xf32>
    %mul3A_1265 = arith.mulf %add3A_1235, %mul3A_1264 : vector<16xf32>
    %add3A_1266 = arith.constant 1.000000e-07 : f32
    %add3A_1267 = vector.broadcast %add3A_1266 : f32 to vector<16xf32>
    %add3A_1268 = arith.addf %mul3A_1265, %add3A_1267 : vector<16xf32>
    %div3A_1269 = arith.constant 1.000000e+00 : f32
    %div3A_1270 = vector.broadcast %div3A_1269 : f32 to vector<16xf32>
    %div3A_1271 = arith.divf %div3A_1270, %add3A_1268 : vector<16xf32>
    %scan3A_1272 = arith.constant 0 : i32
    %scan3A_1273 = arith.constant 0 : i32
    %scan3A_1274 = arith.constant 24 : i32
    %scan3A_1275 = arith.addi %scan3A_1273, %scan3A_1274 : i32
    %scan3A_1276 = arith.constant 1 : i32
    scf.for %scan3A_1281 = %scan3A_1273 to %scan3A_1275 step %scan3A_1276  : i32 {
      %shift_right_logical3A_1282 = arith.constant 3 : i32
      %shift_right_logical3A_1283 = arith.shrui %scan3A_1281, %shift_right_logical3A_1282 : i32
      %mul3A_1284 = arith.constant 16 : i32
      %mul3A_1285 = arith.muli %shift_right_logical3A_1283, %mul3A_1284 : i32
      %and3A_1286 = arith.constant 7 : i32
      %and3A_1287 = arith.andi %scan3A_1281, %and3A_1286 : i32
      %add3A_1288 = arith.addi %mul3A_1285, %and3A_1287 : i32
      %add3A_1289 = arith.constant 0 : i32
      %add3A_1290 = arith.addi %add3A_1288, %add3A_1289 : i32
      %mul3A_1291 = arith.constant 128 : i32
      %mul3A_1292 = arith.muli %add3A_1290, %mul3A_1291 : i32
      %add3A_1293 = arith.constant 0 : i32
      %add3A_1294 = arith.addi %mul3A_1292, %add3A_1293 : i32
      %get3A_1295 = arith.index_cast %add3A_1294 : i32 to index
      %get3A_1296 = tpu.vector_load %arg7[%get3A_1295] {strides = array<i32>} : memref<6144xf32, #tpu.memory_space<vmem>>, vector<16xf32>,
      %get3A_1297 = vector.shape_cast %get3A_1296 : vector<16xf32> to vector<16xf32>
      %mul3A_1298 = arith.mulf %get3A_1297, %div3A_266 : vector<16xf32>
      %add3A_1299 = arith.constant 0 : i32
      %add3A_1300 = arith.addi %mul3A_1292, %add3A_1299 : i32
      %swap3A_1301 = arith.index_cast %add3A_1300 : i32 to index
      %swap3A_1302 = tpu.vector_load %arg7[%swap3A_1301] {strides = array<i32>} : memref<6144xf32, #tpu.memory_space<vmem>>, vector<16xf32>,
      %swap3A_1303 = vector.shape_cast %swap3A_1302 : vector<16xf32> to vector<16xf32>
      %swap3A_1304 = vector.shape_cast %mul3A_1298 : vector<16xf32> to vector<16xf32>
      tpu.vector_store %arg7[%swap3A_1301], %swap3A_1304 {strides = array<i32>} : memref<6144xf32, #tpu.memory_space<vmem>>, vector<16xf32>,
      %add3A_1305 = arith.constant 16 : i32
      %add3A_1306 = arith.addi %mul3A_1292, %add3A_1305 : i32
      %get3A_1307 = arith.index_cast %add3A_1306 : i32 to index
      %get3A_1308 = tpu.vector_load %arg7[%get3A_1307] {strides = array<i32>} : memref<6144xf32, #tpu.memory_space<vmem>>, vector<16xf32>,
      %get3A_1309 = vector.shape_cast %get3A_1308 : vector<16xf32> to vector<16xf32>
      %mul3A_1310 = arith.mulf %get3A_1309, %div3A_333 : vector<16xf32>
      %add3A_1311 = arith.constant 16 : i32
      %add3A_1312 = arith.addi %mul3A_1292, %add3A_1311 : i32
      %swap3A_1313 = arith.index_cast %add3A_1312 : i32 to index
      %swap3A_1314 = tpu.vector_load %arg7[%swap3A_1313] {strides = array<i32>} : memref<6144xf32, #tpu.memory_space<vmem>>, vector<16xf32>,
      %swap3A_1315 = vector.shape_cast %swap3A_1314 : vector<16xf32> to vector<16xf32>
      %swap3A_1316 = vector.shape_cast %mul3A_1310 : vector<16xf32> to vector<16xf32>
      tpu.vector_store %arg7[%swap3A_1313], %swap3A_1316 {strides = array<i32>} : memref<6144xf32, #tpu.memory_space<vmem>>, vector<16xf32>,
      %add3A_1317 = arith.constant 32 : i32
      %add3A_1318 = arith.addi %mul3A_1292, %add3A_1317 : i32
      %get3A_1319 = arith.index_cast %add3A_1318 : i32 to index
      %get3A_1320 = tpu.vector_load %arg7[%get3A_1319] {strides = array<i32>} : memref<6144xf32, #tpu.memory_space<vmem>>, vector<16xf32>,
      %get3A_1321 = vector.shape_cast %get3A_1320 : vector<16xf32> to vector<16xf32>
      %mul3A_1322 = arith.mulf %get3A_1321, %div3A_400 : vector<16xf32>
      %add3A_1323 = arith.constant 32 : i32
      %add3A_1324 = arith.addi %mul3A_1292, %add3A_1323 : i32
      %swap3A_1325 = arith.index_cast %add3A_1324 : i32 to index
      %swap3A_1326 = tpu.vector_load %arg7[%swap3A_1325] {strides = array<i32>} : memref<6144xf32, #tpu.memory_space<vmem>>, vector<16xf32>,
      %swap3A_1327 = vector.shape_cast %swap3A_1326 : vector<16xf32> to vector<16xf32>
      %swap3A_1328 = vector.shape_cast %mul3A_1322 : vector<16xf32> to vector<16xf32>
      tpu.vector_store %arg7[%swap3A_1325], %swap3A_1328 {strides = array<i32>} : memref<6144xf32, #tpu.memory_space<vmem>>, vector<16xf32>,
      %add3A_1329 = arith.constant 48 : i32
      %add3A_1330 = arith.addi %mul3A_1292, %add3A_1329 : i32
      %get3A_1331 = arith.index_cast %add3A_1330 : i32 to index
      %get3A_1332 = tpu.vector_load %arg7[%get3A_1331] {strides = array<i32>} : memref<6144xf32, #tpu.memory_space<vmem>>, vector<16xf32>,
      %get3A_1333 = vector.shape_cast %get3A_1332 : vector<16xf32> to vector<16xf32>
      %mul3A_1334 = arith.mulf %get3A_1333, %div3A_467 : vector<16xf32>
      %add3A_1335 = arith.constant 48 : i32
      %add3A_1336 = arith.addi %mul3A_1292, %add3A_1335 : i32
      %swap3A_1337 = arith.index_cast %add3A_1336 : i32 to index
      %swap3A_1338 = tpu.vector_load %arg7[%swap3A_1337] {strides = array<i32>} : memref<6144xf32, #tpu.memory_space<vmem>>, vector<16xf32>,
      %swap3A_1339 = vector.shape_cast %swap3A_1338 : vector<16xf32> to vector<16xf32>
      %swap3A_1340 = vector.shape_cast %mul3A_1334 : vector<16xf32> to vector<16xf32>
      tpu.vector_store %arg7[%swap3A_1337], %swap3A_1340 {strides = array<i32>} : memref<6144xf32, #tpu.memory_space<vmem>>, vector<16xf32>,
      %add3A_1341 = arith.constant 64 : i32
      %add3A_1342 = arith.addi %mul3A_1292, %add3A_1341 : i32
      %get3A_1343 = arith.index_cast %add3A_1342 : i32 to index
      %get3A_1344 = tpu.vector_load %arg7[%get3A_1343] {strides = array<i32>} : memref<6144xf32, #tpu.memory_space<vmem>>, vector<16xf32>,
      %get3A_1345 = vector.shape_cast %get3A_1344 : vector<16xf32> to vector<16xf32>
      %mul3A_1346 = arith.mulf %get3A_1345, %div3A_534 : vector<16xf32>
      %add3A_1347 = arith.constant 64 : i32
      %add3A_1348 = arith.addi %mul3A_1292, %add3A_1347 : i32
      %swap3A_1349 = arith.index_cast %add3A_1348 : i32 to index
      %swap3A_1350 = tpu.vector_load %arg7[%swap3A_1349] {strides = array<i32>} : memref<6144xf32, #tpu.memory_space<vmem>>, vector<16xf32>,
      %swap3A_1351 = vector.shape_cast %swap3A_1350 : vector<16xf32> to vector<16xf32>
      %swap3A_1352 = vector.shape_cast %mul3A_1346 : vector<16xf32> to vector<16xf32>
      tpu.vector_store %arg7[%swap3A_1349], %swap3A_1352 {strides = array<i32>} : memref<6144xf32, #tpu.memory_space<vmem>>, vector<16xf32>,
      %add3A_1353 = arith.constant 80 : i32
      %add3A_1354 = arith.addi %mul3A_1292, %add3A_1353 : i32
      %get3A_1355 = arith.index_cast %add3A_1354 : i32 to index
      %get3A_1356 = tpu.vector_load %arg7[%get3A_1355] {strides = array<i32>} : memref<6144xf32, #tpu.memory_space<vmem>>, vector<16xf32>,
      %get3A_1357 = vector.shape_cast %get3A_1356 : vector<16xf32> to vector<16xf32>
      %mul3A_1358 = arith.mulf %get3A_1357, %div3A_601 : vector<16xf32>
      %add3A_1359 = arith.constant 80 : i32
      %add3A_1360 = arith.addi %mul3A_1292, %add3A_1359 : i32
      %swap3A_1361 = arith.index_cast %add3A_1360 : i32 to index
      %swap3A_1362 = tpu.vector_load %arg7[%swap3A_1361] {strides = array<i32>} : memref<6144xf32, #tpu.memory_space<vmem>>, vector<16xf32>,
      %swap3A_1363 = vector.shape_cast %swap3A_1362 : vector<16xf32> to vector<16xf32>
      %swap3A_1364 = vector.shape_cast %mul3A_1358 : vector<16xf32> to vector<16xf32>
      tpu.vector_store %arg7[%swap3A_1361], %swap3A_1364 {strides = array<i32>} : memref<6144xf32, #tpu.memory_space<vmem>>, vector<16xf32>,
      %add3A_1365 = arith.constant 96 : i32
      %add3A_1366 = arith.addi %mul3A_1292, %add3A_1365 : i32
      %get3A_1367 = arith.index_cast %add3A_1366 : i32 to index
      %get3A_1368 = tpu.vector_load %arg7[%get3A_1367] {strides = array<i32>} : memref<6144xf32, #tpu.memory_space<vmem>>, vector<16xf32>,
      %get3A_1369 = vector.shape_cast %get3A_1368 : vector<16xf32> to vector<16xf32>
      %mul3A_1370 = arith.mulf %get3A_1369, %div3A_668 : vector<16xf32>
      %add3A_1371 = arith.constant 96 : i32
      %add3A_1372 = arith.addi %mul3A_1292, %add3A_1371 : i32
      %swap3A_1373 = arith.index_cast %add3A_1372 : i32 to index
      %swap3A_1374 = tpu.vector_load %arg7[%swap3A_1373] {strides = array<i32>} : memref<6144xf32, #tpu.memory_space<vmem>>, vector<16xf32>,
      %swap3A_1375 = vector.shape_cast %swap3A_1374 : vector<16xf32> to vector<16xf32>
      %swap3A_1376 = vector.shape_cast %mul3A_1370 : vector<16xf32> to vector<16xf32>
      tpu.vector_store %arg7[%swap3A_1373], %swap3A_1376 {strides = array<i32>} : memref<6144xf32, #tpu.memory_space<vmem>>, vector<16xf32>,
      %add3A_1377 = arith.constant 112 : i32
      %add3A_1378 = arith.addi %mul3A_1292, %add3A_1377 : i32
      %get3A_1379 = arith.index_cast %add3A_1378 : i32 to index
      %get3A_1380 = tpu.vector_load %arg7[%get3A_1379] {strides = array<i32>} : memref<6144xf32, #tpu.memory_space<vmem>>, vector<16xf32>,
      %get3A_1381 = vector.shape_cast %get3A_1380 : vector<16xf32> to vector<16xf32>
      %mul3A_1382 = arith.mulf %get3A_1381, %div3A_735 : vector<16xf32>
      %add3A_1383 = arith.constant 112 : i32
      %add3A_1384 = arith.addi %mul3A_1292, %add3A_1383 : i32
      %swap3A_1385 = arith.index_cast %add3A_1384 : i32 to index
      %swap3A_1386 = tpu.vector_load %arg7[%swap3A_1385] {strides = array<i32>} : memref<6144xf32, #tpu.memory_space<vmem>>, vector<16xf32>,
      %swap3A_1387 = vector.shape_cast %swap3A_1386 : vector<16xf32> to vector<16xf32>
      %swap3A_1388 = vector.shape_cast %mul3A_1382 : vector<16xf32> to vector<16xf32>
      tpu.vector_store %arg7[%swap3A_1385], %swap3A_1388 {strides = array<i32>} : memref<6144xf32, #tpu.memory_space<vmem>>, vector<16xf32>,
      %add3A_1389 = arith.constant 8 : i32
      %add3A_1390 = arith.addi %add3A_1288, %add3A_1389 : i32
      %mul3A_1391 = arith.constant 128 : i32
      %mul3A_1392 = arith.muli %add3A_1390, %mul3A_1391 : i32
      %add3A_1393 = arith.constant 0 : i32
      %add3A_1394 = arith.addi %mul3A_1392, %add3A_1393 : i32
      %get3A_1395 = arith.index_cast %add3A_1394 : i32 to index
      %get3A_1396 = tpu.vector_load %arg7[%get3A_1395] {strides = array<i32>} : memref<6144xf32, #tpu.memory_space<vmem>>, vector<16xf32>,
      %get3A_1397 = vector.shape_cast %get3A_1396 : vector<16xf32> to vector<16xf32>
      %mul3A_1398 = arith.mulf %get3A_1397, %div3A_802 : vector<16xf32>
      %add3A_1399 = arith.constant 0 : i32
      %add3A_1400 = arith.addi %mul3A_1392, %add3A_1399 : i32
      %swap3A_1401 = arith.index_cast %add3A_1400 : i32 to index
      %swap3A_1402 = tpu.vector_load %arg7[%swap3A_1401] {strides = array<i32>} : memref<6144xf32, #tpu.memory_space<vmem>>, vector<16xf32>,
      %swap3A_1403 = vector.shape_cast %swap3A_1402 : vector<16xf32> to vector<16xf32>
      %swap3A_1404 = vector.shape_cast %mul3A_1398 : vector<16xf32> to vector<16xf32>
      tpu.vector_store %arg7[%swap3A_1401], %swap3A_1404 {strides = array<i32>} : memref<6144xf32, #tpu.memory_space<vmem>>, vector<16xf32>,
      %add3A_1405 = arith.constant 16 : i32
      %add3A_1406 = arith.addi %mul3A_1392, %add3A_1405 : i32
      %get3A_1407 = arith.index_cast %add3A_1406 : i32 to index
      %get3A_1408 = tpu.vector_load %arg7[%get3A_1407] {strides = array<i32>} : memref<6144xf32, #tpu.memory_space<vmem>>, vector<16xf32>,
      %get3A_1409 = vector.shape_cast %get3A_1408 : vector<16xf32> to vector<16xf32>
      %mul3A_1410 = arith.mulf %get3A_1409, %div3A_869 : vector<16xf32>
      %add3A_1411 = arith.constant 16 : i32
      %add3A_1412 = arith.addi %mul3A_1392, %add3A_1411 : i32
      %swap3A_1413 = arith.index_cast %add3A_1412 : i32 to index
      %swap3A_1414 = tpu.vector_load %arg7[%swap3A_1413] {strides = array<i32>} : memref<6144xf32, #tpu.memory_space<vmem>>, vector<16xf32>,
      %swap3A_1415 = vector.shape_cast %swap3A_1414 : vector<16xf32> to vector<16xf32>
      %swap3A_1416 = vector.shape_cast %mul3A_1410 : vector<16xf32> to vector<16xf32>
      tpu.vector_store %arg7[%swap3A_1413], %swap3A_1416 {strides = array<i32>} : memref<6144xf32, #tpu.memory_space<vmem>>, vector<16xf32>,
      %add3A_1417 = arith.constant 32 : i32
      %add3A_1418 = arith.addi %mul3A_1392, %add3A_1417 : i32
      %get3A_1419 = arith.index_cast %add3A_1418 : i32 to index
      %get3A_1420 = tpu.vector_load %arg7[%get3A_1419] {strides = array<i32>} : memref<6144xf32, #tpu.memory_space<vmem>>, vector<16xf32>,
      %get3A_1421 = vector.shape_cast %get3A_1420 : vector<16xf32> to vector<16xf32>
      %mul3A_1422 = arith.mulf %get3A_1421, %div3A_936 : vector<16xf32>
      %add3A_1423 = arith.constant 32 : i32
      %add3A_1424 = arith.addi %mul3A_1392, %add3A_1423 : i32
      %swap3A_1425 = arith.index_cast %add3A_1424 : i32 to index
      %swap3A_1426 = tpu.vector_load %arg7[%swap3A_1425] {strides = array<i32>} : memref<6144xf32, #tpu.memory_space<vmem>>, vector<16xf32>,
      %swap3A_1427 = vector.shape_cast %swap3A_1426 : vector<16xf32> to vector<16xf32>
      %swap3A_1428 = vector.shape_cast %mul3A_1422 : vector<16xf32> to vector<16xf32>
      tpu.vector_store %arg7[%swap3A_1425], %swap3A_1428 {strides = array<i32>} : memref<6144xf32, #tpu.memory_space<vmem>>, vector<16xf32>,
      %add3A_1429 = arith.constant 48 : i32
      %add3A_1430 = arith.addi %mul3A_1392, %add3A_1429 : i32
      %get3A_1431 = arith.index_cast %add3A_1430 : i32 to index
      %get3A_1432 = tpu.vector_load %arg7[%get3A_1431] {strides = array<i32>} : memref<6144xf32, #tpu.memory_space<vmem>>, vector<16xf32>,
      %get3A_1433 = vector.shape_cast %get3A_1432 : vector<16xf32> to vector<16xf32>
      %mul3A_1434 = arith.mulf %get3A_1433, %div3A_1003 : vector<16xf32>
      %add3A_1435 = arith.constant 48 : i32
      %add3A_1436 = arith.addi %mul3A_1392, %add3A_1435 : i32
      %swap3A_1437 = arith.index_cast %add3A_1436 : i32 to index
      %swap3A_1438 = tpu.vector_load %arg7[%swap3A_1437] {strides = array<i32>} : memref<6144xf32, #tpu.memory_space<vmem>>, vector<16xf32>,
      %swap3A_1439 = vector.shape_cast %swap3A_1438 : vector<16xf32> to vector<16xf32>
      %swap3A_1440 = vector.shape_cast %mul3A_1434 : vector<16xf32> to vector<16xf32>
      tpu.vector_store %arg7[%swap3A_1437], %swap3A_1440 {strides = array<i32>} : memref<6144xf32, #tpu.memory_space<vmem>>, vector<16xf32>,
      %add3A_1441 = arith.constant 64 : i32
      %add3A_1442 = arith.addi %mul3A_1392, %add3A_1441 : i32
      %get3A_1443 = arith.index_cast %add3A_1442 : i32 to index
      %get3A_1444 = tpu.vector_load %arg7[%get3A_1443] {strides = array<i32>} : memref<6144xf32, #tpu.memory_space<vmem>>, vector<16xf32>,
      %get3A_1445 = vector.shape_cast %get3A_1444 : vector<16xf32> to vector<16xf32>
      %mul3A_1446 = arith.mulf %get3A_1445, %div3A_1070 : vector<16xf32>
      %add3A_1447 = arith.constant 64 : i32
      %add3A_1448 = arith.addi %mul3A_1392, %add3A_1447 : i32
      %swap3A_1449 = arith.index_cast %add3A_1448 : i32 to index
      %swap3A_1450 = tpu.vector_load %arg7[%swap3A_1449] {strides = array<i32>} : memref<6144xf32, #tpu.memory_space<vmem>>, vector<16xf32>,
      %swap3A_1451 = vector.shape_cast %swap3A_1450 : vector<16xf32> to vector<16xf32>
      %swap3A_1452 = vector.shape_cast %mul3A_1446 : vector<16xf32> to vector<16xf32>
      tpu.vector_store %arg7[%swap3A_1449], %swap3A_1452 {strides = array<i32>} : memref<6144xf32, #tpu.memory_space<vmem>>, vector<16xf32>,
      %add3A_1453 = arith.constant 80 : i32
      %add3A_1454 = arith.addi %mul3A_1392, %add3A_1453 : i32
      %get3A_1455 = arith.index_cast %add3A_1454 : i32 to index
      %get3A_1456 = tpu.vector_load %arg7[%get3A_1455] {strides = array<i32>} : memref<6144xf32, #tpu.memory_space<vmem>>, vector<16xf32>,
      %get3A_1457 = vector.shape_cast %get3A_1456 : vector<16xf32> to vector<16xf32>
      %mul3A_1458 = arith.mulf %get3A_1457, %div3A_1137 : vector<16xf32>
      %add3A_1459 = arith.constant 80 : i32
      %add3A_1460 = arith.addi %mul3A_1392, %add3A_1459 : i32
      %swap3A_1461 = arith.index_cast %add3A_1460 : i32 to index
      %swap3A_1462 = tpu.vector_load %arg7[%swap3A_1461] {strides = array<i32>} : memref<6144xf32, #tpu.memory_space<vmem>>, vector<16xf32>,
      %swap3A_1463 = vector.shape_cast %swap3A_1462 : vector<16xf32> to vector<16xf32>
      %swap3A_1464 = vector.shape_cast %mul3A_1458 : vector<16xf32> to vector<16xf32>
      tpu.vector_store %arg7[%swap3A_1461], %swap3A_1464 {strides = array<i32>} : memref<6144xf32, #tpu.memory_space<vmem>>, vector<16xf32>,
      %add3A_1465 = arith.constant 96 : i32
      %add3A_1466 = arith.addi %mul3A_1392, %add3A_1465 : i32
      %get3A_1467 = arith.index_cast %add3A_1466 : i32 to index
      %get3A_1468 = tpu.vector_load %arg7[%get3A_1467] {strides = array<i32>} : memref<6144xf32, #tpu.memory_space<vmem>>, vector<16xf32>,
      %get3A_1469 = vector.shape_cast %get3A_1468 : vector<16xf32> to vector<16xf32>
      %mul3A_1470 = arith.mulf %get3A_1469, %div3A_1204 : vector<16xf32>
      %add3A_1471 = arith.constant 96 : i32
      %add3A_1472 = arith.addi %mul3A_1392, %add3A_1471 : i32
      %swap3A_1473 = arith.index_cast %add3A_1472 : i32 to index
      %swap3A_1474 = tpu.vector_load %arg7[%swap3A_1473] {strides = array<i32>} : memref<6144xf32, #tpu.memory_space<vmem>>, vector<16xf32>,
      %swap3A_1475 = vector.shape_cast %swap3A_1474 : vector<16xf32> to vector<16xf32>
      %swap3A_1476 = vector.shape_cast %mul3A_1470 : vector<16xf32> to vector<16xf32>
      tpu.vector_store %arg7[%swap3A_1473], %swap3A_1476 {strides = array<i32>} : memref<6144xf32, #tpu.memory_space<vmem>>, vector<16xf32>,
      %add3A_1477 = arith.constant 112 : i32
      %add3A_1478 = arith.addi %mul3A_1392, %add3A_1477 : i32
      %get3A_1479 = arith.index_cast %add3A_1478 : i32 to index
      %get3A_1480 = tpu.vector_load %arg7[%get3A_1479] {strides = array<i32>} : memref<6144xf32, #tpu.memory_space<vmem>>, vector<16xf32>,
      %get3A_1481 = vector.shape_cast %get3A_1480 : vector<16xf32> to vector<16xf32>
      %mul3A_1482 = arith.mulf %get3A_1481, %div3A_1271 : vector<16xf32>
      %add3A_1483 = arith.constant 112 : i32
      %add3A_1484 = arith.addi %mul3A_1392, %add3A_1483 : i32
      %swap3A_1485 = arith.index_cast %add3A_1484 : i32 to index
      %swap3A_1486 = tpu.vector_load %arg7[%swap3A_1485] {strides = array<i32>} : memref<6144xf32, #tpu.memory_space<vmem>>, vector<16xf32>,
      %swap3A_1487 = vector.shape_cast %swap3A_1486 : vector<16xf32> to vector<16xf32>
      %swap3A_1488 = vector.shape_cast %mul3A_1482 : vector<16xf32> to vector<16xf32>
      tpu.vector_store %arg7[%swap3A_1485], %swap3A_1488 {strides = array<i32>} : memref<6144xf32, #tpu.memory_space<vmem>>, vector<16xf32>,
    }
    %scan3A_1277 = arith.constant 24 : i32
    %mul3A_1278 = arith.constant 6144 : i32
    %mul3A_1279 = arith.muli %add3A, %mul3A_1278 : i32
    %multiple_of3A_1280 = tpu.assume_multiple %mul3A_1279, 6144 : i32
    "tpu.region"() ({
      %run_scoped3A = tpu.sem_alloc : memref<!tpu.dma_semaphore, #tpu.memory_space<semaphore_mem>>
      %dma_start3A_1281 = tpu.memref_slice %arg4[%multiple_of3A_1280] : memref<196608xf32, #tpu.memory_space<hbm>> -> memref<6144xf32, #tpu.memory_space<hbm>>
      %dma_start3A_1282 = tpu.memref_slice %arg4[%multiple_of3A_1280] : memref<196608xf32, #tpu.memory_space<hbm>> -> memref<6144xf32, #tpu.memory_space<hbm>>
      tpu.enqueue_dma source(%arg7 : memref<6144xf32, #tpu.memory_space<vmem>>) target(%dma_start3A_1282 : memref<6144xf32, #tpu.memory_space<hbm>>) target_semaphore(%run_scoped3A : memref<!tpu.dma_semaphore, #tpu.memory_space<semaphore_mem>>)
      %dma_wait3A_1283 = tpu.memref_slice %arg4[%multiple_of3A_1280] : memref<196608xf32, #tpu.memory_space<hbm>> -> memref<6144xf32, #tpu.memory_space<hbm>>
      %dma_wait3A_1284 = tpu.memref_slice %arg4[%multiple_of3A_1280] : memref<196608xf32, #tpu.memory_space<hbm>> -> memref<6144xf32, #tpu.memory_space<hbm>>
      tpu.wait_dma2 semaphore(%run_scoped3A : memref<!tpu.dma_semaphore, #tpu.memory_space<semaphore_mem>>) src(%arg7 : memref<6144xf32, #tpu.memory_space<vmem>>) dst(%dma_wait3A_1284 : memref<6144xf32, #tpu.memory_space<hbm>>)
      tpu.yield
    }) : () -> ()
    return
  }
}

</mosaic_0001>

<sc_bundles>
// kernel: kernel.3.cloned.1.call-start
scs
__scs_entry_jumppad:
0x0: {  	(pc) =	sbr.rel $0x88, $3  }
0x1: {  	(tag) =	ssettag $0x0;
	lr =	simm.s32 $0x1  }
0x2: {  	[smem:$0x3F9F] =	sst lr;
	_ =	strace $0xD0000000  }
0x3: {  	_ = 	snop  }
0x4: {  	_ = 	snop  }
0x5: {  	_ = 	snop  }
0x6: {  	_ = 	snop  }
0x7: {  	_ = 	snop  }
__scs_overlays_trampoline_lowered:
0x8: {  	[smem:$0x3FAE] =	sst s0  }
0x9: {  	[smem:$0x3FAF] =	sst s1  }
0xa: {  	[smem:$0x3FB0] =	sst s2  }
0xb: {  	[smem:$0x3FB1] =	sst s3  }
0xc: {  	[smem:$0x3FB2] =	sst s4  }
0xd: {  	[smem:$0x3FB3] =	sst s5  }
0xe: {  	[smem:$0x3FB4] =	sst s6  }
0xf: {  	[smem:$0x3FB5] =	sst s7  }
0x10: {  	[smem:$0x3FB6] =	sst s8  }
0x11: {  	[smem:$0x3FB7] =	sst s9;
	s0 =	simm.s32 @!p0 $0x0  }
0x12: {  	s1 =	sld [smem:$0x3F9D];
	s0 =	simm.s32 @p0 $0x1  }
0x13: {  	[smem:$0x3FB8] =	sst s0;
	s0 =	simm.s32 @!p1 $0x0  }
0x14: {  	s2 =	sld [smem:$0x3F9C];
	s0 =	simm.s32 @p1 $0x1  }
0x15: {  	[smem:$0x3FB9] =	sst s0;
	s0 =	simm.s32 @!p2 $0x0  }
0x16: {  	s3 =	sld [smem:$0x3FDB];
	s0 =	simm.s32 @p2 $0x1  }
0x17: {  	s4 =	simm.s32 $0x1BF5;
	[smem:$0x3FBB] =	sst s0  }
0x18: {  	s0 =	sld [smem:$0x3F9E];
	_ =	swait.ge [sflag:s4], $0x0  }
0x19: {  	s7 =	sld [smem:$0x3F9F]  }
0x1a: {  	s8 =	sadd.s32 $0xFFFFE003, lr  }
0x1b: {  	s9 =	sadd.s32 $0xFFFFFEF7, lr;
	s5 =	simm.s32 $0xFFFFFFFF;
	p2 =	slt.u32 s8, $0xFFFFF086  }
0x1c: {  	p1 =	slt.u32 s9, $0xF7A;
	s5 =	simm.s32 @!p2 $0x0  }
0x1d: {  	s5 =	simm.s32 @p1 $0x1;
	p0 =	seq.s32 s7, s2  }
0x1e: {  	s7 =	smul.u32 @!p0 $0xF7A, s2;
	p2 =	seq.s32 @!p0 s5, $0x0  }
0x1f: {  	s9 =	smul.u32 $0xF7A, s1;
	s8 =	simm.s32 @!p0 $0x1BF5;
	p2 =	por !p2, p0  }
0x20: {  	[sflag:s8] =	ssyncset.s32 @!p0 $0xFFFFF086;
	s6 =	sadd.s32 @!p0 s3, s7;
	s7 =	simm.s32 @!p0 $0x108  }
0x21: {  	s3 =	sadd.s32 s3, s9;
	s6 =	sadd.s32 @!p0 $0x88, s6;
	s7 =	simm.s32 @p2 $0x1082  }
0x22: {  	[simem:s7], [sflag:s8] =	dma.local @!p0 [hbm:s6], $0xF7A  }
0x23: {  	s9 =	sor.u32 $0xD0000000, s2;
	s6 =	simm.s32 $0x108;
	_ =	swait.ge @!p0 [sflag:s8], $0x0  }
0x24: {  	s3 =	sadd.s32 $0x88, s3;
	s6 =	simm.s32 @!p1 $0x1082;
	[sflag:s4] =	ssyncset.s32 $0xFFFFF086  }
0x25: {  	[simem:s6], [sflag:s4] =	dma.local [hbm:s3], $0xF7A  }
0x26: {  	[smem:$0x3F9F] =	sst s1;
	(tag) =	ssettag s2;
	_ =	strace s9  }
0x27: {  	s1 =	sld [smem:$0x3FAF]  }
0x28: {  	s2 =	sld [smem:$0x3FB0]  }
0x29: {  	s4 =	sld [smem:$0x3FB2]  }
0x2a: {  	p0 =	seq.s32 s5, $0x0;
	s5 =	sld [smem:$0x3FB3]  }
0x2b: {  	s6 =	sld [smem:$0x3FB4]  }
0x2c: {  	s7 =	sld [smem:$0x3FB5]  }
0x2d: {  	s3 =	simm.s32 $0x108;
	s8 =	sld [smem:$0x3FB6]  }
0x2e: {  	s3 =	simm.s32 @!p0 $0x1082;
	s9 =	sld [smem:$0x3FB7]  }
0x2f: {  	lr =	sadd.s32 s0, s3;
	s0 =	sld [smem:$0x3FAE]  }
0x30: {  	s3 =	sld [smem:$0x3FB1]  }
0x31: {  	[smem:$0x3FBA] =	sst s10  }
0x32: {  	s10 =	sld [smem:$0x3FB8];
	_ =	sdelay $0x3  }
0x33: {  	p0 =	seq.s32 s10, $0x1;
	s10 =	sld [smem:$0x3FBA];
	_ =	sdelay $0x3  }
0x34: {  	[smem:$0x3FBA] =	sst s10  }
0x35: {  	s10 =	sld [smem:$0x3FB9];
	_ =	sdelay $0x3  }
0x36: {  	p1 =	seq.s32 s10, $0x1;
	s10 =	sld [smem:$0x3FBA];
	_ =	sdelay $0x3  }
0x37: {  	[smem:$0x3FBA] =	sst s10  }
0x38: {  	s10 =	sld [smem:$0x3FBB]  }
0x39: {  	_ = 	snop;
	(pc) =	sbr.ind lr, $3  }
0x3a: {  	_ = 	snop  }
0x3b: {  	_ = 	snop  }
0x3c: {  	p2 =	seq.s32 s10, $0x1;
	s10 =	sld [smem:$0x3FBA]  }
0x3d: {  	_ =	shalt  }
0x3e: {  	_ =	shalt  }
0x3f: {  	_ =	shalt  }
0x40: {  	_ =	shalt  }
0x41: {  	_ =	shalt  }
0x42: {  	_ =	shalt  }
0x43: {  	_ =	shalt  }
0x44: {  	_ =	shalt  }
0x45: {  	_ =	shalt  }
0x46: {  	_ =	shalt  }
0x47: {  	_ =	shalt  }
0x48: {  	_ =	shalt  }
0x49: {  	_ =	shalt  }
0x4a: {  	_ =	shalt  }
0x4b: {  	_ =	shalt  }
0x4c: {  	_ =	shalt  }
0x4d: {  	_ =	shalt  }
0x4e: {  	_ =	shalt  }
0x4f: {  	_ =	shalt  }
0x50: {  	_ =	shalt  }
0x51: {  	_ =	shalt  }
0x52: {  	_ =	shalt  }
0x53: {  	_ =	shalt  }
0x54: {  	_ =	shalt  }
0x55: {  	_ =	shalt  }
0x56: {  	_ =	shalt  }
0x57: {  	_ =	shalt  }
0x58: {  	_ =	shalt  }
0x59: {  	_ =	shalt  }
0x5a: {  	_ =	shalt  }
0x5b: {  	_ =	shalt  }
0x5c: {  	_ =	shalt  }
0x5d: {  	_ =	shalt  }
0x5e: {  	_ =	shalt  }
0x5f: {  	_ =	shalt  }
0x60: {  	_ =	shalt  }
0x61: {  	_ =	shalt  }
0x62: {  	_ =	shalt  }
0x63: {  	_ =	shalt  }
0x64: {  	_ =	shalt  }
0x65: {  	_ =	shalt  }
0x66: {  	_ =	shalt  }
0x67: {  	_ =	shalt  }
0x68: {  	_ =	shalt  }
0x69: {  	_ =	shalt  }
0x6a: {  	_ =	shalt  }
0x6b: {  	_ =	shalt  }
0x6c: {  	_ =	shalt  }
0x6d: {  	_ =	shalt  }
0x6e: {  	_ =	shalt  }
0x6f: {  	_ =	shalt  }
0x70: {  	_ =	shalt  }
0x71: {  	_ =	shalt  }
0x72: {  	_ =	shalt  }
0x73: {  	_ =	shalt  }
0x74: {  	_ =	shalt  }
0x75: {  	_ =	shalt  }
0x76: {  	_ =	shalt  }
0x77: {  	_ =	shalt  }
0x78: {  	_ =	shalt  }
0x79: {  	_ =	shalt  }
0x7a: {  	_ =	shalt  }
0x7b: {  	_ =	shalt  }
0x7c: {  	_ =	shalt  }
0x7d: {  	_ =	shalt  }
0x7e: {  	_ =	shalt  }
0x7f: {  	_ =	shalt  }
0x80: {  	_ =	shalt  }
0x81: {  	_ =	shalt  }
0x82: {  	_ =	shalt  }
0x83: {  	_ =	shalt  }
0x84: {  	_ =	shalt  }
0x85: {  	_ =	shalt  }
0x86: {  	_ =	shalt  }
0x87: {  	_ =	shalt  }
.Lfunc_end0:
.L_simem_size_0:
called_computation_lowered:
.L_overlay_start_0:
0x88: {  	s2 =	sld [smem:$0x3FD9]  }
0x89: {  	s3 =	sld [smem:$0x3FFE];
	_ =	sdelay $0x1  }
0x8a: {  	s1 =	srdreg.scid  }
0x8b: {  	s0 =	sand.u32 $0x1, s1  }
0x8c: {  	s15 =	sshll.u32 s0, $0xA;
	s2 =	sadd.s32 s3, s2  }
0x8d: {  	s2 =	sadd.s32 s2, s15  }
0x8e: {  	[smem:$0x3FC6] =	sst s2  }
0x8f: {  	_ = 	snop  }
0x90: {  	s2 =	sld [smem:$0x3FD0];
	_ =	sdelay $0x1  }
0x91: {  	s16 =	sld [smem:$0x3FC9]  }
0x92: {  	s5 =	simm.s32 $0xA;
	s6 =	simm.s32 $0x10;
	s4 =	sld [smem:$0x3FC8]  }
0x93: {  	[smem:s6], [sflag:s5] =	dma.local [hbm:s2], $0x1  }
0x94: {  	_ =	swait.eq [sflag:s5], $0x1  }
0x95: {  	[sflag:s5] =	ssyncset.done $0x0  }
0x96: {  	[sflag:s5] =	ssyncadd.s32 $0xFFFFFFFF  }
0x97: {  	s17 =	sld [smem:$0x10];
	(tm) =	ssettm $0x1  }
0x98: {  	s18 =	sld [smem:$0x3FFB];
	_ =	sdelay $0x3  }
0x99: {  	_ =	strace s18  }
0x9a: {  	s5 =	sld [smem:$0x3FFC];
	_ =	sdelay $0x3  }
0x9b: {  	_ =	strace s5  }
0x9c: {  	s5 =	sld [smem:$0x3FFD];
	_ =	sdelay $0x3  }
0x9d: {  	_ =	strace s5  }
0x9e: {  	_ =	strace $0x8FFFFFFF  }
0x9f: {  	s19 =	sld [smem:$0x3FDB];
	_ =	sdelay $0x1  }
0xa0: {  	s20 =	simm.s32 $_scs_section_size  }
0xa1: {  	s7 =	simm.s32 $_size__tile_overlayer_lowered;
	s8 =	simm.s32 $_tile_overlayer_lowered  }
0xa2: {  	s23 =	simm.s32 $0x1BFF;
	s22 =	sshll.u32 s8, $0x1;
	s5 =	sadd.s32 s20, s19  }
0xa3: {  	s9 =	simm.s32 $0x0;
	s21 =	sshll.u32 s7, $0x1;
	s7 =	sadd.s32 s22, s5  }
0xa4: {  	[timem:s9], [sflag:s23] =	dma.local [hbm:s7], s21  }
0xa5: {  	_ =	swait.ge [sflag:s23], s21  }
0xa6: {  	s6 =	ssub.s32 $0x0, s21;
	[sflag:s23] =	ssyncset.done $0x0  }
0xa7: {  	[sflag:s23] =	ssyncadd.s32 s6;
	_ =	sdelay $0x1  }
0xa8: {  	s24 =	simm.s32 $0x1B8B  }
0xa9: {  	_ =	swait.ge [sflag:s24], $0x1  }
0xaa: {  	[sflag:s24] =	ssyncset.done $0x0  }
0xab: {  	s25 =	simm.s32 $0x1B8E;
	[sflag:s24] =	ssyncadd.s32 $0xFFFFFFFF  }
0xac: {  	s26 =	simm.s32 $execute0_lowered;
	[smem:$0x3FD2] =	sst s25  }
0xad: {  	s6 =	sshll.u32 s26, $0x1;
	_ =	strace $0x80000046;
	[dreg:$0x1] =	wrdreg $0xFFFFFFFF  }
0xae: {  	s28 =	simm.s32 $_size_execute0_lowered;
	s5 =	sadd.s32 s5, s6;
	[dreg:$0x0] =	wrdreg $0x0  }
0xaf: {  	s6 =	sshll.u32 s28, $0x1;
	[dreg:$0x2] =	wrdreg s5  }
0xb0: {  	[dreg:$0x3] =	wrdreg s6  }
0xb1: {  	[dreg:$0x4] =	wrdreg $0xC0  }
0xb2: {  	_ =	task [dreg:s9], $0x5FFFF  }
0xb3: {  	[dreg:$0x1] =	wrdreg $0xFFFFFFFF  }
0xb4: {  	[dreg:$0x0] =	wrdreg $0x60  }
0xb5: {  	[dreg:$0x2] =	wrdreg s16  }
0xb6: {  	[dreg:$0x3] =	wrdreg s4  }
0xb7: {  	[dreg:$0x4] =	wrdreg s17  }
0xb8: {  	[dreg:$0x5] =	wrdreg $0x3A000  }
0xb9: {  	[dreg:$0x6] =	wrdreg $0x9  }
0xba: {  	_ =	task.clear_ibuf [dreg:s9], $0x7FFFF;
	_ =	strace $0x90000046  }
0xbb: {  	s29 =	simm.s32 $0x9;
	_ =	strace $0x80000048  }
0xbc: {  	_ =	swait.ge [sflag:s29], $0x1  }
0xbd: {  	[sflag:s29] =	ssyncadd.s32 $0xFFFFFFFF  }
0xbe: {  	_ =	strace $0x90000048  }
0xbf: {  	_ =	sfence  }
0xc0: {  	s30 =	sld [smem:$0x0];
	_ =	sdelay $0x2  }
0xc1: {  	s31 =	sshll.u32 s1, $0xD;
	s1 =	sshrl.u32 s1, $0x2  }
0xc2: {  	s3 =	sand.u32 $0x4000, s31;
	s1 =	sadd.s32 s1, s30  }
0xc3: {  	s0 =	sor.u32 s3, s0;
	s1 =	sshll.u32 s1, $0x11  }
0xc4: {  	s0 =	sor.u32 s1, s0  }
0xc5: {  	s0 =	sadd.s32 $0x8F2B, s0  }
0xc6: {  	[sflag:s0] =	ssyncadd.remote.s32 $0x1  }
0xc7: {  	_ =	sfence.sel $0xFFFF  }
0xc8: {  	[dreg:$0x0] =	wrdreg $0xFFFFFFFF;
	(pc) =	sbr.abs _section_cstart, $3  }
0xc9: {  	[dreg:$0x1] =	wrdreg $0xFFFFFFFF  }
0xca: {  	_ =	task.clear_ibuf [dreg:s9], $0x2FFFF;
	_ =	strace $0x9FFFFFFF  }
0xcb: {  	(tm) =	ssettm $0x7FFFFFFF  }
tec
execute0_lowered:
.L_overlay_start_1:
0x0: {  	(tag) =	ssettag $0x1  }
0x1: {  	s1 =	rddreg [dreg:$0x0]  }
0x2: {  	s0 =	rddreg [dreg:$0x1]  }
0x3: {  	s2 =	rddreg [dreg:$0x2]  }
0x4: {  	s10 =	rddreg [dreg:$0x3]  }
0x5: {  	s3 =	srdreg.scid;
	s11 =	stileid.u32;
	s14 =	simm.s32 $0x1  }
0x6: {  	s15 =	simm.s32 $0x2;
	s16 =	simm.s32 $0x800;
	s17 =	simm.s32 $0x1900  }
0x7: {  	s18 =	simm.s32 $0x900;
	s19 =	simm.s32 $0x2100;
	s20 =	simm.s32 $0x1100  }
0x8: {  	s21 =	simm.s32 $0x2900;
	s22 =	simm.s32 $0x3;
	s23 =	simm.s32 $0x3100  }
0x9: {  	s24 =	simm.s32 $0x4;
	s25 =	simm.s32 $0x3200;
	s26 =	simm.s32 $0x0  }
0xa: {  	s4 =	sand.u32 $0x1, s3;
	s3 =	simm.s32 $0x0;
	s9 =	sand.u32 $0x7, s11  }
0xb: {  	s30 =	sshll.u32 s11, $0x8;
	s5 =	sshll.u32 s4, $0x4;
	[smem:$0x7FF] =	sst s3  }
0xc: {  	s29 =	ssub.s32 $0x2, s4;
	s7 =	sor.u32 s11, s5;
	s5 =	smul.u32 $0x18, s9  }
0xd: {  	s13 =	sand.u32 $0x800, s30;
	s8 =	sshrl.u32 s29, $0x1;
	s31 =	smul.u32 $0x300, s7  }
0xe: {  	s6 =	sshrl.u32 s7, $0x3;
	s12 =	ssub.s32 s29, s8;
	s8 =	smul.u32 $0x3, s9  }
0xf: {  	_ =	strace $0x80000047;
	s4 =	smul.u32 $0x1B00000, s6;
	s6 =	sshll.u32 s6, $0x4  }
0x10: {  	s9 =	sadd.s32 s30, s10;
	s10 =	sadd.s32 s13, s10;
	s6 =	sadd.s32 s0, s6  }
0x11: {  	s12 =	smax.u32 s12, $0x1;
	s11 =	sadd.s32 s2, s31;
	s7 =	sadd.s32 $0x40, s6  }
.LBB2_1:
0x12: {  	[tilespmem:s3], [sflag:$0x1] =	stream.linear.gather [hbm4b:s6+s3], $0x80, $0x38;
	[tilespmem:$0x3B00] =	vst v63  }
0x13: {  	s0 =	simm.s32 $0x80  }
0x14: {  	[tilespmem:s0], [sflag:$0x2] =	stream.linear.gather [hbm4b:s7+s3], $0x80, $0x38;
	[tilespmem:$0x3B00] =	vst v63  }
0x15: {  	_ =	swait.ge [sflag:s14], $0x80  }
0x16: {  	[sflag:s14] =	ssyncset.done $0x0  }
0x17: {  	[sflag:s14] =	ssyncadd.s32 $0xFFFFFF80  }
0x18: {  	_ =	swait.ge [sflag:s15], $0x80  }
0x19: {  	[sflag:s15] =	ssyncset.done $0x0  }
0x1a: {  	s2 =	simm.s32 $0x40;
	s0 =	simm.s32 $0x0;
	[sflag:s15] =	ssyncadd.s32 $0xFFFFFF80  }
.LBB2_2:
0x1b: {  	p0 =	sne.s32 s2, $0x3C0;
	v0 =	vld [tilespmem:s0+$0x0];
	_ =	sdelay $0x4  }
0x1c: {  	v1 =	vshrl.u32 v0, $0x7  }
0x1d: {  	v2 =	vmul.u32 $0xAAAB, v1;
	_ =	sdelay $0x1  }
0x1e: {  	v3 =	vshrl.u32 v2, $0x11  }
0x1f: {  	v3 =	vmul.u32 $0x3FFFFD, v3  }
0x20: {  	v4 =	vshrl.u32 v2, $0x14  }
0x21: {  	v1 =	vadd.s32 v1, v3;
	v3 =	vmul.u32 $0xC00, v4  }
.Ltmp0:
0x22: {  	v2 =	vshrl.u32 v2, $0xA;
	v1 =	vshll.u32 v1, $0xA;
	(pc) =	sbr.rel @p0 .LBB2_2-.Ltmp0, $4  }
0x23: {  	v2 =	vand.u32 $0x380, v2;
	v1 =	vadd.s32 v3, v1  }
0x24: {  	v0 =	vand.u32 $0x7F, v0;
	v1 =	vor.u32 v2, v1  }
0x25: {  	v0 =	vor.u32 v0, v1  }
0x26: {  	[tilespmem:s0+$0x0] =	vst v0;
	s0 =	sshra.s32 s2, $0x2;
	s2 =	sadd.s32 $0x40, s2  }
0x27: {  	v0 =	vld [tilespmem:s0+$0x0];
	_ =	sdelay $0x4  }
0x28: {  	v1 =	vshrl.u32 v0, $0x7  }
0x29: {  	v2 =	vmul.u32 $0xAAAB, v1;
	_ =	sdelay $0x1  }
0x2a: {  	v3 =	vshrl.u32 v2, $0x11  }
0x2b: {  	v3 =	vmul.u32 $0x3FFFFD, v3  }
0x2c: {  	v4 =	vshrl.u32 v2, $0x14  }
0x2d: {  	v63 =	vmul.u32 $0xC00, v4;
	v1 =	vadd.s32 v1, v3  }
0x2e: {  	v2 =	vshrl.u32 v2, $0xA;
	v1 =	vshll.u32 v1, $0xA  }
0x2f: {  	v2 =	vand.u32 $0x380, v2;
	v1 =	vadd.s32 v63, v1  }
0x30: {  	v0 =	vand.u32 $0x7F, v0;
	v1 =	vor.u32 v2, v1  }
0x31: {  	s2 =	simm.s32 $0x0;
	v0 =	vor.u32 v0, v1  }
0x32: {  	s13 =	sand.u32 $0x80, s2;
	[tilespmem:s0+$0x0] =	vst v0  }
0x33: {  	s2 =	sand.u32 $0x7, s2;
	v0 =	vld [tilespmem:s13+$0x0]  }
0x34: {  	s2 =	sor.u32 s5, s2  }
0x35: {  	s2 =	smul.u32 $0x24000, s2;
	_ =	sdelay $0x1  }
0x36: {  	s2 =	sadd.s32 s4, s2  }
0x37: {  	s28 =	simm.s32 $0x140;
	v0 =	vadd.s32 s2, v0  }
0x38: {  	[tilespmem:s28+$0xFFFFFFC0] =	vst v0  }
0x39: {  	v0 =	vld [tilespmem:s13+$0x10];
	_ =	sdelay $0x4  }
0x3a: {  	v0 =	vadd.s32 s2, v0  }
0x3b: {  	[tilespmem:s28+$0xFFFFFFD0] =	vst v0  }
0x3c: {  	v0 =	vld [tilespmem:s13+$0x20];
	_ =	sdelay $0x4  }
0x3d: {  	v0 =	vadd.s32 s2, v0  }
0x3e: {  	[tilespmem:s28+$0xFFFFFFE0] =	vst v0  }
0x3f: {  	v0 =	vld [tilespmem:s13+$0x30];
	_ =	sdelay $0x4  }
0x40: {  	v0 =	vadd.s32 s2, v0  }
0x41: {  	[tilespmem:s28+$0xFFFFFFF0] =	vst v0  }
0x42: {  	v0 =	vld [tilespmem:s13+$0x40];
	_ =	sdelay $0x4  }
0x43: {  	v0 =	vadd.s32 s2, v0  }
0x44: {  	[tilespmem:s28+$0x0] =	vst v0  }
0x45: {  	v0 =	vld [tilespmem:s13+$0x50];
	_ =	sdelay $0x4  }
0x46: {  	v0 =	vadd.s32 s2, v0  }
0x47: {  	[tilespmem:s28+$0x10] =	vst v0  }
0x48: {  	v0 =	vld [tilespmem:s13+$0x60];
	_ =	sdelay $0x4  }
0x49: {  	v0 =	vadd.s32 s2, v0  }
0x4a: {  	[tilespmem:s28+$0x20] =	vst v0  }
0x4b: {  	v0 =	vld [tilespmem:s13+$0x70];
	_ =	sdelay $0x4  }
0x4c: {  	s30 =	simm.s32 $0x10;
	v0 =	vadd.s32 s2, v0  }
0x4d: {  	s31 =	simm.s32 $0x1;
	s29 =	sand.u32 $0x80, s30;
	s0 =	simm.s32 $0x2;
	[tilespmem:s28+$0x30] =	vst v0  }
.LBB2_4:
0x4e: {  	p0 =	sne.s32 s0, $0xF;
	s2 =	sand.u32 $0x7, s31;
	v0 =	vld [tilespmem:s29+$0x0];
	s31 =	smov.u32 s0  }
0x4f: {  	s2 =	sor.u32 s5, s2  }
0x50: {  	s2 =	smul.u32 $0x24000, s2;
	_ =	sdelay $0x1  }
0x51: {  	s2 =	sadd.s32 s4, s2  }
0x52: {  	s28 =	sadd.s32 $0x80, s28;
	v0 =	vadd.s32 s2, v0  }
0x53: {  	[tilespmem:s28+$0xFFFFFFC0] =	vst v0  }
0x54: {  	v0 =	vld [tilespmem:s29+$0x10];
	_ =	sdelay $0x4  }
0x55: {  	v0 =	vadd.s32 s2, v0  }
0x56: {  	[tilespmem:s28+$0xFFFFFFD0] =	vst v0  }
0x57: {  	v0 =	vld [tilespmem:s29+$0x20];
	_ =	sdelay $0x4  }
0x58: {  	v0 =	vadd.s32 s2, v0  }
0x59: {  	[tilespmem:s28+$0xFFFFFFE0] =	vst v0  }
0x5a: {  	v0 =	vld [tilespmem:s29+$0x30];
	_ =	sdelay $0x4  }
0x5b: {  	v0 =	vadd.s32 s2, v0  }
0x5c: {  	[tilespmem:s28+$0xFFFFFFF0] =	vst v0  }
0x5d: {  	v0 =	vld [tilespmem:s29+$0x40];
	_ =	sdelay $0x4  }
0x5e: {  	v0 =	vadd.s32 s2, v0  }
0x5f: {  	[tilespmem:s28+$0x0] =	vst v0  }
0x60: {  	v0 =	vld [tilespmem:s29+$0x50];
	_ =	sdelay $0x4  }
0x61: {  	v0 =	vadd.s32 s2, v0  }
0x62: {  	[tilespmem:s28+$0x10] =	vst v0  }
0x63: {  	v0 =	vld [tilespmem:s29+$0x60];
	_ =	sdelay $0x4  }
0x64: {  	v0 =	vadd.s32 s2, v0  }
0x65: {  	[tilespmem:s28+$0x20] =	vst v0  }
0x66: {  	v0 =	vld [tilespmem:s29+$0x70];
	_ =	sdelay $0x1  }
.Ltmp1:
0x67: {  	(pc) =	sbr.rel @p0 .LBB2_4-.Ltmp1, $3  }
0x68: {  	_ =	sdelay $0x1  }
0x69: {  	s30 =	sadd.s32 $0x10, s30;
	v0 =	vadd.s32 s2, v0  }
0x6a: {  	s0 =	sadd.s32 $0x1, s0;
	s29 =	sand.u32 $0x80, s30;
	[tilespmem:s28+$0x30] =	vst v0  }
0x6b: {  	s0 =	sand.u32 $0x7, s31;
	v0 =	vld [tilespmem:s29+$0x0]  }
0x6c: {  	s0 =	sor.u32 s5, s0  }
0x6d: {  	s0 =	smul.u32 $0x24000, s0;
	_ =	sdelay $0x1  }
0x6e: {  	s0 =	sadd.s32 s4, s0  }
0x6f: {  	s2 =	sadd.s32 $0x80, s28;
	v0 =	vadd.s32 s0, v0  }
0x70: {  	[tilespmem:s2+$0xFFFFFFC0] =	vst v0  }
0x71: {  	v0 =	vld [tilespmem:s29+$0x10];
	_ =	sdelay $0x4  }
0x72: {  	v0 =	vadd.s32 s0, v0  }
0x73: {  	[tilespmem:s2+$0xFFFFFFD0] =	vst v0  }
0x74: {  	v0 =	vld [tilespmem:s29+$0x20];
	_ =	sdelay $0x4  }
0x75: {  	v0 =	vadd.s32 s0, v0  }
0x76: {  	[tilespmem:s2+$0xFFFFFFE0] =	vst v0  }
0x77: {  	v0 =	vld [tilespmem:s29+$0x30];
	_ =	sdelay $0x4  }
0x78: {  	v0 =	vadd.s32 s0, v0  }
0x79: {  	[tilespmem:s2+$0xFFFFFFF0] =	vst v0  }
0x7a: {  	v0 =	vld [tilespmem:s29+$0x40];
	_ =	sdelay $0x4  }
0x7b: {  	v0 =	vadd.s32 s0, v0  }
0x7c: {  	[tilespmem:s2+$0x0] =	vst v0  }
0x7d: {  	v0 =	vld [tilespmem:s29+$0x50];
	_ =	sdelay $0x4  }
0x7e: {  	v0 =	vadd.s32 s0, v0  }
0x7f: {  	[tilespmem:s2+$0x10] =	vst v0  }
0x80: {  	v0 =	vld [tilespmem:s29+$0x60];
	_ =	sdelay $0x4  }
0x81: {  	v0 =	vadd.s32 s0, v0  }
0x82: {  	[tilespmem:s2+$0x20] =	vst v0  }
0x83: {  	v0 =	vld [tilespmem:s29+$0x70];
	_ =	sdelay $0x4  }
0x84: {  	v0 =	vadd.s32 s0, v0  }
0x85: {  	[tilespmem:s2+$0x30] =	vst v0;
	s2 =	simm.s32 $0x100  }
0x86: {  	[tilespmem:s17], [sflag:$0x1] =	stream.indirect.gather [hbm4b:s1+s16], $0x1, s2, s16, $0xb8;
	[tilespmem:$0x3B00] =	vst v63  }
0x87: {  	s13 =	simm.s32 $0x10;
	s28 =	sadd.s32 $0x1, s8;
	s0 =	sand.u32 $0x80, s2  }
0x88: {  	s28 =	sshll.u32 s28, $0x3;
	s2 =	sand.u32 $0x7, s13;
	v0 =	vld [tilespmem:s0+$0x0]  }
0x89: {  	s2 =	sor.u32 s2, s28  }
0x8a: {  	s2 =	smul.u32 $0x24000, s2;
	_ =	sdelay $0x1  }
0x8b: {  	s2 =	sadd.s32 s4, s2  }
0x8c: {  	s28 =	simm.s32 $0x970;
	v0 =	vadd.s32 s2, v0  }
0x8d: {  	[tilespmem:s28+$0xFFFFFF90] =	vst v0  }
0x8e: {  	v0 =	vld [tilespmem:s0+$0x10];
	_ =	sdelay $0x4  }
0x8f: {  	v0 =	vadd.s32 s2, v0  }
0x90: {  	[tilespmem:s28+$0xFFFFFFA0] =	vst v0  }
0x91: {  	v0 =	vld [tilespmem:s0+$0x20];
	_ =	sdelay $0x4  }
0x92: {  	v0 =	vadd.s32 s2, v0  }
0x93: {  	[tilespmem:s28+$0xFFFFFFB0] =	vst v0  }
0x94: {  	v0 =	vld [tilespmem:s0+$0x30];
	_ =	sdelay $0x4  }
0x95: {  	v0 =	vadd.s32 s2, v0  }
0x96: {  	[tilespmem:s28+$0xFFFFFFC0] =	vst v0  }
0x97: {  	v0 =	vld [tilespmem:s0+$0x40];
	_ =	sdelay $0x4  }
0x98: {  	v0 =	vadd.s32 s2, v0  }
0x99: {  	[tilespmem:s28+$0xFFFFFFD0] =	vst v0  }
0x9a: {  	v0 =	vld [tilespmem:s0+$0x50];
	_ =	sdelay $0x4  }
0x9b: {  	v0 =	vadd.s32 s2, v0  }
0x9c: {  	[tilespmem:s28+$0xFFFFFFE0] =	vst v0  }
0x9d: {  	v0 =	vld [tilespmem:s0+$0x60];
	_ =	sdelay $0x4  }
0x9e: {  	v0 =	vadd.s32 s2, v0  }
0x9f: {  	[tilespmem:s28+$0xFFFFFFF0] =	vst v0  }
0xa0: {  	v0 =	vld [tilespmem:s0+$0x70];
	_ =	sdelay $0x3  }
0xa1: {  	s31 =	simm.s32 $0x12  }
0xa2: {  	s30 =	simm.s32 $0x110;
	s29 =	simm.s32 $0x11;
	s0 =	simm.s32 $0x1;
	v0 =	vadd.s32 s2, v0  }
.LBB2_6:
0xa3: {  	p0 =	sne.s32 s31, $0x1F;
	s2 =	sadd.s32 s8, s0;
	s0 =	sand.u32 $0x80, s30;
	[tilespmem:s28+$0x0] =	vst v0  }
0xa4: {  	s13 =	sand.u32 $0x7, s29;
	s29 =	smov.u32 s31;
	s2 =	sshll.u32 s2, $0x3;
	v0 =	vld [tilespmem:s0+$0x0]  }
0xa5: {  	s2 =	sor.u32 s13, s2  }
0xa6: {  	s2 =	smul.u32 $0x24000, s2;
	_ =	sdelay $0x1  }
0xa7: {  	s2 =	sadd.s32 s4, s2  }
0xa8: {  	s28 =	sadd.s32 $0x80, s28;
	v0 =	vadd.s32 s2, v0  }
0xa9: {  	[tilespmem:s28+$0xFFFFFF90] =	vst v0  }
0xaa: {  	v0 =	vld [tilespmem:s0+$0x10];
	_ =	sdelay $0x4  }
0xab: {  	v0 =	vadd.s32 s2, v0  }
0xac: {  	[tilespmem:s28+$0xFFFFFFA0] =	vst v0  }
0xad: {  	v0 =	vld [tilespmem:s0+$0x20];
	_ =	sdelay $0x4  }
0xae: {  	v0 =	vadd.s32 s2, v0  }
0xaf: {  	[tilespmem:s28+$0xFFFFFFB0] =	vst v0  }
0xb0: {  	v0 =	vld [tilespmem:s0+$0x30];
	_ =	sdelay $0x4  }
0xb1: {  	v0 =	vadd.s32 s2, v0  }
0xb2: {  	[tilespmem:s28+$0xFFFFFFC0] =	vst v0  }
0xb3: {  	v0 =	vld [tilespmem:s0+$0x40];
	_ =	sdelay $0x4  }
0xb4: {  	v0 =	vadd.s32 s2, v0  }
0xb5: {  	[tilespmem:s28+$0xFFFFFFD0] =	vst v0  }
0xb6: {  	v0 =	vld [tilespmem:s0+$0x50];
	_ =	sdelay $0x4  }
0xb7: {  	v0 =	vadd.s32 s2, v0  }
0xb8: {  	[tilespmem:s28+$0xFFFFFFE0] =	vst v0  }
0xb9: {  	v0 =	vld [tilespmem:s0+$0x60];
	_ =	sdelay $0x4  }
0xba: {  	v0 =	vadd.s32 s2, v0  }
0xbb: {  	[tilespmem:s28+$0xFFFFFFF0] =	vst v0  }
0xbc: {  	v0 =	vld [tilespmem:s0+$0x70]  }
.Ltmp2:
0xbd: {  	(pc) =	sbr.rel @p0 .LBB2_6-.Ltmp2, $2  }
0xbe: {  	_ =	sdelay $0x2  }
0xbf: {  	s31 =	sadd.s32 $0x1, s31;
	s30 =	sadd.s32 $0x10, s30;
	s0 =	sshrl.u32 s29, $0x4;
	v0 =	vadd.s32 s2, v0  }
0xc0: {  	s0 =	sadd.s32 s8, s0;
	s2 =	sand.u32 $0x80, s30;
	[tilespmem:s28+$0x0] =	vst v0  }
0xc1: {  	s13 =	sand.u32 $0x7, s29;
	s0 =	sshll.u32 s0, $0x3;
	v0 =	vld [tilespmem:s2+$0x0]  }
0xc2: {  	s0 =	sor.u32 s13, s0  }
0xc3: {  	s0 =	smul.u32 $0x24000, s0;
	_ =	sdelay $0x1  }
0xc4: {  	s0 =	sadd.s32 s4, s0  }
0xc5: {  	s13 =	sadd.s32 $0x80, s28;
	v0 =	vadd.s32 s0, v0  }
0xc6: {  	[tilespmem:s13+$0xFFFFFF90] =	vst v0  }
0xc7: {  	v0 =	vld [tilespmem:s2+$0x10];
	_ =	sdelay $0x4  }
0xc8: {  	v0 =	vadd.s32 s0, v0  }
0xc9: {  	[tilespmem:s13+$0xFFFFFFA0] =	vst v0  }
0xca: {  	v0 =	vld [tilespmem:s2+$0x20];
	_ =	sdelay $0x4  }
0xcb: {  	v0 =	vadd.s32 s0, v0  }
0xcc: {  	[tilespmem:s13+$0xFFFFFFB0] =	vst v0  }
0xcd: {  	v0 =	vld [tilespmem:s2+$0x30];
	_ =	sdelay $0x4  }
0xce: {  	v0 =	vadd.s32 s0, v0  }
0xcf: {  	[tilespmem:s13+$0xFFFFFFC0] =	vst v0  }
0xd0: {  	v0 =	vld [tilespmem:s2+$0x40];
	_ =	sdelay $0x4  }
0xd1: {  	v0 =	vadd.s32 s0, v0  }
0xd2: {  	[tilespmem:s13+$0xFFFFFFD0] =	vst v0  }
0xd3: {  	v0 =	vld [tilespmem:s2+$0x50];
	_ =	sdelay $0x4  }
0xd4: {  	v0 =	vadd.s32 s0, v0  }
0xd5: {  	[tilespmem:s13+$0xFFFFFFE0] =	vst v0  }
0xd6: {  	v0 =	vld [tilespmem:s2+$0x60];
	_ =	sdelay $0x4  }
0xd7: {  	v0 =	vadd.s32 s0, v0  }
0xd8: {  	[tilespmem:s13+$0xFFFFFFF0] =	vst v0  }
0xd9: {  	v0 =	vld [tilespmem:s2+$0x70];
	_ =	sdelay $0x4  }
0xda: {  	v0 =	vadd.s32 s0, v0;
	s0 =	simm.s32 $0x200  }
0xdb: {  	s2 =	simm.s32 $0x20;
	[tilespmem:s13+$0x0] =	vst v0;
	s13 =	sadd.s32 $0x2, s8;
	s0 =	sand.u32 $0x80, s0  }
0xdc: {  	[tilespmem:s19], [sflag:$0x2] =	stream.indirect.gather [hbm4b:s1+s16], $0x1, s18, s16, $0xb8;
	[tilespmem:$0x3B00] =	vst v63  }
0xdd: {  	s2 =	sand.u32 $0x7, s2;
	s13 =	sshll.u32 s13, $0x3;
	v0 =	vld [tilespmem:s0+$0x0]  }
0xde: {  	s2 =	sor.u32 s2, s13  }
0xdf: {  	s2 =	smul.u32 $0x24000, s2;
	_ =	sdelay $0x1  }
0xe0: {  	s2 =	sadd.s32 s4, s2  }
0xe1: {  	s28 =	simm.s32 $0x1170;
	v0 =	vadd.s32 s2, v0  }
0xe2: {  	[tilespmem:s28+$0xFFFFFF90] =	vst v0  }
0xe3: {  	v0 =	vld [tilespmem:s0+$0x10];
	_ =	sdelay $0x4  }
0xe4: {  	v0 =	vadd.s32 s2, v0  }
0xe5: {  	[tilespmem:s28+$0xFFFFFFA0] =	vst v0  }
0xe6: {  	v0 =	vld [tilespmem:s0+$0x20];
	_ =	sdelay $0x4  }
0xe7: {  	v0 =	vadd.s32 s2, v0  }
0xe8: {  	[tilespmem:s28+$0xFFFFFFB0] =	vst v0  }
0xe9: {  	v0 =	vld [tilespmem:s0+$0x30];
	_ =	sdelay $0x4  }
0xea: {  	v0 =	vadd.s32 s2, v0  }
0xeb: {  	[tilespmem:s28+$0xFFFFFFC0] =	vst v0  }
0xec: {  	v0 =	vld [tilespmem:s0+$0x40];
	_ =	sdelay $0x4  }
0xed: {  	v0 =	vadd.s32 s2, v0  }
0xee: {  	[tilespmem:s28+$0xFFFFFFD0] =	vst v0  }
0xef: {  	v0 =	vld [tilespmem:s0+$0x50];
	_ =	sdelay $0x4  }
0xf0: {  	v0 =	vadd.s32 s2, v0  }
0xf1: {  	[tilespmem:s28+$0xFFFFFFE0] =	vst v0  }
0xf2: {  	v0 =	vld [tilespmem:s0+$0x60];
	_ =	sdelay $0x4  }
0xf3: {  	v0 =	vadd.s32 s2, v0  }
0xf4: {  	[tilespmem:s28+$0xFFFFFFF0] =	vst v0  }
0xf5: {  	v0 =	vld [tilespmem:s0+$0x70];
	_ =	sdelay $0x3  }
0xf6: {  	s29 =	simm.s32 $0x21  }
0xf7: {  	s31 =	simm.s32 $0x22;
	s30 =	simm.s32 $0x210;
	s0 =	simm.s32 $0x2;
	v0 =	vadd.s32 s2, v0  }
.LBB2_8:
0xf8: {  	p0 =	sne.s32 s31, $0x2F;
	s2 =	sadd.s32 s8, s0;
	s0 =	sand.u32 $0x80, s30;
	[tilespmem:s28+$0x0] =	vst v0  }
0xf9: {  	s13 =	sand.u32 $0x7, s29;
	s29 =	smov.u32 s31;
	s2 =	sshll.u32 s2, $0x3;
	v0 =	vld [tilespmem:s0+$0x0]  }
0xfa: {  	s2 =	sor.u32 s13, s2  }
0xfb: {  	s2 =	smul.u32 $0x24000, s2;
	_ =	sdelay $0x1  }
0xfc: {  	s2 =	sadd.s32 s4, s2  }
0xfd: {  	s28 =	sadd.s32 $0x80, s28;
	v0 =	vadd.s32 s2, v0  }
0xfe: {  	[tilespmem:s28+$0xFFFFFF90] =	vst v0  }
0xff: {  	v0 =	vld [tilespmem:s0+$0x10];
	_ =	sdelay $0x4  }
0x100: {  	v0 =	vadd.s32 s2, v0  }
0x101: {  	[tilespmem:s28+$0xFFFFFFA0] =	vst v0  }
0x102: {  	v0 =	vld [tilespmem:s0+$0x20];
	_ =	sdelay $0x4  }
0x103: {  	v0 =	vadd.s32 s2, v0  }
0x104: {  	[tilespmem:s28+$0xFFFFFFB0] =	vst v0  }
0x105: {  	v0 =	vld [tilespmem:s0+$0x30];
	_ =	sdelay $0x4  }
0x106: {  	v0 =	vadd.s32 s2, v0  }
0x107: {  	[tilespmem:s28+$0xFFFFFFC0] =	vst v0  }
0x108: {  	v0 =	vld [tilespmem:s0+$0x40];
	_ =	sdelay $0x4  }
0x109: {  	v0 =	vadd.s32 s2, v0  }
0x10a: {  	[tilespmem:s28+$0xFFFFFFD0] =	vst v0  }
0x10b: {  	v0 =	vld [tilespmem:s0+$0x50];
	_ =	sdelay $0x4  }
0x10c: {  	v0 =	vadd.s32 s2, v0  }
0x10d: {  	[tilespmem:s28+$0xFFFFFFE0] =	vst v0  }
0x10e: {  	v0 =	vld [tilespmem:s0+$0x60];
	_ =	sdelay $0x4  }
0x10f: {  	v0 =	vadd.s32 s2, v0  }
0x110: {  	[tilespmem:s28+$0xFFFFFFF0] =	vst v0  }
0x111: {  	v0 =	vld [tilespmem:s0+$0x70]  }
.Ltmp3:
0x112: {  	(pc) =	sbr.rel @p0 .LBB2_8-.Ltmp3, $2  }
0x113: {  	_ =	sdelay $0x2  }
0x114: {  	s31 =	sadd.s32 $0x1, s31;
	s30 =	sadd.s32 $0x10, s30;
	s0 =	sshrl.u32 s29, $0x4;
	v0 =	vadd.s32 s2, v0  }
0x115: {  	s0 =	sadd.s32 s8, s0;
	s2 =	sand.u32 $0x80, s30;
	[tilespmem:s28+$0x0] =	vst v0  }
0x116: {  	s13 =	sand.u32 $0x7, s29;
	s0 =	sshll.u32 s0, $0x3;
	v0 =	vld [tilespmem:s2+$0x0]  }
0x117: {  	s0 =	sor.u32 s13, s0  }
0x118: {  	s0 =	smul.u32 $0x24000, s0;
	_ =	sdelay $0x1  }
0x119: {  	s0 =	sadd.s32 s4, s0  }
0x11a: {  	s30 =	sadd.s32 $0x80, s28;
	v0 =	vadd.s32 s0, v0  }
0x11b: {  	[tilespmem:s30+$0xFFFFFF90] =	vst v0  }
0x11c: {  	v0 =	vld [tilespmem:s2+$0x10];
	_ =	sdelay $0x4  }
0x11d: {  	v0 =	vadd.s32 s0, v0  }
0x11e: {  	[tilespmem:s30+$0xFFFFFFA0] =	vst v0  }
0x11f: {  	v0 =	vld [tilespmem:s2+$0x20];
	_ =	sdelay $0x4  }
0x120: {  	v0 =	vadd.s32 s0, v0  }
0x121: {  	[tilespmem:s30+$0xFFFFFFB0] =	vst v0  }
0x122: {  	v0 =	vld [tilespmem:s2+$0x30];
	_ =	sdelay $0x4  }
0x123: {  	v0 =	vadd.s32 s0, v0  }
0x124: {  	[tilespmem:s30+$0xFFFFFFC0] =	vst v0  }
0x125: {  	v0 =	vld [tilespmem:s2+$0x40];
	_ =	sdelay $0x4  }
0x126: {  	v0 =	vadd.s32 s0, v0  }
0x127: {  	[tilespmem:s30+$0xFFFFFFD0] =	vst v0  }
0x128: {  	v0 =	vld [tilespmem:s2+$0x50];
	_ =	sdelay $0x4  }
0x129: {  	v0 =	vadd.s32 s0, v0  }
0x12a: {  	[tilespmem:s30+$0xFFFFFFE0] =	vst v0  }
0x12b: {  	v0 =	vld [tilespmem:s2+$0x60];
	_ =	sdelay $0x4  }
0x12c: {  	v0 =	vadd.s32 s0, v0  }
0x12d: {  	[tilespmem:s30+$0xFFFFFFF0] =	vst v0  }
0x12e: {  	v0 =	vld [tilespmem:s2+$0x70];
	_ =	sdelay $0x4  }
0x12f: {  	v0 =	vadd.s32 s0, v0  }
0x130: {  	[tilespmem:s30+$0x0] =	vst v0  }
0x131: {  	[tilespmem:s21], [sflag:$0x3] =	stream.indirect.gather [hbm4b:s1+s16], $0x1, s20, s16, $0xb8;
	[tilespmem:$0x3B00] =	vst v63  }
0x132: {  	_ =	swait.ge [sflag:s14], $0x800  }
0x133: {  	[sflag:s14] =	ssyncset.done $0x0  }
0x134: {  	s31 =	simm.s32 $0x40;
	[sflag:s14] =	ssyncadd.s32 $0xFFFFF800  }
0x135: {  	v0 =	vld [tilespmem:s31+$0x1D30]  }
0x136: {  	v1 =	vld [tilespmem:s31+$0x18C0]  }
0x137: {  	v2 =	vld [tilespmem:s31+$0x18D0]  }
0x138: {  	v6 =	vld [tilespmem:s31+$0x1900]  }
0x139: {  	v10 =	vld [tilespmem:s31+$0x1920]  }
0x13a: {  	v11 =	vld [tilespmem:s31+$0x1930]  }
0x13b: {  	v12 =	vld [tilespmem:s31+$0x1CC0]  }
0x13c: {  	v13 =	vld [tilespmem:s31+$0x1CD0]  }
0x13d: {  	v4 =	vld [tilespmem:s31+$0x18E0]  }
0x13e: {  	v9 =	vimm.f32 $0.0e+00;
	v5 =	vld [tilespmem:s31+$0x18F0];
	v0 =	vmul.f32 v0, v0;
	v1 =	vmul.f32 v1, v1  }
0x13f: {  	v15 =	vimm.f32 $0.0e+00;
	v7 =	vld [tilespmem:s31+$0x1910];
	v2 =	vmul.f32 v2, v2;
	v6 =	vmul.f32 v6, v6  }
0x140: {  	v14 =	vimm.f32 $0.0e+00;
	v10 =	vmul.f32 v10, v10;
	v11 =	vmul.f32 v11, v11  }
0x141: {  	v22 =	vmul.f32 v12, v12;
	v21 =	vmul.f32 v13, v13;
	v13 =	vimm.f32 $0.0e+00  }
0x142: {  	v16 =	vld [tilespmem:s31+$0x1CE0];
	v12 =	vimm.f32 $0.0e+00;
	v8 =	vadd.f32 v0, v9;
	v0 =	vmul.f32 v4, v4  }
0x143: {  	v17 =	vld [tilespmem:s31+$0x1CF0];
	v3 =	vadd.f32 v1, v9;
	v1 =	vadd.f32 v2, v9;
	v2 =	vmul.f32 v5, v5  }
0x144: {  	v18 =	vld [tilespmem:s31+$0x1D00];
	v6 =	vadd.f32 v6, v9;
	v4 =	vadd.f32 v0, v9;
	v0 =	vmul.f32 v7, v7  }
0x145: {  	v19 =	vld [tilespmem:s31+$0x1D10];
	v5 =	vadd.f32 v2, v9;
	v2 =	vadd.f32 v10, v9;
	v10 =	vimm.f32 $0.0e+00  }
0x146: {  	s28 =	simm.s32 $0xC0;
	s0 =	simm.s32 $0x500;
	v20 =	vld [tilespmem:s31+$0x1D20];
	v7 =	vadd.f32 v0, v9;
	v0 =	vadd.f32 v11, v9;
	v11 =	vimm.f32 $0.0e+00  }
.LBB2_10:
0x147: {  	p0 =	sne.s32 s0, $0xF00;
	v23 =	vld [tilespmem:s28+$0x1D30];
	v9 =	vadd.f32 v22, v9;
	v16 =	vmul.f32 v16, v16  }
0x148: {  	v22 =	vld [tilespmem:s28+$0x18C0];
	v15 =	vadd.f32 v21, v15;
	v17 =	vmul.f32 v17, v17  }
0x149: {  	v21 =	vld [tilespmem:s28+$0x18D0];
	v13 =	vadd.f32 v16, v13;
	v16 =	vmul.f32 v18, v18  }
0x14a: {  	v18 =	vld [tilespmem:s28+$0x18E0];
	v10 =	vadd.f32 v17, v10;
	v17 =	vmul.f32 v19, v19  }
0x14b: {  	v19 =	vld [tilespmem:s28+$0x18F0];
	v14 =	vadd.f32 v16, v14;
	v16 =	vmul.f32 v20, v20  }
0x14c: {  	v20 =	vld [tilespmem:s28+$0x1900];
	v23 =	vmul.f32 v23, v23;
	v11 =	vadd.f32 v17, v11  }
0x14d: {  	v17 =	vmul.f32 v22, v22;
	v22 =	vld [tilespmem:s28+$0x1910];
	v12 =	vadd.f32 v16, v12  }
0x14e: {  	v16 =	vmul.f32 v21, v21;
	v21 =	vld [tilespmem:s28+$0x1920];
	v8 =	vadd.f32 v23, v8  }
0x14f: {  	v3 =	vadd.f32 v17, v3;
	v17 =	vmul.f32 v18, v18;
	v18 =	vld [tilespmem:s28+$0x1930]  }
0x150: {  	v1 =	vadd.f32 v16, v1;
	v16 =	vmul.f32 v19, v19;
	v19 =	vld [tilespmem:s28+$0x1CC0]  }
0x151: {  	v4 =	vadd.f32 v17, v4;
	v17 =	vmul.f32 v20, v20;
	v20 =	vld [tilespmem:s28+$0x1CD0]  }
.Ltmp4:
0x152: {  	v5 =	vadd.f32 v16, v5;
	v22 =	vmul.f32 v22, v22;
	v16 =	vld [tilespmem:s28+$0x1CE0];
	(pc) =	sbr.rel @p0 .LBB2_10-.Ltmp4, $4  }
0x153: {  	v6 =	vadd.f32 v17, v6;
	v21 =	vmul.f32 v21, v21;
	v17 =	vld [tilespmem:s28+$0x1CF0]  }
0x154: {  	v7 =	vadd.f32 v22, v7;
	v23 =	vmul.f32 v18, v18;
	v18 =	vld [tilespmem:s28+$0x1D00]  }
0x155: {  	v2 =	vadd.f32 v21, v2;
	v22 =	vmul.f32 v19, v19;
	v19 =	vld [tilespmem:s28+$0x1D10]  }
0x156: {  	v0 =	vadd.f32 v23, v0;
	v21 =	vmul.f32 v20, v20;
	v20 =	vld [tilespmem:s28+$0x1D20];
	s28 =	sshra.s32 s0, $0x2;
	s0 =	sadd.s32 $0x200, s0  }
0x157: {  	v23 =	vld [tilespmem:s28+$0x1D30]  }
0x158: {  	v24 =	vld [tilespmem:s28+$0x18C0]  }
0x159: {  	v25 =	vld [tilespmem:s28+$0x18D0]  }
0x15a: {  	v26 =	vld [tilespmem:s28+$0x18E0]  }
0x15b: {  	v27 =	vld [tilespmem:s28+$0x18F0]  }
0x15c: {  	v28 =	vld [tilespmem:s28+$0x1900]  }
0x15d: {  	v29 =	vld [tilespmem:s28+$0x1910]  }
0x15e: {  	v30 =	vld [tilespmem:s28+$0x1920]  }
0x15f: {  	v31 =	vld [tilespmem:s28+$0x1930]  }
0x160: {  	v32 =	vld [tilespmem:s28+$0x1CC0]  }
0x161: {  	v33 =	vld [tilespmem:s28+$0x1CD0]  }
0x162: {  	v34 =	vld [tilespmem:s28+$0x1CE0]  }
0x163: {  	v35 =	vld [tilespmem:s28+$0x1CF0];
	v16 =	vmul.f32 v16, v16  }
0x164: {  	v9 =	vadd.f32 v22, v9;
	v22 =	vld [tilespmem:s28+$0x1D00];
	v17 =	vmul.f32 v17, v17;
	v18 =	vmul.f32 v18, v18  }
0x165: {  	v15 =	vadd.f32 v21, v15;
	v21 =	vld [tilespmem:s28+$0x1D10];
	v13 =	vadd.f32 v16, v13;
	v16 =	vmul.f32 v19, v19  }
0x166: {  	v10 =	vadd.f32 v17, v10;
	v19 =	vmul.f32 v20, v20;
	v20 =	vld [tilespmem:s28+$0x1D20];
	v14 =	vadd.f32 v18, v14;
	_ =	swait.ge [sflag:s15], $0x800  }
0x167: {  	v17 =	vmul.f32 v23, v23;
	v16 =	vadd.f32 v16, v11;
	v11 =	vmul.f32 v24, v24;
	[sflag:s15] =	ssyncset.done $0x0  }
0x168: {  	s2 =	simm.s32 $0xFFFFFC00;
	v18 =	vadd.f32 v19, v12;
	v12 =	vmul.f32 v25, v25;
	[sflag:s15] =	ssyncadd.s32 $0xFFFFF800;
	v19 =	vmul.f32 v28, v28  }
0x169: {  	v8 =	vadd.f32 v17, v8;
	v17 =	vmul.f32 v26, v26;
	v3 =	vadd.f32 v11, v3;
	v23 =	vld [tilespmem:s2+$0x2970]  }
0x16a: {  	v11 =	vmul.f32 v27, v27;
	v56 =	vld [tilespmem:s2+$0x2500];
	v55 =	vadd.f32 v12, v1;
	v1 =	vmul.f32 v29, v29  }
0x16b: {  	v58 =	vld [tilespmem:s2+$0x2520];
	v19 =	vadd.f32 v19, v6;
	v17 =	vadd.f32 v17, v4;
	v4 =	vmul.f32 v30, v30  }
0x16c: {  	v60 =	vld [tilespmem:s2+$0x2530];
	v57 =	vadd.f32 v1, v7;
	v1 =	vmul.f32 v31, v31;
	v7 =	vmul.f32 v32, v32  }
0x16d: {  	v6 =	vld [tilespmem:s2+$0x2510];
	v5 =	vadd.f32 v11, v5;
	v59 =	vadd.f32 v4, v2;
	v2 =	vmul.f32 v33, v33  }
0x16e: {  	v61 =	vadd.f32 v1, v0;
	v11 =	vadd.f32 v7, v9;
	v0 =	vmul.f32 v35, v35;
	v9 =	vld [tilespmem:s2+$0x2540]  }
0x16f: {  	v4 =	vmul.f32 v34, v34;
	v12 =	vadd.f32 v2, v15;
	v2 =	vmul.f32 v22, v22;
	v22 =	vld [tilespmem:s2+$0x2550]  }
0x170: {  	v1 =	vadd.f32 v0, v10;
	v0 =	vmul.f32 v21, v21;
	v10 =	vmul.f32 v20, v20;
	v20 =	vld [tilespmem:s2+$0x2560]  }
0x171: {  	v21 =	vmul.f32 v56, v56;
	v7 =	vadd.f32 v2, v14;
	v2 =	vmul.f32 v23, v23;
	v23 =	vld [tilespmem:s2+$0x2570]  }
0x172: {  	v62 =	vld [tilespmem:s2+$0x2900];
	v4 =	vadd.f32 v4, v13;
	v13 =	vadd.f32 v0, v16;
	v0 =	vmul.f32 v6, v6  }
0x173: {  	v63 =	vld [tilespmem:s2+$0x2910];
	v15 =	vadd.f32 v2, v8;
	v2 =	vadd.f32 v21, v3;
	v3 =	vmul.f32 v58, v58  }
0x174: {  	v14 =	vadd.f32 v10, v18;
	v16 =	vld [tilespmem:s2+$0x2920];
	v8 =	vmul.f32 v60, v60;
	v9 =	vmul.f32 v9, v9  }
0x175: {  	v0 =	vadd.f32 v0, v55;
	v6 =	vadd.f32 v3, v17;
	v3 =	vmul.f32 v22, v22;
	v17 =	vld [tilespmem:s2+$0x2930]  }
0x176: {  	v18 =	vld [tilespmem:s2+$0x2940];
	v20 =	vmul.f32 v20, v20;
	v8 =	vadd.f32 v8, v5;
	v5 =	vmul.f32 v23, v23  }
0x177: {  	v21 =	vmul.f32 v62, v62;
	v9 =	vadd.f32 v9, v19;
	v19 =	vld [tilespmem:s2+$0x2950];
	v10 =	vadd.f32 v3, v57  }
0x178: {  	s0 =	simm.s32 $0xFFFFF400;
	s28 =	simm.s32 $0xFFFFFC80;
	v22 =	vmul.f32 v63, v63;
	v3 =	vadd.f32 v20, v59;
	v20 =	vld [tilespmem:s2+$0x2960];
	v5 =	vadd.f32 v5, v61  }
.LBB2_12:
0x179: {  	p0 =	sne.s32 s0, $0xFFFFFE00;
	v23 =	vld [tilespmem:s28+$0x2970];
	v11 =	vadd.f32 v21, v11;
	v16 =	vmul.f32 v16, v16  }
0x17a: {  	v21 =	vld [tilespmem:s28+$0x2500];
	v12 =	vadd.f32 v22, v12;
	v17 =	vmul.f32 v17, v17  }
0x17b: {  	v22 =	vld [tilespmem:s28+$0x2510];
	v4 =	vadd.f32 v16, v4;
	v16 =	vmul.f32 v18, v18  }
0x17c: {  	v18 =	vld [tilespmem:s28+$0x2520];
	v1 =	vadd.f32 v17, v1;
	v17 =	vmul.f32 v19, v19  }
0x17d: {  	v19 =	vld [tilespmem:s28+$0x2530];
	v7 =	vadd.f32 v16, v7;
	v16 =	vmul.f32 v20, v20  }
0x17e: {  	v20 =	vld [tilespmem:s28+$0x2540];
	v23 =	vmul.f32 v23, v23;
	v13 =	vadd.f32 v17, v13  }
0x17f: {  	v17 =	vmul.f32 v21, v21;
	v21 =	vld [tilespmem:s28+$0x2550];
	v14 =	vadd.f32 v16, v14  }
0x180: {  	v16 =	vmul.f32 v22, v22;
	v22 =	vld [tilespmem:s28+$0x2560];
	v15 =	vadd.f32 v23, v15  }
0x181: {  	v2 =	vadd.f32 v17, v2;
	v17 =	vmul.f32 v18, v18;
	v18 =	vld [tilespmem:s28+$0x2570]  }
0x182: {  	v0 =	vadd.f32 v16, v0;
	v16 =	vmul.f32 v19, v19;
	v19 =	vld [tilespmem:s28+$0x2900]  }
0x183: {  	v6 =	vadd.f32 v17, v6;
	v17 =	vmul.f32 v20, v20;
	v20 =	vld [tilespmem:s28+$0x2910]  }
.Ltmp5:
0x184: {  	v8 =	vadd.f32 v16, v8;
	v21 =	vmul.f32 v21, v21;
	v16 =	vld [tilespmem:s28+$0x2920];
	(pc) =	sbr.rel @p0 .LBB2_12-.Ltmp5, $4  }
0x185: {  	v9 =	vadd.f32 v17, v9;
	v22 =	vmul.f32 v22, v22;
	v17 =	vld [tilespmem:s28+$0x2930]  }
0x186: {  	v10 =	vadd.f32 v21, v10;
	v23 =	vmul.f32 v18, v18;
	v18 =	vld [tilespmem:s28+$0x2940]  }
0x187: {  	v3 =	vadd.f32 v22, v3;
	v21 =	vmul.f32 v19, v19;
	v19 =	vld [tilespmem:s28+$0x2950]  }
0x188: {  	v5 =	vadd.f32 v23, v5;
	v22 =	vmul.f32 v20, v20;
	v20 =	vld [tilespmem:s28+$0x2960];
	s28 =	sshra.s32 s0, $0x2;
	s0 =	sadd.s32 $0x200, s0  }
0x189: {  	v23 =	vld [tilespmem:s28+$0x2970]  }
0x18a: {  	v24 =	vld [tilespmem:s28+$0x2500]  }
0x18b: {  	v25 =	vld [tilespmem:s28+$0x2510]  }
0x18c: {  	v26 =	vld [tilespmem:s28+$0x2520]  }
0x18d: {  	v27 =	vld [tilespmem:s28+$0x2530]  }
0x18e: {  	v28 =	vld [tilespmem:s28+$0x2540]  }
0x18f: {  	v29 =	vld [tilespmem:s28+$0x2550]  }
0x190: {  	v30 =	vld [tilespmem:s28+$0x2560]  }
0x191: {  	v31 =	vld [tilespmem:s28+$0x2570]  }
0x192: {  	v32 =	vld [tilespmem:s28+$0x2900]  }
0x193: {  	v33 =	vld [tilespmem:s28+$0x2910]  }
0x194: {  	v34 =	vld [tilespmem:s28+$0x2920]  }
0x195: {  	v35 =	vld [tilespmem:s28+$0x2930];
	v16 =	vmul.f32 v16, v16;
	v17 =	vmul.f32 v17, v17  }
0x196: {  	v11 =	vadd.f32 v21, v11;
	v21 =	vld [tilespmem:s28+$0x2940];
	v12 =	vadd.f32 v22, v12;
	v18 =	vmul.f32 v18, v18  }
0x197: {  	v22 =	vld [tilespmem:s28+$0x2950];
	v4 =	vadd.f32 v16, v4;
	v16 =	vmul.f32 v19, v19;
	v1 =	vadd.f32 v17, v1  }
0x198: {  	v19 =	vmul.f32 v20, v20;
	v20 =	vld [tilespmem:s28+$0x2960];
	v17 =	vadd.f32 v18, v7;
	_ =	swait.ge [sflag:s22], $0x800;
	v7 =	vmul.f32 v23, v23  }
0x199: {  	v13 =	vadd.f32 v16, v13;
	v16 =	vmul.f32 v24, v24;
	[sflag:s22] =	ssyncset.done $0x0;
	v18 =	vmul.f32 v26, v26  }
0x19a: {  	s2 =	simm.s32 $0xFFFFFC00;
	v14 =	vadd.f32 v19, v14;
	[sflag:s22] =	ssyncadd.s32 $0xFFFFF800;
	v15 =	vadd.f32 v7, v15;
	v7 =	vmul.f32 v25, v25  }
0x19b: {  	v16 =	vadd.f32 v16, v2;
	v2 =	vmul.f32 v27, v27;
	v23 =	vld [tilespmem:s2+$0x3170];
	v18 =	vadd.f32 v18, v6  }
0x19c: {  	v58 =	vld [tilespmem:s2+$0x2D00];
	v6 =	vmul.f32 v32, v32;
	v57 =	vadd.f32 v7, v0;
	v0 =	vmul.f32 v29, v29  }
0x19d: {  	v19 =	vmul.f32 v28, v28;
	v59 =	vld [tilespmem:s2+$0x2D20];
	v8 =	vadd.f32 v2, v8;
	v2 =	vmul.f32 v30, v30  }
0x19e: {  	v61 =	vld [tilespmem:s2+$0x2D30];
	v7 =	vadd.f32 v6, v11;
	v10 =	vadd.f32 v0, v10;
	v0 =	vmul.f32 v31, v31  }
0x19f: {  	v11 =	vld [tilespmem:s2+$0x2D40];
	v60 =	vadd.f32 v2, v3;
	v2 =	vmul.f32 v33, v33;
	v3 =	vmul.f32 v34, v34  }
0x1a0: {  	v9 =	vadd.f32 v19, v9;
	v19 =	vld [tilespmem:s2+$0x2D10];
	v62 =	vadd.f32 v0, v5;
	v0 =	vmul.f32 v35, v35  }
0x1a1: {  	v6 =	vadd.f32 v2, v12;
	v5 =	vadd.f32 v3, v4;
	v2 =	vmul.f32 v21, v21;
	v21 =	vld [tilespmem:s2+$0x2D50]  }
0x1a2: {  	v4 =	vadd.f32 v0, v1;
	v0 =	vmul.f32 v22, v22;
	v1 =	vmul.f32 v20, v20;
	v20 =	vld [tilespmem:s2+$0x2D60]  }
0x1a3: {  	v3 =	vadd.f32 v2, v17;
	v17 =	vmul.f32 v58, v58;
	v22 =	vld [tilespmem:s2+$0x2D70]  }
0x1a4: {  	v12 =	vmul.f32 v23, v23;
	v23 =	vld [tilespmem:s2+$0x3100];
	v11 =	vmul.f32 v11, v11;
	v2 =	vadd.f32 v0, v13  }
0x1a5: {  	v1 =	vadd.f32 v1, v14;
	v13 =	vmul.f32 v19, v19;
	v14 =	vadd.f32 v17, v16;
	v16 =	vld [tilespmem:s2+$0x3110]  }
0x1a6: {  	v0 =	vadd.f32 v12, v15;
	v15 =	vmul.f32 v59, v59;
	v17 =	vmul.f32 v61, v61;
	v19 =	vld [tilespmem:s2+$0x3120]  }
0x1a7: {  	v11 =	vadd.f32 v11, v9;
	v21 =	vmul.f32 v21, v21;
	v63 =	vmul.f32 v20, v20;
	v20 =	vld [tilespmem:s2+$0x3130]  }
0x1a8: {  	v12 =	vadd.f32 v13, v57;
	v13 =	vadd.f32 v15, v18;
	v18 =	vld [tilespmem:s2+$0x3140];
	v9 =	vmul.f32 v22, v22  }
0x1a9: {  	v15 =	vadd.f32 v17, v8;
	v17 =	vld [tilespmem:s2+$0x3150];
	v10 =	vadd.f32 v21, v10;
	v21 =	vmul.f32 v23, v23  }
0x1aa: {  	s0 =	simm.s32 $0xFFFFF400;
	s28 =	simm.s32 $0xFFFFFC80;
	v8 =	vadd.f32 v63, v60;
	v9 =	vadd.f32 v9, v62;
	v22 =	vmul.f32 v16, v16;
	v16 =	vld [tilespmem:s2+$0x3160]  }
.LBB2_14:
0x1ab: {  	p0 =	sne.s32 s0, $0xFFFFFE00;
	v23 =	vld [tilespmem:s28+$0x3170];
	v7 =	vadd.f32 v21, v7;
	v19 =	vmul.f32 v19, v19  }
0x1ac: {  	v21 =	vld [tilespmem:s28+$0x2D00];
	v6 =	vadd.f32 v22, v6;
	v20 =	vmul.f32 v20, v20  }
0x1ad: {  	v22 =	vld [tilespmem:s28+$0x2D10];
	v5 =	vadd.f32 v19, v5;
	v18 =	vmul.f32 v18, v18  }
0x1ae: {  	v19 =	vld [tilespmem:s28+$0x2D20];
	v4 =	vadd.f32 v20, v4;
	v17 =	vmul.f32 v17, v17  }
0x1af: {  	v20 =	vld [tilespmem:s28+$0x2D30];
	v3 =	vadd.f32 v18, v3;
	v16 =	vmul.f32 v16, v16  }
0x1b0: {  	v18 =	vld [tilespmem:s28+$0x2D40];
	v23 =	vmul.f32 v23, v23;
	v2 =	vadd.f32 v17, v2  }
0x1b1: {  	v17 =	vmul.f32 v21, v21;
	v21 =	vld [tilespmem:s28+$0x2D50];
	v1 =	vadd.f32 v16, v1  }
0x1b2: {  	v16 =	vmul.f32 v22, v22;
	v22 =	vld [tilespmem:s28+$0x2D60];
	v0 =	vadd.f32 v23, v0  }
0x1b3: {  	v14 =	vadd.f32 v17, v14;
	v17 =	vmul.f32 v19, v19;
	v23 =	vld [tilespmem:s28+$0x2D70]  }
0x1b4: {  	v12 =	vadd.f32 v16, v12;
	v16 =	vmul.f32 v20, v20;
	v24 =	vld [tilespmem:s28+$0x3100]  }
0x1b5: {  	v13 =	vadd.f32 v17, v13;
	v17 =	vmul.f32 v18, v18;
	v25 =	vld [tilespmem:s28+$0x3110]  }
.Ltmp6:
0x1b6: {  	v15 =	vadd.f32 v16, v15;
	v16 =	vmul.f32 v21, v21;
	v19 =	vld [tilespmem:s28+$0x3120];
	(pc) =	sbr.rel @p0 .LBB2_14-.Ltmp6, $4  }
0x1b7: {  	v11 =	vadd.f32 v17, v11;
	v17 =	vmul.f32 v22, v22;
	v20 =	vld [tilespmem:s28+$0x3130]  }
0x1b8: {  	v10 =	vadd.f32 v16, v10;
	v16 =	vmul.f32 v23, v23;
	v18 =	vld [tilespmem:s28+$0x3140]  }
0x1b9: {  	v8 =	vadd.f32 v17, v8;
	v21 =	vmul.f32 v24, v24;
	v17 =	vld [tilespmem:s28+$0x3150]  }
0x1ba: {  	v9 =	vadd.f32 v16, v9;
	v22 =	vmul.f32 v25, v25;
	v16 =	vld [tilespmem:s28+$0x3160];
	s28 =	sshra.s32 s0, $0x2;
	s0 =	sadd.s32 $0x200, s0  }
0x1bb: {  	v23 =	vld [tilespmem:s28+$0x3170]  }
0x1bc: {  	v24 =	vld [tilespmem:s28+$0x2D00]  }
0x1bd: {  	v25 =	vld [tilespmem:s28+$0x2D10]  }
0x1be: {  	v26 =	vld [tilespmem:s28+$0x2D20]  }
0x1bf: {  	v27 =	vld [tilespmem:s28+$0x2D30]  }
0x1c0: {  	v28 =	vld [tilespmem:s28+$0x2D40]  }
0x1c1: {  	v29 =	vld [tilespmem:s28+$0x2D50]  }
0x1c2: {  	v30 =	vld [tilespmem:s28+$0x2D60]  }
0x1c3: {  	v31 =	vld [tilespmem:s28+$0x2D70]  }
0x1c4: {  	v32 =	vld [tilespmem:s28+$0x3100]  }
0x1c5: {  	v33 =	vld [tilespmem:s28+$0x3110]  }
0x1c6: {  	v34 =	vld [tilespmem:s28+$0x3120];
	v24 =	vmul.f32 v24, v24  }
0x1c7: {  	v35 =	vld [tilespmem:s28+$0x3130];
	v7 =	vadd.f32 v21, v7;
	v25 =	vmul.f32 v25, v25  }
0x1c8: {  	v36 =	vld [tilespmem:s28+$0x3140];
	v61 =	vmul.f32 v26, v26;
	v21 =	vmul.f32 v27, v27;
	v14 =	vadd.f32 v24, v14  }
0x1c9: {  	v62 =	vld [tilespmem:s28+$0x3150];
	v12 =	vadd.f32 v25, v12  }
0x1ca: {  	v63 =	vld [tilespmem:s28+$0x3160];
	v13 =	vadd.f32 v61, v13;
	v15 =	vadd.f32 v21, v15;
	v21 =	vmul.f32 v29, v29;
	[tilespmem:$0x3100] =	vst v14  }
0x1cb: {  	v19 =	vmul.f32 v19, v19;
	v14 =	vmul.f32 v28, v28;
	[tilespmem:$0x3110] =	vst v12  }
0x1cc: {  	v12 =	vmul.f32 v20, v20;
	[tilespmem:$0x3120] =	vst v13;
	v10 =	vadd.f32 v21, v10;
	v13 =	vmul.f32 v31, v31  }
0x1cd: {  	v5 =	vadd.f32 v19, v5;
	[tilespmem:$0x3130] =	vst v15;
	v11 =	vadd.f32 v14, v11;
	v14 =	vmul.f32 v30, v30  }
0x1ce: {  	v4 =	vadd.f32 v12, v4;
	v9 =	vadd.f32 v13, v9;
	[tilespmem:$0x3150] =	vst v10;
	v12 =	vmul.f32 v34, v34  }
0x1cf: {  	v6 =	vadd.f32 v22, v6;
	v8 =	vadd.f32 v14, v8;
	v14 =	vmul.f32 v32, v32;
	[tilespmem:$0x3140] =	vst v11  }
0x1d0: {  	v15 =	vmul.f32 v18, v18;
	v11 =	vmul.f32 v33, v33;
	[tilespmem:$0x3170] =	vst v9;
	v5 =	vadd.f32 v12, v5  }
0x1d1: {  	v10 =	vmul.f32 v17, v17;
	v7 =	vadd.f32 v14, v7;
	[tilespmem:$0x3160] =	vst v8;
	v8 =	vmul.f32 v35, v35  }
0x1d2: {  	v3 =	vadd.f32 v15, v3;
	v6 =	vadd.f32 v11, v6;
	v11 =	vmul.f32 v36, v36;
	[tilespmem:$0x31A0] =	vst v5  }
0x1d3: {  	v9 =	vmul.f32 v16, v16;
	v5 =	vmul.f32 v23, v23;
	[tilespmem:$0x3180] =	vst v7;
	v4 =	vadd.f32 v8, v4  }
0x1d4: {  	v2 =	vadd.f32 v10, v2;
	v7 =	vmul.f32 v62, v62;
	[tilespmem:$0x3190] =	vst v6;
	v3 =	vadd.f32 v11, v3  }
0x1d5: {  	v1 =	vadd.f32 v9, v1;
	v6 =	vmul.f32 v63, v63;
	v0 =	vadd.f32 v5, v0;
	[tilespmem:$0x31B0] =	vst v4  }
0x1d6: {  	v2 =	vadd.f32 v7, v2;
	[tilespmem:$0x31C0] =	vst v3  }
0x1d7: {  	v1 =	vadd.f32 v6, v1;
	[tilespmem:$0x31F0] =	vst v0  }
0x1d8: {  	[tilespmem:$0x31D0] =	vst v2  }
0x1d9: {  	[tilespmem:$0x31E0] =	vst v1  }
0x1da: {  	[spmem:s9] =	stream.linear.scatter [tilespmem:s23], [sflag:$0x4], $0x100, $0x38;
	[tilespmem:$0x3B00] =	vst v63  }
0x1db: {  	_ =	swait.ge [sflag:s24], $0x100  }
0x1dc: {  	[sflag:s24] =	ssyncset.done $0x0  }
0x1dd: {  	[sflag:s24] =	ssyncadd.s32 $0xFFFFFF00  }
0x1de: {  	[bflag:$0x0] =	sbarrier.arrive $0xFFFF  }
0x1df: {  	[tilespmem:s25], [sflag:$0x4] =	stream.linear.gather [spmem:s10], $0x800, $0x38;
	[tilespmem:$0x3B00] =	vst v63  }
0x1e0: {  	_ =	swait.ge [sflag:s24], $0x800  }
0x1e1: {  	[sflag:s24] =	ssyncset.done $0x0  }
0x1e2: {  	[sflag:s24] =	ssyncadd.s32 $0xFFFFF800  }
0x1e3: {  	v0 =	vld [tilespmem:$0x3200]  }
0x1e4: {  	v1 =	vld [tilespmem:$0x3300]  }
0x1e5: {  	v2 =	vld [tilespmem:$0x3400]  }
0x1e6: {  	v3 =	vld [tilespmem:$0x3500]  }
0x1e7: {  	v4 =	vld [tilespmem:$0x3900]  }
0x1e8: {  	v5 =	vld [tilespmem:$0x3310]  }
0x1e9: {  	v6 =	vld [tilespmem:$0x3510]  }
0x1ea: {  	v7 =	vld [tilespmem:$0x3710]  }
0x1eb: {  	v8 =	vld [tilespmem:$0x3910];
	v0 =	vadd.f32 v1, v0  }
0x1ec: {  	v1 =	vld [tilespmem:$0x3600]  }
0x1ed: {  	v11 =	vld [tilespmem:$0x3220];
	v0 =	vadd.f32 v2, v0  }
0x1ee: {  	v2 =	vld [tilespmem:$0x3700]  }
0x1ef: {  	v12 =	vld [tilespmem:$0x3320];
	v0 =	vadd.f32 v3, v0  }
0x1f0: {  	v3 =	vld [tilespmem:$0x3800]  }
0x1f1: {  	v14 =	vld [tilespmem:$0x3420];
	v0 =	vadd.f32 v1, v0  }
0x1f2: {  	v15 =	vld [tilespmem:$0x3520]  }
0x1f3: {  	v1 =	vld [tilespmem:$0x3210];
	v0 =	vadd.f32 v2, v0  }
0x1f4: {  	v16 =	vld [tilespmem:$0x3620]  }
0x1f5: {  	v2 =	vld [tilespmem:$0x3410];
	v0 =	vadd.f32 v3, v0  }
0x1f6: {  	v17 =	vld [tilespmem:$0x3720]  }
0x1f7: {  	v18 =	vld [tilespmem:$0x3230];
	v0 =	vadd.f32 v4, v0  }
0x1f8: {  	v11 =	vadd.f32 v12, v11;
	v12 =	vld [tilespmem:$0x3530];
	v1 =	vadd.f32 v5, v1  }
0x1f9: {  	v3 =	vld [tilespmem:$0x3610];
	v9 =	vshrl.u32 v0, $0x1;
	v10 =	vmul.f32 $5.000000000e-01, v0  }
0x1fa: {  	v1 =	vadd.f32 v2, v1;
	v2 =	vld [tilespmem:$0x3330];
	v9 =	vsub.s32 $0x5F3759DF, v9  }
0x1fb: {  	v11 =	vadd.f32 v14, v11;
	v14 =	vld [tilespmem:$0x3730];
	v13 =	vmul.f32 v9, v10  }
0x1fc: {  	v1 =	vadd.f32 v6, v1;
	v6 =	vld [tilespmem:$0x3430]  }
0x1fd: {  	v4 =	vld [tilespmem:$0x3810];
	v13 =	vmul.f32 v9, v13  }
0x1fe: {  	v5 =	vld [tilespmem:$0x3820];
	v1 =	vadd.f32 v3, v1  }
0x1ff: {  	v3 =	vld [tilespmem:$0x3630];
	v2 =	vadd.f32 v2, v18;
	v13 =	vsub.f32 $1.500000000e+00, v13  }
0x200: {  	v1 =	vadd.f32 v7, v1;
	v7 =	vld [tilespmem:$0x3240]  }
0x201: {  	v11 =	vadd.f32 v15, v11;
	v2 =	vadd.f32 v6, v2;
	v6 =	vld [tilespmem:$0x3340];
	v9 =	vmul.f32 v9, v13  }
0x202: {  	v1 =	vadd.f32 v4, v1;
	v4 =	vld [tilespmem:$0x3830]  }
0x203: {  	v11 =	vadd.f32 v16, v11;
	v2 =	vadd.f32 v12, v2;
	v12 =	vld [tilespmem:$0x3440];
	v19 =	vmul.f32 v9, v10  }
0x204: {  	v13 =	vld [tilespmem:$0x3920];
	v1 =	vadd.f32 v8, v1  }
0x205: {  	v11 =	vadd.f32 v17, v11;
	v2 =	vadd.f32 v3, v2;
	v3 =	vld [tilespmem:$0x3540];
	v19 =	vmul.f32 v19, v9  }
0x206: {  	v15 =	vshrl.u32 v1, $0x1;
	v16 =	vmul.f32 $5.000000000e-01, v1;
	v6 =	vadd.f32 v6, v7  }
0x207: {  	v5 =	vadd.f32 v5, v11;
	v8 =	vld [tilespmem:$0x3930];
	v15 =	vsub.s32 $0x5F3759DF, v15;
	v18 =	vsub.f32 $1.500000000e+00, v19  }
0x208: {  	v7 =	vld [tilespmem:$0x3640];
	v2 =	vadd.f32 v14, v2;
	v14 =	vmul.f32 v15, v16;
	v6 =	vadd.f32 v12, v6  }
0x209: {  	v11 =	vld [tilespmem:$0x3740];
	v5 =	vadd.f32 v13, v5;
	v9 =	vmul.f32 v18, v9  }
0x20a: {  	v12 =	vld [tilespmem:$0x3840];
	v2 =	vadd.f32 v4, v2;
	v13 =	vmul.f32 v15, v14;
	v3 =	vadd.f32 v3, v6  }
0x20b: {  	v6 =	vld [tilespmem:$0x3250];
	v14 =	vshrl.u32 v5, $0x1;
	v17 =	vmul.f32 $5.000000000e-01, v5;
	v10 =	vmul.f32 v9, v10  }
0x20c: {  	v2 =	vadd.f32 v8, v2;
	v8 =	vld [tilespmem:$0x3350];
	v14 =	vsub.s32 $0x5F3759DF, v14;
	v13 =	vsub.f32 $1.500000000e+00, v13  }
0x20d: {  	v4 =	vld [tilespmem:$0x3940];
	v3 =	vadd.f32 v7, v3;
	v18 =	vmul.f32 v14, v17;
	v10 =	vmul.f32 v10, v9  }
0x20e: {  	v7 =	vld [tilespmem:$0x3450];
	v19 =	vshrl.u32 v2, $0x1;
	v20 =	vmul.f32 $5.000000000e-01, v2;
	v13 =	vmul.f32 v15, v13  }
0x20f: {  	v21 =	vld [tilespmem:$0x3550];
	v15 =	vsub.s32 $0x5F3759DF, v19;
	v3 =	vadd.f32 v11, v3;
	v10 =	vsub.f32 $1.500000000e+00, v10  }
0x210: {  	v22 =	vld [tilespmem:$0x3750];
	v18 =	vmul.f32 v14, v18;
	v19 =	vmul.f32 v15, v20  }
0x211: {  	v36 =	vld [tilespmem:$0x3760];
	v3 =	vadd.f32 v12, v3;
	v6 =	vadd.f32 v8, v6;
	v9 =	vmul.f32 v10, v9  }
0x212: {  	v11 =	vld [tilespmem:$0x3650];
	v12 =	vsub.f32 $1.500000000e+00, v18;
	v18 =	vmul.f32 v15, v19;
	v10 =	vmul.f32 v13, v16  }
0x213: {  	v38 =	vld [tilespmem:$0x3960];
	v3 =	vadd.f32 v4, v3;
	v4 =	vadd.f32 v7, v6;
	v0 =	vmul.f32 v9, v0  }
0x214: {  	v39 =	vld [tilespmem:$0x3370];
	v7 =	vmul.f32 v10, v13;
	v9 =	vmul.f32 v14, v12;
	v10 =	vsub.f32 $1.500000000e+00, v18  }
0x215: {  	v8 =	vld [tilespmem:$0x3850];
	v4 =	vadd.f32 v21, v4;
	v14 =	vshrl.u32 v3, $0x1;
	v18 =	vmul.f32 $5.000000000e-01, v3  }
0x216: {  	v6 =	vld [tilespmem:$0x3260];
	v14 =	vsub.s32 $0x5F3759DF, v14;
	v23 =	vmul.f32 v9, v17;
	v10 =	vmul.f32 v15, v10  }
0x217: {  	v12 =	vld [tilespmem:$0x3360];
	v4 =	vadd.f32 v11, v4;
	v7 =	vsub.f32 $1.500000000e+00, v7;
	v34 =	vmul.f32 v14, v18  }
0x218: {  	v19 =	vld [tilespmem:$0x3950];
	v0 =	vadd.f32 $1.000000010e-07, v0;
	v23 =	vmul.f32 v23, v9;
	v35 =	vmul.f32 v10, v20  }
0x219: {  	v21 =	vld [tilespmem:$0x3460];
	v4 =	vadd.f32 v22, v4;
	v7 =	vmul.f32 v7, v13;
	v13 =	vmul.f32 v14, v34  }
0x21a: {  	v41 =	vld [tilespmem:$0x3670];
	(erf) = vrcp.f32 v0;
	v23 =	vsub.f32 $1.500000000e+00, v23;
	v37 =	vmul.f32 v35, v10  }
0x21b: {  	v42 =	vld [tilespmem:$0x3770];
	v4 =	vadd.f32 v8, v4;
	v16 =	vmul.f32 v7, v16;
	v13 =	vsub.f32 $1.500000000e+00, v13  }
0x21c: {  	v44 =	vld [tilespmem:$0x3870];
	v6 =	vadd.f32 v12, v6;
	v9 =	vmul.f32 v23, v9;
	v23 =	vsub.f32 $1.500000000e+00, v37  }
0x21d: {  	v8 =	vld [tilespmem:$0x3270];
	v0 =	vadd.f32 v19, v4;
	v16 =	vmul.f32 v16, v7;
	v13 =	vmul.f32 v14, v13  }
0x21e: {  	v45 =	vld [tilespmem:$0x3280];
	v6 =	vadd.f32 v21, v6;
	v14 =	vmul.f32 v9, v17;
	v10 =	vmul.f32 v23, v10  }
0x21f: {  	v4 =	vld [tilespmem:$0x3470];
	v40 =	vmul.f32 $5.000000000e-01, v0;
	v19 =	vmul.f32 v13, v18;
	v23 =	vshrl.u32 v0, $0x1  }
0x220: {  	v46 =	vld [tilespmem:$0x33B0];
	v23 =	vsub.s32 $0x5F3759DF, v23;
	v14 =	vmul.f32 v14, v9;
	v20 =	vmul.f32 v10, v20  }
0x221: {  	v15 =	vld [tilespmem:$0x3560];
	v16 =	vsub.f32 $1.500000000e+00, v16;
	v19 =	vmul.f32 v19, v13;
	v43 =	vmul.f32 v23, v40  }
0x222: {  	v17 =	vld [tilespmem:$0x3570];
	v8 =	vadd.f32 v39, v8;
	v14 =	vsub.f32 $1.500000000e+00, v14;
	v20 =	vmul.f32 v20, v10  }
0x223: {  	v11 =	vld [tilespmem:$0x3660];
	v7 =	vmul.f32 v16, v7;
	v16 =	vsub.f32 $1.500000000e+00, v19;
	v19 =	vmul.f32 v23, v43  }
0x224: {  	v22 =	vld [tilespmem:$0x3860];
	v4 =	vadd.f32 v4, v8;
	v9 =	vmul.f32 v14, v9;
	v14 =	vsub.f32 $1.500000000e+00, v20  }
0x225: {  	v12 =	vld [tilespmem:$0x3970];
	v1 =	vmul.f32 v7, v1;
	v7 =	vmul.f32 v16, v13;
	v13 =	vsub.f32 $1.500000000e+00, v19  }
0x226: {  	v6 =	vadd.f32 v15, v6;
	v15 =	vld [tilespmem:$0x3680];
	v5 =	vmul.f32 v9, v5;
	v9 =	vmul.f32 v14, v10  }
0x227: {  	v4 =	vadd.f32 v17, v4;
	v20 =	vld [tilespmem:$0x3380];
	v14 =	vmul.f32 v7, v18;
	v13 =	vmul.f32 v23, v13  }
0x228: {  	v6 =	vadd.f32 v11, v6;
	v16 =	vld [tilespmem:$0x3480];
	v1 =	vadd.f32 $1.000000010e-07, v1;
	v2 =	vmul.f32 v9, v2  }
0x229: {  	v4 =	vadd.f32 v41, v4;
	v18 =	vld [tilespmem:$0x3290];
	v11 =	vmul.f32 v14, v7;
	v14 =	vmul.f32 v13, v40  }
0x22a: {  	(erf) = vrcp.f32 v1;
	v1 =	vadd.f32 v36, v6;
	v6 =	vld [tilespmem:$0x3390];
	v5 =	vadd.f32 $1.000000010e-07, v5  }
0x22b: {  	v10 =	vld [tilespmem:$0x3580];
	v2 =	vadd.f32 $1.000000010e-07, v2;
	v8 =	vsub.f32 $1.500000000e+00, v11;
	v11 =	vmul.f32 v14, v13  }
0x22c: {  	v4 =	vadd.f32 v42, v4;
	v1 =	vadd.f32 v22, v1;
	(erf) = vrcp.f32 v5;
	v5 =	vld [tilespmem:$0x3490]  }
0x22d: {  	v17 =	vld [tilespmem:$0x3980];
	(erf) = vrcp.f32 v2;
	v2 =	vsub.f32 $1.500000000e+00, v11;
	v11 =	vadd.f32 v20, v45  }
0x22e: {  	v4 =	vadd.f32 v44, v4;
	v1 =	vadd.f32 v38, v1;
	v7 =	vmul.f32 v8, v7;
	v8 =	vld [tilespmem:$0x3590]  }
0x22f: {  	v9 =	vld [tilespmem:$0x3780];
	v6 =	vadd.f32 v6, v18;
	v11 =	vadd.f32 v16, v11  }
0x230: {  	v18 =	vmul.f32 $5.000000000e-01, v1;
	v2 =	vmul.f32 v2, v13;
	v13 =	vld [tilespmem:$0x3690];
	v16 =	vshrl.u32 v1, $0x1  }
0x231: {  	v19 =	vld [tilespmem:$0x3790];
	v16 =	vsub.s32 $0x5F3759DF, v16;
	v5 =	vadd.f32 v5, v6;
	v10 =	vadd.f32 v10, v11  }
0x232: {  	v14 =	vld [tilespmem:$0x3880];
	v4 =	vadd.f32 v12, v4;
	v3 =	vmul.f32 v7, v3;
	v7 =	vmul.f32 v16, v18  }
0x233: {  	v12 =	vld [tilespmem:$0x33A0];
	v20 =	vmul.f32 v2, v40;
	v5 =	vadd.f32 v8, v5;
	v10 =	vadd.f32 v15, v10  }
0x234: {  	v6 =	vld [tilespmem:$0x3890];
	v3 =	vadd.f32 $1.000000010e-07, v3;
	v7 =	vmul.f32 v16, v7  }
0x235: {  	v11 =	vld [tilespmem:$0x3990];
	v15 =	vmul.f32 v20, v2;
	v5 =	vadd.f32 v13, v5;
	v9 =	vadd.f32 v9, v10  }
0x236: {  	v8 =	vld [tilespmem:$0x32A0];
	v20 =	vmul.f32 $5.000000000e-01, v4;
	v13 =	vshrl.u32 v4, $0x1;
	v7 =	vsub.f32 $1.500000000e+00, v7  }
0x237: {  	v50 =	vld [tilespmem:$0x34B0];
	v13 =	vsub.s32 $0x5F3759DF, v13;
	v5 =	vadd.f32 v19, v5;
	v9 =	vadd.f32 v14, v9  }
0x238: {  	v51 =	vld [tilespmem:$0x35B0];
	v7 =	vmul.f32 v16, v7;
	v16 =	vmul.f32 v13, v20  }
0x239: {  	v53 =	vld [tilespmem:$0x36B0];
	(erf) = vrcp.f32 v3;
	v5 =	vadd.f32 v6, v5;
	v3 =	vadd.f32 v17, v9  }
0x23a: {  	v55 =	vld [tilespmem:$0x38B0];
	v9 =	vsub.f32 $1.500000000e+00, v15;
	v15 =	vmul.f32 v7, v18;
	v16 =	vmul.f32 v13, v16  }
0x23b: {  	v58 =	vld [tilespmem:$0x36C0];
	v8 =	vadd.f32 v12, v8;
	v5 =	vadd.f32 v11, v5;
	v22 =	vshrl.u32 v3, $0x1  }
0x23c: {  	v10 =	vld [tilespmem:$0x34A0];
	v23 =	vmul.f32 $5.000000000e-01, v3;
	v15 =	vmul.f32 v15, v7;
	v16 =	vsub.f32 $1.500000000e+00, v16  }
0x23d: {  	v61 =	vld [tilespmem:$0x36D0];
	v2 =	vmul.f32 v9, v2;
	v22 =	vsub.s32 $0x5F3759DF, v22;
	v48 =	vshrl.u32 v5, $0x1  }
0x23e: {  	v21 =	vld [tilespmem:$0x35A0];
	v49 =	vmul.f32 $5.000000000e-01, v5;
	v47 =	vmul.f32 v22, v23;
	v15 =	vsub.f32 $1.500000000e+00, v15  }
0x23f: {  	v63 =	vld [tilespmem:$0x37D0];
	v13 =	vmul.f32 v13, v16;
	v16 =	vsub.s32 $0x5F3759DF, v48;
	v0 =	vmul.f32 v2, v0  }
0x240: {  	v14 =	vld [tilespmem:$0x36A0];
	v52 =	vmul.f32 v16, v49;
	v25 =	vmul.f32 v22, v47  }
0x241: {  	v11 =	vld [tilespmem:$0x32B0];
	v8 =	vadd.f32 v10, v8;
	v7 =	vmul.f32 v15, v7;
	v12 =	vmul.f32 v13, v20  }
0x242: {  	v19 =	vld [tilespmem:$0x37A0];
	v0 =	vadd.f32 $1.000000010e-07, v0;
	v54 =	vmul.f32 v16, v52;
	v15 =	vsub.f32 $1.500000000e+00, v25  }
0x243: {  	v6 =	vld [tilespmem:$0x38A0];
	v8 =	vadd.f32 v21, v8;
	v2 =	vmul.f32 v7, v18;
	v12 =	vmul.f32 v12, v13  }
0x244: {  	v17 =	vld [tilespmem:$0x39A0];
	(erf) = vrcp.f32 v0;
	v15 =	vmul.f32 v22, v15  }
0x245: {  	v21 =	vld [tilespmem:$0x33C0];
	v0 =	vadd.f32 v14, v8;
	v18 =	vsub.f32 $1.500000000e+00, v54;
	v2 =	vmul.f32 v2, v7  }
0x246: {  	v8 =	vadd.f32 v46, v11;
	v22 =	vld [tilespmem:$0x32C0];
	v12 =	vsub.f32 $1.500000000e+00, v12;
	v56 =	vmul.f32 v15, v23  }
0x247: {  	v10 =	vld [tilespmem:$0x39B0];
	v0 =	vadd.f32 v19, v0;
	v16 =	vmul.f32 v16, v18;
	v2 =	vsub.f32 $1.500000000e+00, v2  }
0x248: {  	v8 =	vadd.f32 v50, v8;
	v18 =	vld [tilespmem:$0x34C0];
	v12 =	vmul.f32 v12, v13;
	v14 =	vmul.f32 v56, v15  }
0x249: {  	v9 =	vld [tilespmem:$0x37B0];
	v0 =	vadd.f32 v6, v0;
	v57 =	vmul.f32 v16, v49;
	v2 =	vmul.f32 v2, v7  }
0x24a: {  	v11 =	vld [tilespmem:$0x35C0];
	v6 =	vadd.f32 v51, v8;
	v20 =	vmul.f32 v12, v20;
	v7 =	vsub.f32 $1.500000000e+00, v14  }
0x24b: {  	v19 =	vld [tilespmem:$0x38C0];
	v21 =	vadd.f32 v21, v22;
	v14 =	vmul.f32 v57, v16;
	v2 =	vmul.f32 v2, v1  }
0x24c: {  	v13 =	vld [tilespmem:$0x37C0];
	v1 =	vadd.f32 v17, v0;
	v0 =	vadd.f32 v53, v6;
	v7 =	vmul.f32 v7, v15  }
0x24d: {  	v20 =	vmul.f32 v20, v12;
	v6 =	vld [tilespmem:$0x33D0];
	v18 =	vadd.f32 v18, v21  }
0x24e: {  	v14 =	vsub.f32 $1.500000000e+00, v14;
	v15 =	vld [tilespmem:$0x32D0];
	v0 =	vadd.f32 v9, v0;
	v17 =	vmul.f32 v7, v23  }
0x24f: {  	v8 =	vld [tilespmem:$0x39C0];
	v59 =	vmul.f32 $5.000000000e-01, v1;
	v20 =	vsub.f32 $1.500000000e+00, v20;
	v2 =	vadd.f32 $1.000000010e-07, v2  }
0x250: {  	v14 =	vmul.f32 v14, v16;
	v16 =	vld [tilespmem:$0x34D0];
	v23 =	vshrl.u32 v1, $0x1;
	v17 =	vmul.f32 v17, v7  }
0x251: {  	v22 =	vld [tilespmem:$0x38D0];
	v0 =	vadd.f32 v55, v0;
	v12 =	vmul.f32 v20, v12;
	(erf) = vrcp.f32 v2  }
0x252: {  	v21 =	vld [tilespmem:$0x32E0];
	v23 =	vsub.s32 $0x5F3759DF, v23;
	v60 =	vmul.f32 v14, v49;
	v17 =	vsub.f32 $1.500000000e+00, v17  }
0x253: {  	v9 =	vld [tilespmem:$0x35D0];
	v62 =	vmul.f32 v23, v59;
	v4 =	vmul.f32 v12, v4;
	v6 =	vadd.f32 v6, v15  }
0x254: {  	v0 =	vadd.f32 v10, v0;
	v10 =	vld [tilespmem:$0x39D0];
	v26 =	vmul.f32 v60, v14;
	v7 =	vmul.f32 v17, v7  }
0x255: {  	v15 =	vld [tilespmem:$0x33E0];
	v20 =	vmul.f32 v23, v62;
	v4 =	vadd.f32 $1.000000010e-07, v4;
	v6 =	vadd.f32 v16, v6  }
0x256: {  	v16 =	vld [tilespmem:$0x33F0];
	v17 =	vsub.f32 $1.500000000e+00, v26;
	v3 =	vmul.f32 v7, v3;
	v7 =	vadd.f32 v11, v18  }
0x257: {  	v12 =	vsub.f32 $1.500000000e+00, v20;
	(erf) = vrcp.f32 v4;
	v11 =	vld [tilespmem:$0x32F0]  }
0x258: {  	v20 =	vld [tilespmem:$0x34E0];
	v6 =	vadd.f32 v9, v6;
	v14 =	vmul.f32 v17, v14;
	v7 =	vadd.f32 v58, v7  }
0x259: {  	v9 =	vld [tilespmem:$0x34F0];
	v12 =	vmul.f32 v23, v12;
	v17 =	vshrl.u32 v0, $0x1;
	v18 =	vmul.f32 $5.000000000e-01, v0  }
0x25a: {  	v15 =	vadd.f32 v15, v21;
	v17 =	vsub.s32 $0x5F3759DF, v17;
	v7 =	vadd.f32 v13, v7;
	v13 =	vld [tilespmem:$0x35E0]  }
0x25b: {  	v21 =	vld [tilespmem:$0x35F0];
	v6 =	vadd.f32 v61, v6;
	v5 =	vmul.f32 v14, v5;
	v14 =	vmul.f32 v17, v18  }
0x25c: {  	v23 =	vmul.f32 v12, v59;
	v3 =	vadd.f32 $1.000000010e-07, v3;
	v11 =	vadd.f32 v16, v11;
	v16 =	vld [tilespmem:$0x36E0]  }
0x25d: {  	v15 =	vadd.f32 v20, v15;
	v20 =	vld [tilespmem:$0x36F0];
	v14 =	vmul.f32 v17, v14;
	v5 =	vadd.f32 $1.000000010e-07, v5  }
0x25e: {  	(erf) = vrcp.f32 v3;
	v3 =	vadd.f32 v63, v6;
	v9 =	vadd.f32 v9, v11;
	v11 =	vld [tilespmem:$0x37E0]  }
0x25f: {  	v23 =	vmul.f32 v23, v12;
	v2 =	vsub.f32 $1.500000000e+00, v14;
	v14 =	vld [tilespmem:$0x37F0];
	v13 =	vadd.f32 v13, v15  }
0x260: {  	v7 =	vadd.f32 v19, v7;
	v15 =	vld [tilespmem:$0x38E0];
	v9 =	vadd.f32 v21, v9  }
0x261: {  	v4 =	vsub.f32 $1.500000000e+00, v23;
	(erf) = vrcp.f32 v5;
	v6 =	vadd.f32 v16, v13;
	v13 =	vld [tilespmem:$0x38F0]  }
0x262: {  	v2 =	vmul.f32 v17, v2;
	v7 =	vadd.f32 v8, v7;
	v8 =	vld [tilespmem:$0x39E0];
	v9 =	vadd.f32 v20, v9  }
0x263: {  	v3 =	vadd.f32 v22, v3;
	v4 =	vmul.f32 v4, v12;
	v5 =	vadd.f32 v11, v6;
	v6 =	vld [tilespmem:$0x39F0]  }
0x264: {  	v12 =	vshrl.u32 v7, $0x1;
	v16 =	vmul.f32 v2, v18;
	v9 =	vadd.f32 v14, v9  }
0x265: {  	v3 =	vadd.f32 v10, v3;
	v10 =	vsub.s32 $0x5F3759DF, v12;
	v5 =	vadd.f32 v15, v5  }
0x266: {  	v12 =	vmul.f32 $5.000000000e-01, v7;
	v11 =	vmul.f32 v16, v2;
	v9 =	vadd.f32 v13, v9  }
0x267: {  	v14 =	vmul.f32 $5.000000000e-01, v3;
	v13 =	vshrl.u32 v3, $0x1;
	v5 =	vadd.f32 v8, v5  }
0x268: {  	v8 =	vmul.f32 v10, v12;
	v13 =	vsub.s32 $0x5F3759DF, v13;
	v6 =	vadd.f32 v6, v9  }
0x269: {  	v9 =	vmul.f32 v13, v14;
	v15 =	vshrl.u32 v5, $0x1;
	v16 =	vmul.f32 $5.000000000e-01, v5  }
0x26a: {  	v15 =	vsub.s32 $0x5F3759DF, v15;
	v17 =	vshrl.u32 v6, $0x1;
	v19 =	vmul.f32 $5.000000000e-01, v6  }
0x26b: {  	v8 =	vmul.f32 v10, v8;
	v20 =	vmul.f32 v15, v16;
	v17 =	vsub.s32 $0x5F3759DF, v17  }
0x26c: {  	v9 =	vmul.f32 v13, v9;
	v21 =	vmul.f32 v17, v19  }
0x26d: {  	v22 =	vmul.f32 v4, v59;
	v8 =	vsub.f32 $1.500000000e+00, v8;
	v20 =	vmul.f32 v15, v20  }
0x26e: {  	v11 =	vsub.f32 $1.500000000e+00, v11;
	v9 =	vsub.f32 $1.500000000e+00, v9;
	v21 =	vmul.f32 v17, v21  }
0x26f: {  	v22 =	vmul.f32 v22, v4;
	v8 =	vmul.f32 v10, v8;
	v10 =	vsub.f32 $1.500000000e+00, v20  }
0x270: {  	v2 =	vmul.f32 v11, v2;
	v9 =	vmul.f32 v13, v9;
	v11 =	vsub.f32 $1.500000000e+00, v21  }
0x271: {  	v13 =	vmul.f32 v8, v12;
	v10 =	vmul.f32 v15, v10  }
0x272: {  	v15 =	vmul.f32 v9, v14;
	v11 =	vmul.f32 v17, v11  }
0x273: {  	v13 =	vmul.f32 v13, v8;
	v17 =	vsub.f32 $1.500000000e+00, v22;
	v20 =	vmul.f32 v10, v16  }
0x274: {  	v15 =	vmul.f32 v15, v9;
	v21 =	vmul.f32 v11, v19  }
0x275: {  	v13 =	vsub.f32 $1.500000000e+00, v13;
	v4 =	vmul.f32 v17, v4;
	v17 =	vmul.f32 v20, v10  }
0x276: {  	v18 =	vmul.f32 v2, v18;
	v15 =	vsub.f32 $1.500000000e+00, v15;
	v20 =	vmul.f32 v21, v11  }
0x277: {  	v1 =	vmul.f32 v4, v1;
	v4 =	vmul.f32 v13, v8;
	v8 =	vsub.f32 $1.500000000e+00, v17  }
0x278: {  	v13 =	vmul.f32 v18, v2;
	v9 =	vmul.f32 v15, v9;
	v15 =	vsub.f32 $1.500000000e+00, v20  }
0x279: {  	v12 =	vmul.f32 v4, v12;
	v8 =	vmul.f32 v8, v10  }
0x27a: {  	v13 =	vsub.f32 $1.500000000e+00, v13;
	v10 =	vmul.f32 v9, v14;
	v11 =	vmul.f32 v15, v11  }
0x27b: {  	v12 =	vmul.f32 v12, v4;
	v14 =	vmul.f32 v8, v16  }
0x27c: {  	v2 =	vmul.f32 v13, v2;
	v10 =	vmul.f32 v10, v9  }
0x27d: {  	s0 =	simm.s32 $0x0;
	v15 =	vmul.f32 v11, v19;
	v12 =	vsub.f32 $1.500000000e+00, v12;
	v13 =	vmul.f32 v14, v8  }
0x27e: {  	s2 =	sand.u32 $0x30, s0;
	s0 =	sand.u32 $0x7, s0;
	v1 =	vadd.f32 $1.000000010e-07, v1;
	v0 =	vmul.f32 v2, v0;
	v10 =	vsub.f32 $1.500000000e+00, v10  }
0x27f: {  	s0 =	sor.u32 s0, s2;
	v14 =	vmul.f32 v15, v11;
	v2 =	vmul.f32 v12, v4;
	v4 =	vsub.f32 $1.500000000e+00, v13  }
0x280: {  	s28 =	sshll.u32 s0, $0x7;
	(erf) = vrcp.f32 v1;
	v1 =	vmul.f32 v10, v9  }
0x281: {  	v12 =	vld [tilespmem:s28+$0x1900];
	v9 =	vsub.f32 $1.500000000e+00, v14;
	v2 =	vmul.f32 v2, v7;
	v4 =	vmul.f32 v4, v8  }
0x282: {  	v10 =	vld [tilespmem:s28+$0x1910];
	v3 =	vmul.f32 v1, v3  }
0x283: {  	v13 =	vadd.f32 $1.000000010e-07, v0;
	v7 =	vld [tilespmem:s28+$0x1920];
	v0 =	vpop (erf);
	v8 =	vmul.f32 v9, v11;
	v4 =	vmul.f32 v4, v5  }
0x284: {  	v11 =	vadd.f32 $1.000000010e-07, v2;
	v1 =	vpop (erf);
	v5 =	vadd.f32 $1.000000010e-07, v3  }
0x285: {  	(erf) = vrcp.f32 v13;
	v9 =	vld [tilespmem:s28+$0x1930];
	v2 =	vpop (erf);
	v6 =	vmul.f32 v8, v6  }
0x286: {  	v8 =	vmul.f32 v12, v0;
	(erf) = vrcp.f32 v11;
	v3 =	vpop (erf);
	v11 =	vadd.f32 $1.000000010e-07, v4  }
0x287: {  	v10 =	vmul.f32 v10, v1;
	(erf) = vrcp.f32 v5;
	v14 =	vadd.f32 $1.000000010e-07, v6;
	v4 =	vpop (erf)  }
0x288: {  	v13 =	vld [tilespmem:s28+$0x1940];
	[tilespmem:s28+$0x1900] =	vst v8;
	v8 =	vmul.f32 v7, v2;
	(erf) = vrcp.f32 v11;
	v5 =	vpop (erf)  }
0x289: {  	v12 =	vld [tilespmem:s28+$0x1950];
	(erf) = vrcp.f32 v14;
	v6 =	vpop (erf)  }
0x28a: {  	[tilespmem:s28+$0x1910] =	vst v10;
	v10 =	vmul.f32 v9, v3;
	v15 =	vpop (erf)  }
0x28b: {  	v7 =	vpop (erf)  }
0x28c: {  	v20 =	vld [tilespmem:s28+$0x1960];
	[tilespmem:s28+$0x1920] =	vst v8;
	v8 =	vpop (erf)  }
0x28d: {  	v21 =	vld [tilespmem:s28+$0x1970];
	v13 =	vmul.f32 v13, v4;
	v9 =	vpop (erf)  }
0x28e: {  	v16 =	vld [tilespmem:s28+$0x1D00];
	[tilespmem:s28+$0x1930] =	vst v10;
	v14 =	vmul.f32 v12, v5;
	v10 =	vpop (erf)  }
0x28f: {  	v17 =	vld [tilespmem:s28+$0x1D10];
	v11 =	vpop (erf)  }
0x290: {  	v18 =	vld [tilespmem:s28+$0x1D20];
	v12 =	vpop (erf)  }
0x291: {  	v19 =	vld [tilespmem:s28+$0x1D30];
	[tilespmem:s28+$0x1940] =	vst v13;
	v22 =	vmul.f32 v20, v6;
	v13 =	vpop (erf)  }
0x292: {  	s29 =	simm.s32 $0x1;
	s0 =	simm.s32 $0x2;
	v20 =	vld [tilespmem:s28+$0x1D40];
	[tilespmem:s28+$0x1950] =	vst v14;
	v21 =	vmul.f32 v21, v15;
	v14 =	vpop (erf)  }
.LBB2_16:
0x293: {  	s2 =	sand.u32 $0x30, s0;
	s13 =	sand.u32 $0x7, s29;
	p0 =	sne.s32 s29, $0x17;
	[tilespmem:s28+$0x1960] =	vst v22;
	v16 =	vmul.f32 v16, v7;
	v22 =	vld [tilespmem:s28+$0x1D50]  }
0x294: {  	s2 =	sor.u32 s13, s2;
	[tilespmem:s28+$0x1970] =	vst v21;
	v17 =	vmul.f32 v17, v8;
	v21 =	vld [tilespmem:s28+$0x1D60]  }
0x295: {  	s2 =	sshll.u32 s2, $0x7;
	[tilespmem:s28+$0x1D00] =	vst v16;
	v16 =	vmul.f32 v18, v9;
	v18 =	vld [tilespmem:s28+$0x1D70]  }
0x296: {  	v23 =	vld [tilespmem:s2+$0x1900];
	[tilespmem:s28+$0x1D10] =	vst v17;
	v17 =	vmul.f32 v19, v10  }
0x297: {  	v19 =	vld [tilespmem:s2+$0x1910];
	[tilespmem:s28+$0x1D20] =	vst v16;
	v16 =	vmul.f32 v20, v11  }
0x298: {  	v20 =	vld [tilespmem:s2+$0x1920];
	[tilespmem:s28+$0x1D30] =	vst v17;
	v17 =	vmul.f32 v22, v12  }
0x299: {  	v22 =	vld [tilespmem:s2+$0x1930];
	[tilespmem:s28+$0x1D40] =	vst v16;
	v16 =	vmul.f32 v21, v13  }
0x29a: {  	v21 =	vld [tilespmem:s2+$0x1940];
	[tilespmem:s28+$0x1D50] =	vst v17;
	v17 =	vmul.f32 v18, v14  }
0x29b: {  	v18 =	vmul.f32 v23, v0;
	v23 =	vld [tilespmem:s2+$0x1950];
	[tilespmem:s28+$0x1D60] =	vst v16  }
0x29c: {  	v16 =	vmul.f32 v19, v1;
	v19 =	vld [tilespmem:s2+$0x1960];
	[tilespmem:s28+$0x1D70] =	vst v17;
	s28 =	smov.u32 s2  }
0x29d: {  	[tilespmem:s28+$0x1900] =	vst v18;
	v17 =	vmul.f32 v20, v2;
	v20 =	vld [tilespmem:s28+$0x1970]  }
.Ltmp7:
0x29e: {  	[tilespmem:s28+$0x1910] =	vst v16;
	v18 =	vmul.f32 v22, v3;
	v16 =	vld [tilespmem:s28+$0x1D00];
	(pc) =	sbr.rel @p0 .LBB2_16-.Ltmp7, $4  }
0x29f: {  	[tilespmem:s28+$0x1920] =	vst v17;
	v21 =	vmul.f32 v21, v4;
	v17 =	vld [tilespmem:s28+$0x1D10]  }
0x2a0: {  	[tilespmem:s28+$0x1930] =	vst v18;
	v23 =	vmul.f32 v23, v5;
	v18 =	vld [tilespmem:s28+$0x1D20]  }
0x2a1: {  	[tilespmem:s28+$0x1940] =	vst v21;
	v22 =	vmul.f32 v19, v6;
	v19 =	vld [tilespmem:s28+$0x1D30]  }
0x2a2: {  	s0 =	sadd.s32 $0x2, s0;
	s29 =	sadd.s32 $0x1, s29;
	[tilespmem:s28+$0x1950] =	vst v23;
	v21 =	vmul.f32 v20, v15;
	v20 =	vld [tilespmem:s28+$0x1D40]  }
0x2a3: {  	[tilespmem:s28+$0x1960] =	vst v22;
	v0 =	vld [tilespmem:s28+$0x1D50];
	v1 =	vmul.f32 v16, v7  }
0x2a4: {  	v2 =	vld [tilespmem:s28+$0x1D60];
	[tilespmem:s28+$0x1970] =	vst v21;
	v3 =	vmul.f32 v17, v8  }
0x2a5: {  	v4 =	vld [tilespmem:s28+$0x1D70];
	[tilespmem:s28+$0x1D00] =	vst v1;
	v59 =	vmul.f32 v18, v9  }
0x2a6: {  	[tilespmem:s28+$0x1D10] =	vst v3;
	v60 =	vmul.f32 v19, v10  }
0x2a7: {  	[tilespmem:s28+$0x1D20] =	vst v59;
	v61 =	vmul.f32 v20, v11  }
0x2a8: {  	[tilespmem:s28+$0x1D30] =	vst v60;
	v0 =	vmul.f32 v0, v12  }
0x2a9: {  	v62 =	vmul.f32 v2, v13;
	[tilespmem:s28+$0x1D40] =	vst v61  }
0x2aa: {  	s26 =	sadd.s32 $0x1, s26;
	v63 =	vmul.f32 v4, v14;
	[tilespmem:s28+$0x1D50] =	vst v0  }
0x2ab: {  	p0 =	sne.s32 s26, s12;
	[tilespmem:s28+$0x1D60] =	vst v62  }
.Ltmp8:
0x2ac: {  	[tilespmem:s28+$0x1D70] =	vst v63;
	(pc) =	sbr.rel @p0 .LBB2_1-.Ltmp8, $4  }
0x2ad: {  	[hbm4b:s11+s3] =	stream.linear.scatter [tilespmem:s17], [sflag:$0x4], $0x1800, $0x38;
	[tilespmem:$0x3B00] =	vst v63  }
0x2ae: {  	_ =	swait.ge [sflag:s24], $0x1800  }
0x2af: {  	[sflag:s24] =	ssyncset.done $0x0  }
0x2b0: {  	[sflag:s24] =	ssyncadd.s32 $0xFFFFE800  }
0x2b1: {  	_ =	sfence.sel $0x180000  }
0x2b2: {  	[bflag:$0x0] =	sbarrier.arrive $0xFFFF  }
0x2b3: {  	_ =	strace $0x90000047  }
0x2b4: {  	s0 =	stileid.u32;
	[bflag:$0x2] =	sbarrier.arrive $0xFFFF  }
0x2b5: {  	p0 =	sne.s32 s0, $0x0;
	s0 =	rddreg [dreg:$0x4]  }
0x2b6: {  	s0 =	sadd.s32 @!p0 $0x100000, s0  }
0x2b7: {  	[sflag:s0] =	ssyncadd.tile.s32 @!p0 $0x1;
	_ =	shalt  }
.Lfunc_end2:
_tile_overlayer_lowered:
.L_overlay_start_2:
0x2b8: {  	(tag) =	ssettag $0x2  }
0x2b9: {  	s0 =	rddreg [dreg:$0x0];
	s2 =	stileid.u32  }
0x2ba: {  	s1 =	rddreg [dreg:$0x1];
	p0 =	sne.s32 s2, $0x0  }
0x2bb: {  	s3 =	rddreg [dreg:$0x2];
	[bflag:$0x3] =	sbarrier.arrive $0xFFFF;
	s2 =	simm.s32 @!p0 $0x1C04  }
0x2bc: {  	[timem:s3], [sflag:s2] =	dma.local @!p0 [hbm:s0], s1  }
0x2bd: {  	s0 =	simm.s32 @!p0 $0x4  }
0x2be: {  	_ =	swait.ge @!p0 [sflag:s0], s1  }
0x2bf: {  	s1 =	ssub.s32 @!p0 $0x0, s1;
	[sflag:s0] =	ssyncset.done @!p0 $0x0  }
0x2c0: {  	[sflag:s0] =	ssyncadd.s32 @!p0 s1  }
0x2c1: {  	[bflag:$0x3] =	sbarrier.arrive $0xFFFF  }
0x2c2: {  	_ =	shalt  }

</sc_bundles>
